<compile_context>
chip_gen: v7x
topology: tpu7x:2x2x1
jax: 0.10.2.dev20260603
libtpu: 0.0.44.dev20260713+nightly
codegen_flags: <defaults>
</compile_context>

<pallas_src>
import functools

import jax
import jax.numpy as jnp
from jax import lax
from jax.experimental import pallas as pl
from jax.experimental.pallas import tpu as pltpu
from jax.experimental.pallas import tpu_sc as plsc

N = 4096
D = 256
ALPHA = 0.2

_NC = 2
_NS = 16
_L = 16
_NW = _NC * _NS
_BW = N // _NW
_NB = 4
_RB = _BW // _NB

_ROWS_BLK = 2048


def _tc_body(x_ref, w_ref, a_ref, wx_ref, p_ref, q_ref):
    wx = lax.dot_general(x_ref[...], w_ref[...], (((1,), (1,)), ((), ())),
                         preferred_element_type=jnp.float32)
    wx_ref[...] = wx
    a2 = a_ref[...].reshape(2, D)
    pq = lax.dot_general(a2, wx, (((1,), (1,)), ((), ())),
                         preferred_element_type=jnp.float32)
    p_ref[...] = pq[0]
    q_ref[...] = pq[1]


def _tc_matmuls(x, W, A):
    grid = (N // _ROWS_BLK,)
    return pl.pallas_call(
        _tc_body,
        grid=grid,
        in_specs=[
            pl.BlockSpec((_ROWS_BLK, D), lambda i: (i, 0)),
            pl.BlockSpec((D, D), lambda i: (0, 0)),
            pl.BlockSpec((1, 2 * D), lambda i: (0, 0)),
        ],
        out_specs=[
            pl.BlockSpec((_ROWS_BLK, D), lambda i: (i, 0)),
            pl.BlockSpec((_ROWS_BLK,), lambda i: (i,)),
            pl.BlockSpec((_ROWS_BLK,), lambda i: (i,)),
        ],
        out_shape=[
            jax.ShapeDtypeStruct((N, D), jnp.float32),
            jax.ShapeDtypeStruct((N,), jnp.float32),
            jax.ShapeDtypeStruct((N,), jnp.float32),
        ],
        compiler_params=pltpu.CompilerParams(
            dimension_semantics=("parallel",)),
    )(x, W, A)


def _sc_body(wx_hbm, gov_hbm, p_hbm, q_hbm, out_hbm,
             gov_chunk, gg_v, pg_v, q_chunk, coeff_v,
             rows_g, rows_l,
             sem_i, sem_f, sem_s, sems_l, sems_g):
    wid = lax.axis_index("s") * _NC + lax.axis_index("c")
    base = wid * _BW

    cp_gc = pltpu.async_copy(gov_hbm.at[pl.ds(base, _BW)], gov_chunk, sem_i)
    cp_q = pltpu.async_copy(q_hbm.at[pl.ds(base, _BW)], q_chunk, sem_f)
    cp_l = [
        pltpu.async_copy(wx_hbm.at[pl.ds(base + b * _RB, _RB)],
                         rows_l.at[pl.ds(b * _RB, _RB)], sems_l[b])
        for b in range(_NB)
    ]
    cp_gc.wait()
    cp_gg = pltpu.async_copy(gov_hbm.at[gov_chunk], gg_v, sem_i)
    cp_pg = pltpu.async_copy(p_hbm.at[gov_chunk], pg_v, sem_f)

    cp_gg.wait()
    cp_g = [
        pltpu.async_copy(wx_hbm.at[gg_v.at[pl.ds(b * _RB, _RB)]],
                         rows_g.at[pl.ds(b * _RB, _RB)], sems_g[b])
        for b in range(_NB)
    ]

    cp_pg.wait()
    cp_q.wait()
    for v in range(_BW // _L):
        sl = pl.ds(v * _L, _L)
        e = pg_v[sl] + q_chunk[sl]
        coeff_v[sl] = jnp.where(e > 0, jnp.float32(1.0), jnp.float32(1.0 / N))

    def row_body(r, carry):
        cf = plsc.load_gather(coeff_v, [jnp.full((_L,), r, jnp.int32)])
        for c in range(D // _L):
            sl = pl.ds(c * _L, _L)
            h = rows_g[r, sl] + cf * rows_l[r, sl]
            rows_g[r, sl] = jnp.maximum(h, ALPHA * h)
        return carry

    cp_s = []
    for b in range(_NB):
        cp_g[b].wait()
        cp_l[b].wait()
        lax.fori_loop(b * _RB, (b + 1) * _RB, row_body, 0)
        cp_s.append(pltpu.async_copy(
            rows_g.at[pl.ds(b * _RB, _RB)],
            out_hbm.at[gov_chunk.at[pl.ds(b * _RB, _RB)]], sem_s))
    for b in range(_NB):
        cp_s[b].wait()


_sc_combine = functools.partial(
    pl.kernel,
    out_type=jax.ShapeDtypeStruct((N, D), jnp.float32),
    mesh=plsc.VectorSubcoreMesh(core_axis_name="c", subcore_axis_name="s",
                                num_cores=_NC, num_subcores=_NS),
    scratch_types=[
        pltpu.VMEM((_BW,), jnp.int32),
        pltpu.VMEM((_BW,), jnp.int32),
        pltpu.VMEM((_BW,), jnp.float32),
        pltpu.VMEM((_BW,), jnp.float32),
        pltpu.VMEM((_BW,), jnp.float32),
        pltpu.VMEM((_BW, D), jnp.float32),
        pltpu.VMEM((_BW, D), jnp.float32),
        pltpu.SemaphoreType.DMA,
        pltpu.SemaphoreType.DMA,
        pltpu.SemaphoreType.DMA,
        [pltpu.SemaphoreType.DMA] * _NB,
        [pltpu.SemaphoreType.DMA] * _NB,
    ],
    compiler_params=pltpu.CompilerParams(needs_layout_passes=False),
)(_sc_body)


@jax.jit
def kernel(x, dependency_triples, W, A):
    wx, p, q = _tc_matmuls(x, W, A)
    gov = dependency_triples[:, 2].astype(jnp.int32)
    return _sc_combine(wx, gov, p, q)

# --- scband reference (transcript-rebuilt; emitter-appended) ---
"""Pipeline reference for scband-dependency-gat-31086973288805 (READ-ONLY COPY).

The authoritative reference and input builder live on the scoring server;
editing this copy changes nothing except your own understanding.
"""

import jax, jax.numpy as jnp
import numpy as np

N = 4096
IN_DIM = 256
OUT_DIM = 256
ALPHA = 0.2


def setup_inputs(seed: int = 0) -> dict:
    key = jax.random.key(seed)
    k1, k2, k3, k4, k5 = jax.random.split(key, 5)
    x = jax.random.normal(k1, (N, IN_DIM), dtype=jnp.float32)
    # Structured dependency triples: (dependent, relation_id, governor).
    # Dependents are exactly 0..N-1 (each node is a dependent exactly once) and
    # governors form a permutation (each node governs exactly one dependent).
    # This guarantees the original module's dict-based accumulation is well-defined
    # (every governor key exists in h_dict, every row of e_tensor is softmaxed exactly once).
    dep = jnp.arange(N)
    rel = jax.random.randint(k2, (N,), 0, 8)
    gov = jax.random.permutation(k3, N)
    dependency_triples = jnp.stack([dep, rel, gov], axis=1)
    # Learned parameters, sized per init_kwargs (torch nn.Linear convention: [out, in], no bias)
    W = jax.random.normal(k4, (OUT_DIM, IN_DIM), dtype=jnp.float32) * (1.0 / np.sqrt(IN_DIM))
    A = jax.random.normal(k5, (1, 2 * OUT_DIM), dtype=jnp.float32) * (1.0 / np.sqrt(2 * OUT_DIM))
    return {"x": x, "dependency_triples": dependency_triples, "W": W, "A": A}


def reference(x, dependency_triples, W, A):
    n = x.shape[0]
    dep = dependency_triples[:, 0]
    gov = dependency_triples[:, 2]
    # shared linear transform: Wx[i] = weight(x[i])
    Wx = x @ W.T
    # self_loop: h_dict[dependent] = weight(x[governor])  (dependents are unique -> scatter-set)
    h = jnp.zeros((n, W.shape[0]), dtype=x.dtype).at[dep].set(Wx[gov])
    # attention logits: e[gov, dep] = attn_weight(cat(Wx[gov], Wx[dep]))
    e_vals = (jnp.concatenate([Wx[gov], Wx[dep]], axis=-1) @ A.T)[:, 0]
    e = jnp.zeros((n, n), dtype=x.dtype).at[gov, dep].set(e_vals)
    # mask non-positive entries then row-softmax (each governor row processed exactly once
    # because governors form a permutation, matching the sequential loop semantics)
    masked = jnp.where(e > 0, e, jnp.full_like(e, -1e18))
    attn = jax.nn.softmax(masked, axis=1)
    # message aggregation: h[gov] += attn[gov, dep] * Wx[dep]  (no collisions: gov is a permutation)
    contrib = attn[gov, dep][:, None] * Wx[dep]
    h = h.at[gov].add(contrib)
    # output order of h_dict.values() is dependent id 0..N-1, so h is already ordered
    out = jnp.where(h > 0, h, ALPHA * h)  # LeakyReLU(alpha)
    return out

if __name__ == "__main__":
    import jax
    _d = setup_inputs()
    print(jax.jit(kernel)(*tuple(_d.values())))

</pallas_src>

<mosaic_0001>
#map = affine_map<(d0, d1) -> (0, 0)>
#map1 = affine_map<(d0, d1) -> (0)>
module attributes {stable_mosaic.version = 14 : i64} {
  func.func @_sc_body(%arg0: i32, %arg1: i32, %arg2: memref<4096x256xf32, #tpu.memory_space<hbm>>, %arg3: memref<4096xi32, #tpu.memory_space<hbm>>, %arg4: memref<4096xf32, #tpu.memory_space<hbm>>, %arg5: memref<4096xf32, #tpu.memory_space<hbm>>, %arg6: memref<4096x256xf32, #tpu.memory_space<hbm>>, %arg7: memref<128xi32, #tpu.memory_space<vmem>>, %arg8: memref<128xi32, #tpu.memory_space<vmem>>, %arg9: memref<128xf32, #tpu.memory_space<vmem>>, %arg10: memref<128xf32, #tpu.memory_space<vmem>>, %arg11: memref<128xf32, #tpu.memory_space<vmem>>, %arg12: memref<128x256xf32, #tpu.memory_space<vmem>>, %arg13: memref<128x256xf32, #tpu.memory_space<vmem>>, %arg14: memref<!tpu.dma_semaphore, #tpu.memory_space<semaphore_mem>>, %arg15: memref<!tpu.dma_semaphore, #tpu.memory_space<semaphore_mem>>, %arg16: memref<!tpu.dma_semaphore, #tpu.memory_space<semaphore_mem>>, %arg17: memref<!tpu.dma_semaphore, #tpu.memory_space<semaphore_mem>>, %arg18: memref<!tpu.dma_semaphore, #tpu.memory_space<semaphore_mem>>, %arg19: memref<!tpu.dma_semaphore, #tpu.memory_space<semaphore_mem>>, %arg20: memref<!tpu.dma_semaphore, #tpu.memory_space<semaphore_mem>>, %arg21: memref<!tpu.dma_semaphore, #tpu.memory_space<semaphore_mem>>, %arg22: memref<!tpu.dma_semaphore, #tpu.memory_space<semaphore_mem>>, %arg23: memref<!tpu.dma_semaphore, #tpu.memory_space<semaphore_mem>>, %arg24: memref<!tpu.dma_semaphore, #tpu.memory_space<semaphore_mem>>) attributes {dimension_semantics = [#tpu.dimension_semantics<core_parallel>, #tpu.dimension_semantics<subcore_parallel>], iteration_bounds = array<i64: 2, 16>, scalar_prefetch = 0 : i64, scratch_operands = 18 : i64, tpu.core_type = #tpu.core_type<sc_vector_subcore>, window_params = [{transform_indices = #map}, {transform_indices = #map1}, {transform_indices = #map1}, {transform_indices = #map1}, {transform_indices = #map}]} {
    %mul3A = arith.constant 2 : i32
    %mul3A_0 = arith.muli %arg1, %mul3A : i32
    %add3A = arith.addi %mul3A_0, %arg0 : i32
    %mul3A_1 = arith.constant 128 : i32
    %mul3A_2 = arith.muli %add3A, %mul3A_1 : i32
    %dma_start3A = tpu.memref_slice %arg3[%mul3A_2] : memref<4096xi32, #tpu.memory_space<hbm>> -> memref<128xi32, #tpu.memory_space<hbm>>
    %dma_start3A_3 = tpu.memref_slice %arg3[%mul3A_2] : memref<4096xi32, #tpu.memory_space<hbm>> -> memref<128xi32, #tpu.memory_space<hbm>>
    tpu.enqueue_dma source(%dma_start3A_3 : memref<128xi32, #tpu.memory_space<hbm>>) target(%arg7 : memref<128xi32, #tpu.memory_space<vmem>>) target_semaphore(%arg14 : memref<!tpu.dma_semaphore, #tpu.memory_space<semaphore_mem>>)
    %dma_start3A_4 = tpu.memref_slice %arg5[%mul3A_2] : memref<4096xf32, #tpu.memory_space<hbm>> -> memref<128xf32, #tpu.memory_space<hbm>>
    %dma_start3A_5 = tpu.memref_slice %arg5[%mul3A_2] : memref<4096xf32, #tpu.memory_space<hbm>> -> memref<128xf32, #tpu.memory_space<hbm>>
    tpu.enqueue_dma source(%dma_start3A_5 : memref<128xf32, #tpu.memory_space<hbm>>) target(%arg10 : memref<128xf32, #tpu.memory_space<vmem>>) target_semaphore(%arg15 : memref<!tpu.dma_semaphore, #tpu.memory_space<semaphore_mem>>)
    %add3A_6 = arith.constant 0 : i32
    %add3A_7 = arith.addi %mul3A_2, %add3A_6 : i32
    %dma_start3A_8 = arith.constant 0 : i32
    %dma_start3A_9 = arith.constant 0 : i32
    %dma_start3A_10 = tpu.memref_slice %arg13[%dma_start3A_8, %dma_start3A_9] : memref<128x256xf32, #tpu.memory_space<vmem>> -> memref<32x256xf32, #tpu.memory_space<vmem>>
    %dma_start3A_11 = arith.constant 0 : i32
    %dma_start3A_12 = tpu.memref_slice %arg2[%add3A_7, %dma_start3A_11] : memref<4096x256xf32, #tpu.memory_space<hbm>> -> memref<32x256xf32, #tpu.memory_space<hbm>>
    %dma_start3A_13 = arith.constant 0 : i32
    %dma_start3A_14 = arith.constant 0 : i32
    %dma_start3A_15 = tpu.memref_slice %arg13[%dma_start3A_13, %dma_start3A_14] : memref<128x256xf32, #tpu.memory_space<vmem>> -> memref<32x256xf32, #tpu.memory_space<vmem>>
    %dma_start3A_16 = arith.constant 0 : i32
    %dma_start3A_17 = tpu.memref_slice %arg2[%add3A_7, %dma_start3A_16] : memref<4096x256xf32, #tpu.memory_space<hbm>> -> memref<32x256xf32, #tpu.memory_space<hbm>>
    tpu.enqueue_dma source(%dma_start3A_17 : memref<32x256xf32, #tpu.memory_space<hbm>>) target(%dma_start3A_15 : memref<32x256xf32, #tpu.memory_space<vmem>>) target_semaphore(%arg17 : memref<!tpu.dma_semaphore, #tpu.memory_space<semaphore_mem>>)
    %add3A_18 = arith.constant 32 : i32
    %add3A_19 = arith.addi %mul3A_2, %add3A_18 : i32
    %dma_start3A_20 = arith.constant 32 : i32
    %dma_start3A_21 = arith.constant 0 : i32
    %dma_start3A_22 = tpu.memref_slice %arg13[%dma_start3A_20, %dma_start3A_21] : memref<128x256xf32, #tpu.memory_space<vmem>> -> memref<32x256xf32, #tpu.memory_space<vmem>>
    %dma_start3A_23 = arith.constant 0 : i32
    %dma_start3A_24 = tpu.memref_slice %arg2[%add3A_19, %dma_start3A_23] : memref<4096x256xf32, #tpu.memory_space<hbm>> -> memref<32x256xf32, #tpu.memory_space<hbm>>
    %dma_start3A_25 = arith.constant 32 : i32
    %dma_start3A_26 = arith.constant 0 : i32
    %dma_start3A_27 = tpu.memref_slice %arg13[%dma_start3A_25, %dma_start3A_26] : memref<128x256xf32, #tpu.memory_space<vmem>> -> memref<32x256xf32, #tpu.memory_space<vmem>>
    %dma_start3A_28 = arith.constant 0 : i32
    %dma_start3A_29 = tpu.memref_slice %arg2[%add3A_19, %dma_start3A_28] : memref<4096x256xf32, #tpu.memory_space<hbm>> -> memref<32x256xf32, #tpu.memory_space<hbm>>
    tpu.enqueue_dma source(%dma_start3A_29 : memref<32x256xf32, #tpu.memory_space<hbm>>) target(%dma_start3A_27 : memref<32x256xf32, #tpu.memory_space<vmem>>) target_semaphore(%arg18 : memref<!tpu.dma_semaphore, #tpu.memory_space<semaphore_mem>>)
    %add3A_30 = arith.constant 64 : i32
    %add3A_31 = arith.addi %mul3A_2, %add3A_30 : i32
    %dma_start3A_32 = arith.constant 64 : i32
    %dma_start3A_33 = arith.constant 0 : i32
    %dma_start3A_34 = tpu.memref_slice %arg13[%dma_start3A_32, %dma_start3A_33] : memref<128x256xf32, #tpu.memory_space<vmem>> -> memref<32x256xf32, #tpu.memory_space<vmem>>
    %dma_start3A_35 = arith.constant 0 : i32
    %dma_start3A_36 = tpu.memref_slice %arg2[%add3A_31, %dma_start3A_35] : memref<4096x256xf32, #tpu.memory_space<hbm>> -> memref<32x256xf32, #tpu.memory_space<hbm>>
    %dma_start3A_37 = arith.constant 64 : i32
    %dma_start3A_38 = arith.constant 0 : i32
    %dma_start3A_39 = tpu.memref_slice %arg13[%dma_start3A_37, %dma_start3A_38] : memref<128x256xf32, #tpu.memory_space<vmem>> -> memref<32x256xf32, #tpu.memory_space<vmem>>
    %dma_start3A_40 = arith.constant 0 : i32
    %dma_start3A_41 = tpu.memref_slice %arg2[%add3A_31, %dma_start3A_40] : memref<4096x256xf32, #tpu.memory_space<hbm>> -> memref<32x256xf32, #tpu.memory_space<hbm>>
    tpu.enqueue_dma source(%dma_start3A_41 : memref<32x256xf32, #tpu.memory_space<hbm>>) target(%dma_start3A_39 : memref<32x256xf32, #tpu.memory_space<vmem>>) target_semaphore(%arg19 : memref<!tpu.dma_semaphore, #tpu.memory_space<semaphore_mem>>)
    %add3A_42 = arith.constant 96 : i32
    %add3A_43 = arith.addi %mul3A_2, %add3A_42 : i32
    %dma_start3A_44 = arith.constant 96 : i32
    %dma_start3A_45 = arith.constant 0 : i32
    %dma_start3A_46 = tpu.memref_slice %arg13[%dma_start3A_44, %dma_start3A_45] : memref<128x256xf32, #tpu.memory_space<vmem>> -> memref<32x256xf32, #tpu.memory_space<vmem>>
    %dma_start3A_47 = arith.constant 0 : i32
    %dma_start3A_48 = tpu.memref_slice %arg2[%add3A_43, %dma_start3A_47] : memref<4096x256xf32, #tpu.memory_space<hbm>> -> memref<32x256xf32, #tpu.memory_space<hbm>>
    %dma_start3A_49 = arith.constant 96 : i32
    %dma_start3A_50 = arith.constant 0 : i32
    %dma_start3A_51 = tpu.memref_slice %arg13[%dma_start3A_49, %dma_start3A_50] : memref<128x256xf32, #tpu.memory_space<vmem>> -> memref<32x256xf32, #tpu.memory_space<vmem>>
    %dma_start3A_52 = arith.constant 0 : i32
    %dma_start3A_53 = tpu.memref_slice %arg2[%add3A_43, %dma_start3A_52] : memref<4096x256xf32, #tpu.memory_space<hbm>> -> memref<32x256xf32, #tpu.memory_space<hbm>>
    tpu.enqueue_dma source(%dma_start3A_53 : memref<32x256xf32, #tpu.memory_space<hbm>>) target(%dma_start3A_51 : memref<32x256xf32, #tpu.memory_space<vmem>>) target_semaphore(%arg20 : memref<!tpu.dma_semaphore, #tpu.memory_space<semaphore_mem>>)
    %dma_wait3A = tpu.memref_slice %arg3[%mul3A_2] : memref<4096xi32, #tpu.memory_space<hbm>> -> memref<128xi32, #tpu.memory_space<hbm>>
    %dma_wait3A_54 = tpu.memref_slice %arg3[%mul3A_2] : memref<4096xi32, #tpu.memory_space<hbm>> -> memref<128xi32, #tpu.memory_space<hbm>>
    tpu.wait_dma2 semaphore(%arg14 : memref<!tpu.dma_semaphore, #tpu.memory_space<semaphore_mem>>) src(%dma_wait3A_54 : memref<128xi32, #tpu.memory_space<hbm>>) dst(%arg7 : memref<128xi32, #tpu.memory_space<vmem>>)
    %dma_start3A_55 = arith.constant 0 : i32
    %dma_start3A_56 = tpu.memref_slice %arg3[%dma_start3A_55] : memref<4096xi32, #tpu.memory_space<hbm>> -> memref<4096xi32, #tpu.memory_space<hbm>>
    tpu.enqueue_indirect_dma source(%dma_start3A_56 : memref<4096xi32, #tpu.memory_space<hbm>>) target(%arg8 : memref<128xi32, #tpu.memory_space<vmem>>) offsets(%arg7 : memref<128xi32, #tpu.memory_space<vmem>>) semaphore(%arg14 : memref<!tpu.dma_semaphore, #tpu.memory_space<semaphore_mem>>)
    %dma_start3A_57 = arith.constant 0 : i32
    %dma_start3A_58 = tpu.memref_slice %arg4[%dma_start3A_57] : memref<4096xf32, #tpu.memory_space<hbm>> -> memref<4096xf32, #tpu.memory_space<hbm>>
    tpu.enqueue_indirect_dma source(%dma_start3A_58 : memref<4096xf32, #tpu.memory_space<hbm>>) target(%arg9 : memref<128xf32, #tpu.memory_space<vmem>>) offsets(%arg7 : memref<128xi32, #tpu.memory_space<vmem>>) semaphore(%arg15 : memref<!tpu.dma_semaphore, #tpu.memory_space<semaphore_mem>>)
    %dma_wait3A_59 = arith.constant 0 : i32
    %dma_wait3A_60 = tpu.memref_slice %arg3[%dma_wait3A_59] : memref<4096xi32, #tpu.memory_space<hbm>> -> memref<4096xi32, #tpu.memory_space<hbm>>
    tpu.wait_indirect_dma semaphore(%arg14 : memref<!tpu.dma_semaphore, #tpu.memory_space<semaphore_mem>>) src(%dma_wait3A_60 : memref<4096xi32, #tpu.memory_space<hbm>>) dst(%arg8 : memref<128xi32, #tpu.memory_space<vmem>>)
    %dma_start3A_61 = arith.constant 0 : i32
    %dma_start3A_62 = arith.constant 0 : i32
    %dma_start3A_63 = tpu.memref_slice %arg12[%dma_start3A_61, %dma_start3A_62] : memref<128x256xf32, #tpu.memory_space<vmem>> -> memref<32x256xf32, #tpu.memory_space<vmem>>
    %dma_start3A_64 = arith.constant 0 : i32
    %dma_start3A_65 = tpu.memref_slice %arg8[%dma_start3A_64] : memref<128xi32, #tpu.memory_space<vmem>> -> memref<32xi32, #tpu.memory_space<vmem>>
    %dma_start3A_66 = arith.constant 0 : i32
    %dma_start3A_67 = arith.constant 0 : i32
    %dma_start3A_68 = tpu.memref_slice %arg2[%dma_start3A_66, %dma_start3A_67] : memref<4096x256xf32, #tpu.memory_space<hbm>> -> memref<4096x256xf32, #tpu.memory_space<hbm>>
    tpu.enqueue_indirect_dma source(%dma_start3A_68 : memref<4096x256xf32, #tpu.memory_space<hbm>>) target(%dma_start3A_63 : memref<32x256xf32, #tpu.memory_space<vmem>>) offsets(%dma_start3A_65 : memref<32xi32, #tpu.memory_space<vmem>>) semaphore(%arg21 : memref<!tpu.dma_semaphore, #tpu.memory_space<semaphore_mem>>)
    %dma_start3A_69 = arith.constant 32 : i32
    %dma_start3A_70 = arith.constant 0 : i32
    %dma_start3A_71 = tpu.memref_slice %arg12[%dma_start3A_69, %dma_start3A_70] : memref<128x256xf32, #tpu.memory_space<vmem>> -> memref<32x256xf32, #tpu.memory_space<vmem>>
    %dma_start3A_72 = arith.constant 32 : i32
    %dma_start3A_73 = tpu.memref_slice %arg8[%dma_start3A_72] : memref<128xi32, #tpu.memory_space<vmem>> -> memref<32xi32, #tpu.memory_space<vmem>>
    %dma_start3A_74 = arith.constant 0 : i32
    %dma_start3A_75 = arith.constant 0 : i32
    %dma_start3A_76 = tpu.memref_slice %arg2[%dma_start3A_74, %dma_start3A_75] : memref<4096x256xf32, #tpu.memory_space<hbm>> -> memref<4096x256xf32, #tpu.memory_space<hbm>>
    tpu.enqueue_indirect_dma source(%dma_start3A_76 : memref<4096x256xf32, #tpu.memory_space<hbm>>) target(%dma_start3A_71 : memref<32x256xf32, #tpu.memory_space<vmem>>) offsets(%dma_start3A_73 : memref<32xi32, #tpu.memory_space<vmem>>) semaphore(%arg22 : memref<!tpu.dma_semaphore, #tpu.memory_space<semaphore_mem>>)
    %dma_start3A_77 = arith.constant 64 : i32
    %dma_start3A_78 = arith.constant 0 : i32
    %dma_start3A_79 = tpu.memref_slice %arg12[%dma_start3A_77, %dma_start3A_78] : memref<128x256xf32, #tpu.memory_space<vmem>> -> memref<32x256xf32, #tpu.memory_space<vmem>>
    %dma_start3A_80 = arith.constant 64 : i32
    %dma_start3A_81 = tpu.memref_slice %arg8[%dma_start3A_80] : memref<128xi32, #tpu.memory_space<vmem>> -> memref<32xi32, #tpu.memory_space<vmem>>
    %dma_start3A_82 = arith.constant 0 : i32
    %dma_start3A_83 = arith.constant 0 : i32
    %dma_start3A_84 = tpu.memref_slice %arg2[%dma_start3A_82, %dma_start3A_83] : memref<4096x256xf32, #tpu.memory_space<hbm>> -> memref<4096x256xf32, #tpu.memory_space<hbm>>
    tpu.enqueue_indirect_dma source(%dma_start3A_84 : memref<4096x256xf32, #tpu.memory_space<hbm>>) target(%dma_start3A_79 : memref<32x256xf32, #tpu.memory_space<vmem>>) offsets(%dma_start3A_81 : memref<32xi32, #tpu.memory_space<vmem>>) semaphore(%arg23 : memref<!tpu.dma_semaphore, #tpu.memory_space<semaphore_mem>>)
    %dma_start3A_85 = arith.constant 96 : i32
    %dma_start3A_86 = arith.constant 0 : i32
    %dma_start3A_87 = tpu.memref_slice %arg12[%dma_start3A_85, %dma_start3A_86] : memref<128x256xf32, #tpu.memory_space<vmem>> -> memref<32x256xf32, #tpu.memory_space<vmem>>
    %dma_start3A_88 = arith.constant 96 : i32
    %dma_start3A_89 = tpu.memref_slice %arg8[%dma_start3A_88] : memref<128xi32, #tpu.memory_space<vmem>> -> memref<32xi32, #tpu.memory_space<vmem>>
    %dma_start3A_90 = arith.constant 0 : i32
    %dma_start3A_91 = arith.constant 0 : i32
    %dma_start3A_92 = tpu.memref_slice %arg2[%dma_start3A_90, %dma_start3A_91] : memref<4096x256xf32, #tpu.memory_space<hbm>> -> memref<4096x256xf32, #tpu.memory_space<hbm>>
    tpu.enqueue_indirect_dma source(%dma_start3A_92 : memref<4096x256xf32, #tpu.memory_space<hbm>>) target(%dma_start3A_87 : memref<32x256xf32, #tpu.memory_space<vmem>>) offsets(%dma_start3A_89 : memref<32xi32, #tpu.memory_space<vmem>>) semaphore(%arg24 : memref<!tpu.dma_semaphore, #tpu.memory_space<semaphore_mem>>)
    %dma_wait3A_93 = arith.constant 0 : i32
    %dma_wait3A_94 = tpu.memref_slice %arg4[%dma_wait3A_93] : memref<4096xf32, #tpu.memory_space<hbm>> -> memref<4096xf32, #tpu.memory_space<hbm>>
    tpu.wait_indirect_dma semaphore(%arg15 : memref<!tpu.dma_semaphore, #tpu.memory_space<semaphore_mem>>) src(%dma_wait3A_94 : memref<4096xf32, #tpu.memory_space<hbm>>) dst(%arg9 : memref<128xf32, #tpu.memory_space<vmem>>)
    %dma_wait3A_95 = tpu.memref_slice %arg5[%mul3A_2] : memref<4096xf32, #tpu.memory_space<hbm>> -> memref<128xf32, #tpu.memory_space<hbm>>
    %dma_wait3A_96 = tpu.memref_slice %arg5[%mul3A_2] : memref<4096xf32, #tpu.memory_space<hbm>> -> memref<128xf32, #tpu.memory_space<hbm>>
    tpu.wait_dma2 semaphore(%arg15 : memref<!tpu.dma_semaphore, #tpu.memory_space<semaphore_mem>>) src(%dma_wait3A_96 : memref<128xf32, #tpu.memory_space<hbm>>) dst(%arg10 : memref<128xf32, #tpu.memory_space<vmem>>)
    %get3A = arith.constant 0 : index
    %get3A_97 = tpu.vector_load %arg9[%get3A] {strides = array<i32>} : memref<128xf32, #tpu.memory_space<vmem>>, vector<16xf32>,
    %get3A_98 = arith.constant 0 : index
    %get3A_99 = tpu.vector_load %arg10[%get3A_98] {strides = array<i32>} : memref<128xf32, #tpu.memory_space<vmem>>, vector<16xf32>,
    %add3A_100 = arith.addf %get3A_97, %get3A_99 : vector<16xf32>
    %gt3A = arith.constant 0.000000e+00 : f32
    %gt3A_101 = vector.broadcast %gt3A : f32 to vector<16xf32>
    %gt3A_102 = arith.cmpf ogt, %add3A_100, %gt3A_101 : vector<16xf32>
    %jit3A = arith.constant 1.000000e+00 : f32
    %jit3A_103 = arith.constant 2.44140625E-4 : f32
    %broadcast_in_dim3A = vector.broadcast %jit3A : f32 to vector<16xf32>
    %broadcast_in_dim3A_104 = vector.broadcast %jit3A_103 : f32 to vector<16xf32>
    %select_n3A = arith.select %gt3A_102, %broadcast_in_dim3A, %broadcast_in_dim3A_104 : vector<16xi1>, vector<16xf32>
    %swap3A = arith.constant 0 : index
    %swap3A_105 = tpu.vector_load %arg11[%swap3A] {strides = array<i32>} : memref<128xf32, #tpu.memory_space<vmem>>, vector<16xf32>,
    tpu.vector_store %arg11[%swap3A], %select_n3A {strides = array<i32>} : memref<128xf32, #tpu.memory_space<vmem>>, vector<16xf32>,
    %get3A_106 = arith.constant 16 : index
    %get3A_107 = tpu.vector_load %arg9[%get3A_106] {strides = array<i32>} : memref<128xf32, #tpu.memory_space<vmem>>, vector<16xf32>,
    %get3A_108 = arith.constant 16 : index
    %get3A_109 = tpu.vector_load %arg10[%get3A_108] {strides = array<i32>} : memref<128xf32, #tpu.memory_space<vmem>>, vector<16xf32>,
    %add3A_110 = arith.addf %get3A_107, %get3A_109 : vector<16xf32>
    %gt3A_111 = arith.constant 0.000000e+00 : f32
    %gt3A_112 = vector.broadcast %gt3A_111 : f32 to vector<16xf32>
    %gt3A_113 = arith.cmpf ogt, %add3A_110, %gt3A_112 : vector<16xf32>
    %jit3A_114 = arith.constant 1.000000e+00 : f32
    %jit3A_115 = arith.constant 2.44140625E-4 : f32
    %broadcast_in_dim3A_116 = vector.broadcast %jit3A_114 : f32 to vector<16xf32>
    %broadcast_in_dim3A_117 = vector.broadcast %jit3A_115 : f32 to vector<16xf32>
    %select_n3A_118 = arith.select %gt3A_113, %broadcast_in_dim3A_116, %broadcast_in_dim3A_117 : vector<16xi1>, vector<16xf32>
    %swap3A_119 = arith.constant 16 : index
    %swap3A_120 = tpu.vector_load %arg11[%swap3A_119] {strides = array<i32>} : memref<128xf32, #tpu.memory_space<vmem>>, vector<16xf32>,
    tpu.vector_store %arg11[%swap3A_119], %select_n3A_118 {strides = array<i32>} : memref<128xf32, #tpu.memory_space<vmem>>, vector<16xf32>,
    %get3A_121 = arith.constant 32 : index
    %get3A_122 = tpu.vector_load %arg9[%get3A_121] {strides = array<i32>} : memref<128xf32, #tpu.memory_space<vmem>>, vector<16xf32>,
    %get3A_123 = arith.constant 32 : index
    %get3A_124 = tpu.vector_load %arg10[%get3A_123] {strides = array<i32>} : memref<128xf32, #tpu.memory_space<vmem>>, vector<16xf32>,
    %add3A_125 = arith.addf %get3A_122, %get3A_124 : vector<16xf32>
    %gt3A_126 = arith.constant 0.000000e+00 : f32
    %gt3A_127 = vector.broadcast %gt3A_126 : f32 to vector<16xf32>
    %gt3A_128 = arith.cmpf ogt, %add3A_125, %gt3A_127 : vector<16xf32>
    %jit3A_129 = arith.constant 1.000000e+00 : f32
    %jit3A_130 = arith.constant 2.44140625E-4 : f32
    %broadcast_in_dim3A_131 = vector.broadcast %jit3A_129 : f32 to vector<16xf32>
    %broadcast_in_dim3A_132 = vector.broadcast %jit3A_130 : f32 to vector<16xf32>
    %select_n3A_133 = arith.select %gt3A_128, %broadcast_in_dim3A_131, %broadcast_in_dim3A_132 : vector<16xi1>, vector<16xf32>
    %swap3A_134 = arith.constant 32 : index
    %swap3A_135 = tpu.vector_load %arg11[%swap3A_134] {strides = array<i32>} : memref<128xf32, #tpu.memory_space<vmem>>, vector<16xf32>,
    tpu.vector_store %arg11[%swap3A_134], %select_n3A_133 {strides = array<i32>} : memref<128xf32, #tpu.memory_space<vmem>>, vector<16xf32>,
    %get3A_136 = arith.constant 48 : index
    %get3A_137 = tpu.vector_load %arg9[%get3A_136] {strides = array<i32>} : memref<128xf32, #tpu.memory_space<vmem>>, vector<16xf32>,
    %get3A_138 = arith.constant 48 : index
    %get3A_139 = tpu.vector_load %arg10[%get3A_138] {strides = array<i32>} : memref<128xf32, #tpu.memory_space<vmem>>, vector<16xf32>,
    %add3A_140 = arith.addf %get3A_137, %get3A_139 : vector<16xf32>
    %gt3A_141 = arith.constant 0.000000e+00 : f32
    %gt3A_142 = vector.broadcast %gt3A_141 : f32 to vector<16xf32>
    %gt3A_143 = arith.cmpf ogt, %add3A_140, %gt3A_142 : vector<16xf32>
    %jit3A_144 = arith.constant 1.000000e+00 : f32
    %jit3A_145 = arith.constant 2.44140625E-4 : f32
    %broadcast_in_dim3A_146 = vector.broadcast %jit3A_144 : f32 to vector<16xf32>
    %broadcast_in_dim3A_147 = vector.broadcast %jit3A_145 : f32 to vector<16xf32>
    %select_n3A_148 = arith.select %gt3A_143, %broadcast_in_dim3A_146, %broadcast_in_dim3A_147 : vector<16xi1>, vector<16xf32>
    %swap3A_149 = arith.constant 48 : index
    %swap3A_150 = tpu.vector_load %arg11[%swap3A_149] {strides = array<i32>} : memref<128xf32, #tpu.memory_space<vmem>>, vector<16xf32>,
    tpu.vector_store %arg11[%swap3A_149], %select_n3A_148 {strides = array<i32>} : memref<128xf32, #tpu.memory_space<vmem>>, vector<16xf32>,
    %get3A_151 = arith.constant 64 : index
    %get3A_152 = tpu.vector_load %arg9[%get3A_151] {strides = array<i32>} : memref<128xf32, #tpu.memory_space<vmem>>, vector<16xf32>,
    %get3A_153 = arith.constant 64 : index
    %get3A_154 = tpu.vector_load %arg10[%get3A_153] {strides = array<i32>} : memref<128xf32, #tpu.memory_space<vmem>>, vector<16xf32>,
    %add3A_155 = arith.addf %get3A_152, %get3A_154 : vector<16xf32>
    %gt3A_156 = arith.constant 0.000000e+00 : f32
    %gt3A_157 = vector.broadcast %gt3A_156 : f32 to vector<16xf32>
    %gt3A_158 = arith.cmpf ogt, %add3A_155, %gt3A_157 : vector<16xf32>
    %jit3A_159 = arith.constant 1.000000e+00 : f32
    %jit3A_160 = arith.constant 2.44140625E-4 : f32
    %broadcast_in_dim3A_161 = vector.broadcast %jit3A_159 : f32 to vector<16xf32>
    %broadcast_in_dim3A_162 = vector.broadcast %jit3A_160 : f32 to vector<16xf32>
    %select_n3A_163 = arith.select %gt3A_158, %broadcast_in_dim3A_161, %broadcast_in_dim3A_162 : vector<16xi1>, vector<16xf32>
    %swap3A_164 = arith.constant 64 : index
    %swap3A_165 = tpu.vector_load %arg11[%swap3A_164] {strides = array<i32>} : memref<128xf32, #tpu.memory_space<vmem>>, vector<16xf32>,
    tpu.vector_store %arg11[%swap3A_164], %select_n3A_163 {strides = array<i32>} : memref<128xf32, #tpu.memory_space<vmem>>, vector<16xf32>,
    %get3A_166 = arith.constant 80 : index
    %get3A_167 = tpu.vector_load %arg9[%get3A_166] {strides = array<i32>} : memref<128xf32, #tpu.memory_space<vmem>>, vector<16xf32>,
    %get3A_168 = arith.constant 80 : index
    %get3A_169 = tpu.vector_load %arg10[%get3A_168] {strides = array<i32>} : memref<128xf32, #tpu.memory_space<vmem>>, vector<16xf32>,
    %add3A_170 = arith.addf %get3A_167, %get3A_169 : vector<16xf32>
    %gt3A_171 = arith.constant 0.000000e+00 : f32
    %gt3A_172 = vector.broadcast %gt3A_171 : f32 to vector<16xf32>
    %gt3A_173 = arith.cmpf ogt, %add3A_170, %gt3A_172 : vector<16xf32>
    %jit3A_174 = arith.constant 1.000000e+00 : f32
    %jit3A_175 = arith.constant 2.44140625E-4 : f32
    %broadcast_in_dim3A_176 = vector.broadcast %jit3A_174 : f32 to vector<16xf32>
    %broadcast_in_dim3A_177 = vector.broadcast %jit3A_175 : f32 to vector<16xf32>
    %select_n3A_178 = arith.select %gt3A_173, %broadcast_in_dim3A_176, %broadcast_in_dim3A_177 : vector<16xi1>, vector<16xf32>
    %swap3A_179 = arith.constant 80 : index
    %swap3A_180 = tpu.vector_load %arg11[%swap3A_179] {strides = array<i32>} : memref<128xf32, #tpu.memory_space<vmem>>, vector<16xf32>,
    tpu.vector_store %arg11[%swap3A_179], %select_n3A_178 {strides = array<i32>} : memref<128xf32, #tpu.memory_space<vmem>>, vector<16xf32>,
    %get3A_181 = arith.constant 96 : index
    %get3A_182 = tpu.vector_load %arg9[%get3A_181] {strides = array<i32>} : memref<128xf32, #tpu.memory_space<vmem>>, vector<16xf32>,
    %get3A_183 = arith.constant 96 : index
    %get3A_184 = tpu.vector_load %arg10[%get3A_183] {strides = array<i32>} : memref<128xf32, #tpu.memory_space<vmem>>, vector<16xf32>,
    %add3A_185 = arith.addf %get3A_182, %get3A_184 : vector<16xf32>
    %gt3A_186 = arith.constant 0.000000e+00 : f32
    %gt3A_187 = vector.broadcast %gt3A_186 : f32 to vector<16xf32>
    %gt3A_188 = arith.cmpf ogt, %add3A_185, %gt3A_187 : vector<16xf32>
    %jit3A_189 = arith.constant 1.000000e+00 : f32
    %jit3A_190 = arith.constant 2.44140625E-4 : f32
    %broadcast_in_dim3A_191 = vector.broadcast %jit3A_189 : f32 to vector<16xf32>
    %broadcast_in_dim3A_192 = vector.broadcast %jit3A_190 : f32 to vector<16xf32>
    %select_n3A_193 = arith.select %gt3A_188, %broadcast_in_dim3A_191, %broadcast_in_dim3A_192 : vector<16xi1>, vector<16xf32>
    %swap3A_194 = arith.constant 96 : index
    %swap3A_195 = tpu.vector_load %arg11[%swap3A_194] {strides = array<i32>} : memref<128xf32, #tpu.memory_space<vmem>>, vector<16xf32>,
    tpu.vector_store %arg11[%swap3A_194], %select_n3A_193 {strides = array<i32>} : memref<128xf32, #tpu.memory_space<vmem>>, vector<16xf32>,
    %get3A_196 = arith.constant 112 : index
    %get3A_197 = tpu.vector_load %arg9[%get3A_196] {strides = array<i32>} : memref<128xf32, #tpu.memory_space<vmem>>, vector<16xf32>,
    %get3A_198 = arith.constant 112 : index
    %get3A_199 = tpu.vector_load %arg10[%get3A_198] {strides = array<i32>} : memref<128xf32, #tpu.memory_space<vmem>>, vector<16xf32>,
    %add3A_200 = arith.addf %get3A_197, %get3A_199 : vector<16xf32>
    %gt3A_201 = arith.constant 0.000000e+00 : f32
    %gt3A_202 = vector.broadcast %gt3A_201 : f32 to vector<16xf32>
    %gt3A_203 = arith.cmpf ogt, %add3A_200, %gt3A_202 : vector<16xf32>
    %jit3A_204 = arith.constant 1.000000e+00 : f32
    %jit3A_205 = arith.constant 2.44140625E-4 : f32
    %broadcast_in_dim3A_206 = vector.broadcast %jit3A_204 : f32 to vector<16xf32>
    %broadcast_in_dim3A_207 = vector.broadcast %jit3A_205 : f32 to vector<16xf32>
    %select_n3A_208 = arith.select %gt3A_203, %broadcast_in_dim3A_206, %broadcast_in_dim3A_207 : vector<16xi1>, vector<16xf32>
    %swap3A_209 = arith.constant 112 : index
    %swap3A_210 = tpu.vector_load %arg11[%swap3A_209] {strides = array<i32>} : memref<128xf32, #tpu.memory_space<vmem>>, vector<16xf32>,
    tpu.vector_store %arg11[%swap3A_209], %select_n3A_208 {strides = array<i32>} : memref<128xf32, #tpu.memory_space<vmem>>, vector<16xf32>,
    %dma_wait3A_211 = arith.constant 0 : i32
    %dma_wait3A_212 = arith.constant 0 : i32
    %dma_wait3A_213 = tpu.memref_slice %arg12[%dma_wait3A_211, %dma_wait3A_212] : memref<128x256xf32, #tpu.memory_space<vmem>> -> memref<32x256xf32, #tpu.memory_space<vmem>>
    %dma_wait3A_214 = arith.constant 0 : i32
    %dma_wait3A_215 = tpu.memref_slice %arg8[%dma_wait3A_214] : memref<128xi32, #tpu.memory_space<vmem>> -> memref<32xi32, #tpu.memory_space<vmem>>
    %dma_wait3A_216 = arith.constant 0 : i32
    %dma_wait3A_217 = arith.constant 0 : i32
    %dma_wait3A_218 = tpu.memref_slice %arg2[%dma_wait3A_216, %dma_wait3A_217] : memref<4096x256xf32, #tpu.memory_space<hbm>> -> memref<4096x256xf32, #tpu.memory_space<hbm>>
    tpu.wait_indirect_dma semaphore(%arg21 : memref<!tpu.dma_semaphore, #tpu.memory_space<semaphore_mem>>) src(%dma_wait3A_218 : memref<4096x256xf32, #tpu.memory_space<hbm>>) dst(%dma_wait3A_213 : memref<32x256xf32, #tpu.memory_space<vmem>>)
    %dma_wait3A_219 = arith.constant 0 : i32
    %dma_wait3A_220 = arith.constant 0 : i32
    %dma_wait3A_221 = tpu.memref_slice %arg13[%dma_wait3A_219, %dma_wait3A_220] : memref<128x256xf32, #tpu.memory_space<vmem>> -> memref<32x256xf32, #tpu.memory_space<vmem>>
    %dma_wait3A_222 = arith.constant 0 : i32
    %dma_wait3A_223 = tpu.memref_slice %arg2[%add3A_7, %dma_wait3A_222] : memref<4096x256xf32, #tpu.memory_space<hbm>> -> memref<32x256xf32, #tpu.memory_space<hbm>>
    %dma_wait3A_224 = arith.constant 0 : i32
    %dma_wait3A_225 = arith.constant 0 : i32
    %dma_wait3A_226 = tpu.memref_slice %arg13[%dma_wait3A_224, %dma_wait3A_225] : memref<128x256xf32, #tpu.memory_space<vmem>> -> memref<32x256xf32, #tpu.memory_space<vmem>>
    %dma_wait3A_227 = arith.constant 0 : i32
    %dma_wait3A_228 = tpu.memref_slice %arg2[%add3A_7, %dma_wait3A_227] : memref<4096x256xf32, #tpu.memory_space<hbm>> -> memref<32x256xf32, #tpu.memory_space<hbm>>
    tpu.wait_dma2 semaphore(%arg17 : memref<!tpu.dma_semaphore, #tpu.memory_space<semaphore_mem>>) src(%dma_wait3A_228 : memref<32x256xf32, #tpu.memory_space<hbm>>) dst(%dma_wait3A_226 : memref<32x256xf32, #tpu.memory_space<vmem>>)
    %scan3A = arith.constant 0 : i32
    %scan3A_229 = arith.constant 0 : i32
    %scan3A_230 = arith.constant 32 : i32
    %scan3A_231 = arith.addi %scan3A_229, %scan3A_230 : i32
    %scan3A_232 = arith.constant 1 : i32
    scf.for %scan3A_370 = %scan3A_229 to %scan3A_231 step %scan3A_232  : i32 {
      %broadcast_in_dim3A_371 = vector.broadcast %scan3A_370 : i32 to vector<16xi32>
      %gather3A = tpu.vector_load_idx %arg11[%broadcast_in_dim3A_371] : memref<128xf32, #tpu.memory_space<vmem>>[vector<16xi32>], vector<16xf32>,
      %get3A_372 = arith.index_cast %scan3A_370 : i32 to index
      %get3A_373 = arith.constant 0 : index
      %get3A_374 = tpu.vector_load %arg12[%get3A_372, %get3A_373] {strides = array<i32>} : memref<128x256xf32, #tpu.memory_space<vmem>>, vector<16xf32>,
      %get3A_375 = arith.index_cast %scan3A_370 : i32 to index
      %get3A_376 = arith.constant 0 : index
      %get3A_377 = tpu.vector_load %arg13[%get3A_375, %get3A_376] {strides = array<i32>} : memref<128x256xf32, #tpu.memory_space<vmem>>, vector<16xf32>,
      %mul3A_378 = arith.mulf %gather3A, %get3A_377 : vector<16xf32>
      %add3A_379 = arith.addf %get3A_374, %mul3A_378 : vector<16xf32>
      %mul3A_380 = arith.constant 2.000000e-01 : f32
      %mul3A_381 = vector.broadcast %mul3A_380 : f32 to vector<16xf32>
      %mul3A_382 = arith.mulf %mul3A_381, %add3A_379 : vector<16xf32>
      %max3A = arith.maximumf %add3A_379, %mul3A_382 : vector<16xf32>
      %swap3A_383 = arith.index_cast %scan3A_370 : i32 to index
      %swap3A_384 = arith.constant 0 : index
      %swap3A_385 = tpu.vector_load %arg12[%swap3A_383, %swap3A_384] {strides = array<i32>} : memref<128x256xf32, #tpu.memory_space<vmem>>, vector<16xf32>,
      tpu.vector_store %arg12[%swap3A_383, %swap3A_384], %max3A {strides = array<i32>} : memref<128x256xf32, #tpu.memory_space<vmem>>, vector<16xf32>,
      %get3A_386 = arith.index_cast %scan3A_370 : i32 to index
      %get3A_387 = arith.constant 16 : index
      %get3A_388 = tpu.vector_load %arg12[%get3A_386, %get3A_387] {strides = array<i32>} : memref<128x256xf32, #tpu.memory_space<vmem>>, vector<16xf32>,
      %get3A_389 = arith.index_cast %scan3A_370 : i32 to index
      %get3A_390 = arith.constant 16 : index
      %get3A_391 = tpu.vector_load %arg13[%get3A_389, %get3A_390] {strides = array<i32>} : memref<128x256xf32, #tpu.memory_space<vmem>>, vector<16xf32>,
      %mul3A_392 = arith.mulf %gather3A, %get3A_391 : vector<16xf32>
      %add3A_393 = arith.addf %get3A_388, %mul3A_392 : vector<16xf32>
      %mul3A_394 = arith.constant 2.000000e-01 : f32
      %mul3A_395 = vector.broadcast %mul3A_394 : f32 to vector<16xf32>
      %mul3A_396 = arith.mulf %mul3A_395, %add3A_393 : vector<16xf32>
      %max3A_397 = arith.maximumf %add3A_393, %mul3A_396 : vector<16xf32>
      %swap3A_398 = arith.index_cast %scan3A_370 : i32 to index
      %swap3A_399 = arith.constant 16 : index
      %swap3A_400 = tpu.vector_load %arg12[%swap3A_398, %swap3A_399] {strides = array<i32>} : memref<128x256xf32, #tpu.memory_space<vmem>>, vector<16xf32>,
      tpu.vector_store %arg12[%swap3A_398, %swap3A_399], %max3A_397 {strides = array<i32>} : memref<128x256xf32, #tpu.memory_space<vmem>>, vector<16xf32>,
      %get3A_401 = arith.index_cast %scan3A_370 : i32 to index
      %get3A_402 = arith.constant 32 : index
      %get3A_403 = tpu.vector_load %arg12[%get3A_401, %get3A_402] {strides = array<i32>} : memref<128x256xf32, #tpu.memory_space<vmem>>, vector<16xf32>,
      %get3A_404 = arith.index_cast %scan3A_370 : i32 to index
      %get3A_405 = arith.constant 32 : index
      %get3A_406 = tpu.vector_load %arg13[%get3A_404, %get3A_405] {strides = array<i32>} : memref<128x256xf32, #tpu.memory_space<vmem>>, vector<16xf32>,
      %mul3A_407 = arith.mulf %gather3A, %get3A_406 : vector<16xf32>
      %add3A_408 = arith.addf %get3A_403, %mul3A_407 : vector<16xf32>
      %mul3A_409 = arith.constant 2.000000e-01 : f32
      %mul3A_410 = vector.broadcast %mul3A_409 : f32 to vector<16xf32>
      %mul3A_411 = arith.mulf %mul3A_410, %add3A_408 : vector<16xf32>
      %max3A_412 = arith.maximumf %add3A_408, %mul3A_411 : vector<16xf32>
      %swap3A_413 = arith.index_cast %scan3A_370 : i32 to index
      %swap3A_414 = arith.constant 32 : index
      %swap3A_415 = tpu.vector_load %arg12[%swap3A_413, %swap3A_414] {strides = array<i32>} : memref<128x256xf32, #tpu.memory_space<vmem>>, vector<16xf32>,
      tpu.vector_store %arg12[%swap3A_413, %swap3A_414], %max3A_412 {strides = array<i32>} : memref<128x256xf32, #tpu.memory_space<vmem>>, vector<16xf32>,
      %get3A_416 = arith.index_cast %scan3A_370 : i32 to index
      %get3A_417 = arith.constant 48 : index
      %get3A_418 = tpu.vector_load %arg12[%get3A_416, %get3A_417] {strides = array<i32>} : memref<128x256xf32, #tpu.memory_space<vmem>>, vector<16xf32>,
      %get3A_419 = arith.index_cast %scan3A_370 : i32 to index
      %get3A_420 = arith.constant 48 : index
      %get3A_421 = tpu.vector_load %arg13[%get3A_419, %get3A_420] {strides = array<i32>} : memref<128x256xf32, #tpu.memory_space<vmem>>, vector<16xf32>,
      %mul3A_422 = arith.mulf %gather3A, %get3A_421 : vector<16xf32>
      %add3A_423 = arith.addf %get3A_418, %mul3A_422 : vector<16xf32>
      %mul3A_424 = arith.constant 2.000000e-01 : f32
      %mul3A_425 = vector.broadcast %mul3A_424 : f32 to vector<16xf32>
      %mul3A_426 = arith.mulf %mul3A_425, %add3A_423 : vector<16xf32>
      %max3A_427 = arith.maximumf %add3A_423, %mul3A_426 : vector<16xf32>
      %swap3A_428 = arith.index_cast %scan3A_370 : i32 to index
      %swap3A_429 = arith.constant 48 : index
      %swap3A_430 = tpu.vector_load %arg12[%swap3A_428, %swap3A_429] {strides = array<i32>} : memref<128x256xf32, #tpu.memory_space<vmem>>, vector<16xf32>,
      tpu.vector_store %arg12[%swap3A_428, %swap3A_429], %max3A_427 {strides = array<i32>} : memref<128x256xf32, #tpu.memory_space<vmem>>, vector<16xf32>,
      %get3A_431 = arith.index_cast %scan3A_370 : i32 to index
      %get3A_432 = arith.constant 64 : index
      %get3A_433 = tpu.vector_load %arg12[%get3A_431, %get3A_432] {strides = array<i32>} : memref<128x256xf32, #tpu.memory_space<vmem>>, vector<16xf32>,
      %get3A_434 = arith.index_cast %scan3A_370 : i32 to index
      %get3A_435 = arith.constant 64 : index
      %get3A_436 = tpu.vector_load %arg13[%get3A_434, %get3A_435] {strides = array<i32>} : memref<128x256xf32, #tpu.memory_space<vmem>>, vector<16xf32>,
      %mul3A_437 = arith.mulf %gather3A, %get3A_436 : vector<16xf32>
      %add3A_438 = arith.addf %get3A_433, %mul3A_437 : vector<16xf32>
      %mul3A_439 = arith.constant 2.000000e-01 : f32
      %mul3A_440 = vector.broadcast %mul3A_439 : f32 to vector<16xf32>
      %mul3A_441 = arith.mulf %mul3A_440, %add3A_438 : vector<16xf32>
      %max3A_442 = arith.maximumf %add3A_438, %mul3A_441 : vector<16xf32>
      %swap3A_443 = arith.index_cast %scan3A_370 : i32 to index
      %swap3A_444 = arith.constant 64 : index
      %swap3A_445 = tpu.vector_load %arg12[%swap3A_443, %swap3A_444] {strides = array<i32>} : memref<128x256xf32, #tpu.memory_space<vmem>>, vector<16xf32>,
      tpu.vector_store %arg12[%swap3A_443, %swap3A_444], %max3A_442 {strides = array<i32>} : memref<128x256xf32, #tpu.memory_space<vmem>>, vector<16xf32>,
      %get3A_446 = arith.index_cast %scan3A_370 : i32 to index
      %get3A_447 = arith.constant 80 : index
      %get3A_448 = tpu.vector_load %arg12[%get3A_446, %get3A_447] {strides = array<i32>} : memref<128x256xf32, #tpu.memory_space<vmem>>, vector<16xf32>,
      %get3A_449 = arith.index_cast %scan3A_370 : i32 to index
      %get3A_450 = arith.constant 80 : index
      %get3A_451 = tpu.vector_load %arg13[%get3A_449, %get3A_450] {strides = array<i32>} : memref<128x256xf32, #tpu.memory_space<vmem>>, vector<16xf32>,
      %mul3A_452 = arith.mulf %gather3A, %get3A_451 : vector<16xf32>
      %add3A_453 = arith.addf %get3A_448, %mul3A_452 : vector<16xf32>
      %mul3A_454 = arith.constant 2.000000e-01 : f32
      %mul3A_455 = vector.broadcast %mul3A_454 : f32 to vector<16xf32>
      %mul3A_456 = arith.mulf %mul3A_455, %add3A_453 : vector<16xf32>
      %max3A_457 = arith.maximumf %add3A_453, %mul3A_456 : vector<16xf32>
      %swap3A_458 = arith.index_cast %scan3A_370 : i32 to index
      %swap3A_459 = arith.constant 80 : index
      %swap3A_460 = tpu.vector_load %arg12[%swap3A_458, %swap3A_459] {strides = array<i32>} : memref<128x256xf32, #tpu.memory_space<vmem>>, vector<16xf32>,
      tpu.vector_store %arg12[%swap3A_458, %swap3A_459], %max3A_457 {strides = array<i32>} : memref<128x256xf32, #tpu.memory_space<vmem>>, vector<16xf32>,
      %get3A_461 = arith.index_cast %scan3A_370 : i32 to index
      %get3A_462 = arith.constant 96 : index
      %get3A_463 = tpu.vector_load %arg12[%get3A_461, %get3A_462] {strides = array<i32>} : memref<128x256xf32, #tpu.memory_space<vmem>>, vector<16xf32>,
      %get3A_464 = arith.index_cast %scan3A_370 : i32 to index
      %get3A_465 = arith.constant 96 : index
      %get3A_466 = tpu.vector_load %arg13[%get3A_464, %get3A_465] {strides = array<i32>} : memref<128x256xf32, #tpu.memory_space<vmem>>, vector<16xf32>,
      %mul3A_467 = arith.mulf %gather3A, %get3A_466 : vector<16xf32>
      %add3A_468 = arith.addf %get3A_463, %mul3A_467 : vector<16xf32>
      %mul3A_469 = arith.constant 2.000000e-01 : f32
      %mul3A_470 = vector.broadcast %mul3A_469 : f32 to vector<16xf32>
      %mul3A_471 = arith.mulf %mul3A_470, %add3A_468 : vector<16xf32>
      %max3A_472 = arith.maximumf %add3A_468, %mul3A_471 : vector<16xf32>
      %swap3A_473 = arith.index_cast %scan3A_370 : i32 to index
      %swap3A_474 = arith.constant 96 : index
      %swap3A_475 = tpu.vector_load %arg12[%swap3A_473, %swap3A_474] {strides = array<i32>} : memref<128x256xf32, #tpu.memory_space<vmem>>, vector<16xf32>,
      tpu.vector_store %arg12[%swap3A_473, %swap3A_474], %max3A_472 {strides = array<i32>} : memref<128x256xf32, #tpu.memory_space<vmem>>, vector<16xf32>,
      %get3A_476 = arith.index_cast %scan3A_370 : i32 to index
      %get3A_477 = arith.constant 112 : index
      %get3A_478 = tpu.vector_load %arg12[%get3A_476, %get3A_477] {strides = array<i32>} : memref<128x256xf32, #tpu.memory_space<vmem>>, vector<16xf32>,
      %get3A_479 = arith.index_cast %scan3A_370 : i32 to index
      %get3A_480 = arith.constant 112 : index
      %get3A_481 = tpu.vector_load %arg13[%get3A_479, %get3A_480] {strides = array<i32>} : memref<128x256xf32, #tpu.memory_space<vmem>>, vector<16xf32>,
      %mul3A_482 = arith.mulf %gather3A, %get3A_481 : vector<16xf32>
      %add3A_483 = arith.addf %get3A_478, %mul3A_482 : vector<16xf32>
      %mul3A_484 = arith.constant 2.000000e-01 : f32
      %mul3A_485 = vector.broadcast %mul3A_484 : f32 to vector<16xf32>
      %mul3A_486 = arith.mulf %mul3A_485, %add3A_483 : vector<16xf32>
      %max3A_487 = arith.maximumf %add3A_483, %mul3A_486 : vector<16xf32>
      %swap3A_488 = arith.index_cast %scan3A_370 : i32 to index
      %swap3A_489 = arith.constant 112 : index
      %swap3A_490 = tpu.vector_load %arg12[%swap3A_488, %swap3A_489] {strides = array<i32>} : memref<128x256xf32, #tpu.memory_space<vmem>>, vector<16xf32>,
      tpu.vector_store %arg12[%swap3A_488, %swap3A_489], %max3A_487 {strides = array<i32>} : memref<128x256xf32, #tpu.memory_space<vmem>>, vector<16xf32>,
      %get3A_491 = arith.index_cast %scan3A_370 : i32 to index
      %get3A_492 = arith.constant 128 : index
      %get3A_493 = tpu.vector_load %arg12[%get3A_491, %get3A_492] {strides = array<i32>} : memref<128x256xf32, #tpu.memory_space<vmem>>, vector<16xf32>,
      %get3A_494 = arith.index_cast %scan3A_370 : i32 to index
      %get3A_495 = arith.constant 128 : index
      %get3A_496 = tpu.vector_load %arg13[%get3A_494, %get3A_495] {strides = array<i32>} : memref<128x256xf32, #tpu.memory_space<vmem>>, vector<16xf32>,
      %mul3A_497 = arith.mulf %gather3A, %get3A_496 : vector<16xf32>
      %add3A_498 = arith.addf %get3A_493, %mul3A_497 : vector<16xf32>
      %mul3A_499 = arith.constant 2.000000e-01 : f32
      %mul3A_500 = vector.broadcast %mul3A_499 : f32 to vector<16xf32>
      %mul3A_501 = arith.mulf %mul3A_500, %add3A_498 : vector<16xf32>
      %max3A_502 = arith.maximumf %add3A_498, %mul3A_501 : vector<16xf32>
      %swap3A_503 = arith.index_cast %scan3A_370 : i32 to index
      %swap3A_504 = arith.constant 128 : index
      %swap3A_505 = tpu.vector_load %arg12[%swap3A_503, %swap3A_504] {strides = array<i32>} : memref<128x256xf32, #tpu.memory_space<vmem>>, vector<16xf32>,
      tpu.vector_store %arg12[%swap3A_503, %swap3A_504], %max3A_502 {strides = array<i32>} : memref<128x256xf32, #tpu.memory_space<vmem>>, vector<16xf32>,
      %get3A_506 = arith.index_cast %scan3A_370 : i32 to index
      %get3A_507 = arith.constant 144 : index
      %get3A_508 = tpu.vector_load %arg12[%get3A_506, %get3A_507] {strides = array<i32>} : memref<128x256xf32, #tpu.memory_space<vmem>>, vector<16xf32>,
      %get3A_509 = arith.index_cast %scan3A_370 : i32 to index
      %get3A_510 = arith.constant 144 : index
      %get3A_511 = tpu.vector_load %arg13[%get3A_509, %get3A_510] {strides = array<i32>} : memref<128x256xf32, #tpu.memory_space<vmem>>, vector<16xf32>,
      %mul3A_512 = arith.mulf %gather3A, %get3A_511 : vector<16xf32>
      %add3A_513 = arith.addf %get3A_508, %mul3A_512 : vector<16xf32>
      %mul3A_514 = arith.constant 2.000000e-01 : f32
      %mul3A_515 = vector.broadcast %mul3A_514 : f32 to vector<16xf32>
      %mul3A_516 = arith.mulf %mul3A_515, %add3A_513 : vector<16xf32>
      %max3A_517 = arith.maximumf %add3A_513, %mul3A_516 : vector<16xf32>
      %swap3A_518 = arith.index_cast %scan3A_370 : i32 to index
      %swap3A_519 = arith.constant 144 : index
      %swap3A_520 = tpu.vector_load %arg12[%swap3A_518, %swap3A_519] {strides = array<i32>} : memref<128x256xf32, #tpu.memory_space<vmem>>, vector<16xf32>,
      tpu.vector_store %arg12[%swap3A_518, %swap3A_519], %max3A_517 {strides = array<i32>} : memref<128x256xf32, #tpu.memory_space<vmem>>, vector<16xf32>,
      %get3A_521 = arith.index_cast %scan3A_370 : i32 to index
      %get3A_522 = arith.constant 160 : index
      %get3A_523 = tpu.vector_load %arg12[%get3A_521, %get3A_522] {strides = array<i32>} : memref<128x256xf32, #tpu.memory_space<vmem>>, vector<16xf32>,
      %get3A_524 = arith.index_cast %scan3A_370 : i32 to index
      %get3A_525 = arith.constant 160 : index
      %get3A_526 = tpu.vector_load %arg13[%get3A_524, %get3A_525] {strides = array<i32>} : memref<128x256xf32, #tpu.memory_space<vmem>>, vector<16xf32>,
      %mul3A_527 = arith.mulf %gather3A, %get3A_526 : vector<16xf32>
      %add3A_528 = arith.addf %get3A_523, %mul3A_527 : vector<16xf32>
      %mul3A_529 = arith.constant 2.000000e-01 : f32
      %mul3A_530 = vector.broadcast %mul3A_529 : f32 to vector<16xf32>
      %mul3A_531 = arith.mulf %mul3A_530, %add3A_528 : vector<16xf32>
      %max3A_532 = arith.maximumf %add3A_528, %mul3A_531 : vector<16xf32>
      %swap3A_533 = arith.index_cast %scan3A_370 : i32 to index
      %swap3A_534 = arith.constant 160 : index
      %swap3A_535 = tpu.vector_load %arg12[%swap3A_533, %swap3A_534] {strides = array<i32>} : memref<128x256xf32, #tpu.memory_space<vmem>>, vector<16xf32>,
      tpu.vector_store %arg12[%swap3A_533, %swap3A_534], %max3A_532 {strides = array<i32>} : memref<128x256xf32, #tpu.memory_space<vmem>>, vector<16xf32>,
      %get3A_536 = arith.index_cast %scan3A_370 : i32 to index
      %get3A_537 = arith.constant 176 : index
      %get3A_538 = tpu.vector_load %arg12[%get3A_536, %get3A_537] {strides = array<i32>} : memref<128x256xf32, #tpu.memory_space<vmem>>, vector<16xf32>,
      %get3A_539 = arith.index_cast %scan3A_370 : i32 to index
      %get3A_540 = arith.constant 176 : index
      %get3A_541 = tpu.vector_load %arg13[%get3A_539, %get3A_540] {strides = array<i32>} : memref<128x256xf32, #tpu.memory_space<vmem>>, vector<16xf32>,
      %mul3A_542 = arith.mulf %gather3A, %get3A_541 : vector<16xf32>
      %add3A_543 = arith.addf %get3A_538, %mul3A_542 : vector<16xf32>
      %mul3A_544 = arith.constant 2.000000e-01 : f32
      %mul3A_545 = vector.broadcast %mul3A_544 : f32 to vector<16xf32>
      %mul3A_546 = arith.mulf %mul3A_545, %add3A_543 : vector<16xf32>
      %max3A_547 = arith.maximumf %add3A_543, %mul3A_546 : vector<16xf32>
      %swap3A_548 = arith.index_cast %scan3A_370 : i32 to index
      %swap3A_549 = arith.constant 176 : index
      %swap3A_550 = tpu.vector_load %arg12[%swap3A_548, %swap3A_549] {strides = array<i32>} : memref<128x256xf32, #tpu.memory_space<vmem>>, vector<16xf32>,
      tpu.vector_store %arg12[%swap3A_548, %swap3A_549], %max3A_547 {strides = array<i32>} : memref<128x256xf32, #tpu.memory_space<vmem>>, vector<16xf32>,
      %get3A_551 = arith.index_cast %scan3A_370 : i32 to index
      %get3A_552 = arith.constant 192 : index
      %get3A_553 = tpu.vector_load %arg12[%get3A_551, %get3A_552] {strides = array<i32>} : memref<128x256xf32, #tpu.memory_space<vmem>>, vector<16xf32>,
      %get3A_554 = arith.index_cast %scan3A_370 : i32 to index
      %get3A_555 = arith.constant 192 : index
      %get3A_556 = tpu.vector_load %arg13[%get3A_554, %get3A_555] {strides = array<i32>} : memref<128x256xf32, #tpu.memory_space<vmem>>, vector<16xf32>,
      %mul3A_557 = arith.mulf %gather3A, %get3A_556 : vector<16xf32>
      %add3A_558 = arith.addf %get3A_553, %mul3A_557 : vector<16xf32>
      %mul3A_559 = arith.constant 2.000000e-01 : f32
      %mul3A_560 = vector.broadcast %mul3A_559 : f32 to vector<16xf32>
      %mul3A_561 = arith.mulf %mul3A_560, %add3A_558 : vector<16xf32>
      %max3A_562 = arith.maximumf %add3A_558, %mul3A_561 : vector<16xf32>
      %swap3A_563 = arith.index_cast %scan3A_370 : i32 to index
      %swap3A_564 = arith.constant 192 : index
      %swap3A_565 = tpu.vector_load %arg12[%swap3A_563, %swap3A_564] {strides = array<i32>} : memref<128x256xf32, #tpu.memory_space<vmem>>, vector<16xf32>,
      tpu.vector_store %arg12[%swap3A_563, %swap3A_564], %max3A_562 {strides = array<i32>} : memref<128x256xf32, #tpu.memory_space<vmem>>, vector<16xf32>,
      %get3A_566 = arith.index_cast %scan3A_370 : i32 to index
      %get3A_567 = arith.constant 208 : index
      %get3A_568 = tpu.vector_load %arg12[%get3A_566, %get3A_567] {strides = array<i32>} : memref<128x256xf32, #tpu.memory_space<vmem>>, vector<16xf32>,
      %get3A_569 = arith.index_cast %scan3A_370 : i32 to index
      %get3A_570 = arith.constant 208 : index
      %get3A_571 = tpu.vector_load %arg13[%get3A_569, %get3A_570] {strides = array<i32>} : memref<128x256xf32, #tpu.memory_space<vmem>>, vector<16xf32>,
      %mul3A_572 = arith.mulf %gather3A, %get3A_571 : vector<16xf32>
      %add3A_573 = arith.addf %get3A_568, %mul3A_572 : vector<16xf32>
      %mul3A_574 = arith.constant 2.000000e-01 : f32
      %mul3A_575 = vector.broadcast %mul3A_574 : f32 to vector<16xf32>
      %mul3A_576 = arith.mulf %mul3A_575, %add3A_573 : vector<16xf32>
      %max3A_577 = arith.maximumf %add3A_573, %mul3A_576 : vector<16xf32>
      %swap3A_578 = arith.index_cast %scan3A_370 : i32 to index
      %swap3A_579 = arith.constant 208 : index
      %swap3A_580 = tpu.vector_load %arg12[%swap3A_578, %swap3A_579] {strides = array<i32>} : memref<128x256xf32, #tpu.memory_space<vmem>>, vector<16xf32>,
      tpu.vector_store %arg12[%swap3A_578, %swap3A_579], %max3A_577 {strides = array<i32>} : memref<128x256xf32, #tpu.memory_space<vmem>>, vector<16xf32>,
      %get3A_581 = arith.index_cast %scan3A_370 : i32 to index
      %get3A_582 = arith.constant 224 : index
      %get3A_583 = tpu.vector_load %arg12[%get3A_581, %get3A_582] {strides = array<i32>} : memref<128x256xf32, #tpu.memory_space<vmem>>, vector<16xf32>,
      %get3A_584 = arith.index_cast %scan3A_370 : i32 to index
      %get3A_585 = arith.constant 224 : index
      %get3A_586 = tpu.vector_load %arg13[%get3A_584, %get3A_585] {strides = array<i32>} : memref<128x256xf32, #tpu.memory_space<vmem>>, vector<16xf32>,
      %mul3A_587 = arith.mulf %gather3A, %get3A_586 : vector<16xf32>
      %add3A_588 = arith.addf %get3A_583, %mul3A_587 : vector<16xf32>
      %mul3A_589 = arith.constant 2.000000e-01 : f32
      %mul3A_590 = vector.broadcast %mul3A_589 : f32 to vector<16xf32>
      %mul3A_591 = arith.mulf %mul3A_590, %add3A_588 : vector<16xf32>
      %max3A_592 = arith.maximumf %add3A_588, %mul3A_591 : vector<16xf32>
      %swap3A_593 = arith.index_cast %scan3A_370 : i32 to index
      %swap3A_594 = arith.constant 224 : index
      %swap3A_595 = tpu.vector_load %arg12[%swap3A_593, %swap3A_594] {strides = array<i32>} : memref<128x256xf32, #tpu.memory_space<vmem>>, vector<16xf32>,
      tpu.vector_store %arg12[%swap3A_593, %swap3A_594], %max3A_592 {strides = array<i32>} : memref<128x256xf32, #tpu.memory_space<vmem>>, vector<16xf32>,
      %get3A_596 = arith.index_cast %scan3A_370 : i32 to index
      %get3A_597 = arith.constant 240 : index
      %get3A_598 = tpu.vector_load %arg12[%get3A_596, %get3A_597] {strides = array<i32>} : memref<128x256xf32, #tpu.memory_space<vmem>>, vector<16xf32>,
      %get3A_599 = arith.index_cast %scan3A_370 : i32 to index
      %get3A_600 = arith.constant 240 : index
      %get3A_601 = tpu.vector_load %arg13[%get3A_599, %get3A_600] {strides = array<i32>} : memref<128x256xf32, #tpu.memory_space<vmem>>, vector<16xf32>,
      %mul3A_602 = arith.mulf %gather3A, %get3A_601 : vector<16xf32>
      %add3A_603 = arith.addf %get3A_598, %mul3A_602 : vector<16xf32>
      %mul3A_604 = arith.constant 2.000000e-01 : f32
      %mul3A_605 = vector.broadcast %mul3A_604 : f32 to vector<16xf32>
      %mul3A_606 = arith.mulf %mul3A_605, %add3A_603 : vector<16xf32>
      %max3A_607 = arith.maximumf %add3A_603, %mul3A_606 : vector<16xf32>
      %swap3A_608 = arith.index_cast %scan3A_370 : i32 to index
      %swap3A_609 = arith.constant 240 : index
      %swap3A_610 = tpu.vector_load %arg12[%swap3A_608, %swap3A_609] {strides = array<i32>} : memref<128x256xf32, #tpu.memory_space<vmem>>, vector<16xf32>,
      tpu.vector_store %arg12[%swap3A_608, %swap3A_609], %max3A_607 {strides = array<i32>} : memref<128x256xf32, #tpu.memory_space<vmem>>, vector<16xf32>,
    }
    %scan3A_233 = arith.constant 32 : i32
    %dma_start3A_234 = arith.constant 0 : i32
    %dma_start3A_235 = arith.constant 0 : i32
    %dma_start3A_236 = tpu.memref_slice %arg12[%dma_start3A_234, %dma_start3A_235] : memref<128x256xf32, #tpu.memory_space<vmem>> -> memref<32x256xf32, #tpu.memory_space<vmem>>
    %dma_start3A_237 = arith.constant 0 : i32
    %dma_start3A_238 = tpu.memref_slice %arg7[%dma_start3A_237] : memref<128xi32, #tpu.memory_space<vmem>> -> memref<32xi32, #tpu.memory_space<vmem>>
    %dma_start3A_239 = arith.constant 0 : i32
    %dma_start3A_240 = arith.constant 0 : i32
    %dma_start3A_241 = tpu.memref_slice %arg6[%dma_start3A_239, %dma_start3A_240] : memref<4096x256xf32, #tpu.memory_space<hbm>> -> memref<4096x256xf32, #tpu.memory_space<hbm>>
    tpu.enqueue_indirect_dma source(%dma_start3A_236 : memref<32x256xf32, #tpu.memory_space<vmem>>) target(%dma_start3A_241 : memref<4096x256xf32, #tpu.memory_space<hbm>>) offsets(%dma_start3A_238 : memref<32xi32, #tpu.memory_space<vmem>>) semaphore(%arg16 : memref<!tpu.dma_semaphore, #tpu.memory_space<semaphore_mem>>)
    %dma_wait3A_242 = arith.constant 32 : i32
    %dma_wait3A_243 = arith.constant 0 : i32
    %dma_wait3A_244 = tpu.memref_slice %arg12[%dma_wait3A_242, %dma_wait3A_243] : memref<128x256xf32, #tpu.memory_space<vmem>> -> memref<32x256xf32, #tpu.memory_space<vmem>>
    %dma_wait3A_245 = arith.constant 32 : i32
    %dma_wait3A_246 = tpu.memref_slice %arg8[%dma_wait3A_245] : memref<128xi32, #tpu.memory_space<vmem>> -> memref<32xi32, #tpu.memory_space<vmem>>
    %dma_wait3A_247 = arith.constant 0 : i32
    %dma_wait3A_248 = arith.constant 0 : i32
    %dma_wait3A_249 = tpu.memref_slice %arg2[%dma_wait3A_247, %dma_wait3A_248] : memref<4096x256xf32, #tpu.memory_space<hbm>> -> memref<4096x256xf32, #tpu.memory_space<hbm>>
    tpu.wait_indirect_dma semaphore(%arg22 : memref<!tpu.dma_semaphore, #tpu.memory_space<semaphore_mem>>) src(%dma_wait3A_249 : memref<4096x256xf32, #tpu.memory_space<hbm>>) dst(%dma_wait3A_244 : memref<32x256xf32, #tpu.memory_space<vmem>>)
    %dma_wait3A_250 = arith.constant 32 : i32
    %dma_wait3A_251 = arith.constant 0 : i32
    %dma_wait3A_252 = tpu.memref_slice %arg13[%dma_wait3A_250, %dma_wait3A_251] : memref<128x256xf32, #tpu.memory_space<vmem>> -> memref<32x256xf32, #tpu.memory_space<vmem>>
    %dma_wait3A_253 = arith.constant 0 : i32
    %dma_wait3A_254 = tpu.memref_slice %arg2[%add3A_19, %dma_wait3A_253] : memref<4096x256xf32, #tpu.memory_space<hbm>> -> memref<32x256xf32, #tpu.memory_space<hbm>>
    %dma_wait3A_255 = arith.constant 32 : i32
    %dma_wait3A_256 = arith.constant 0 : i32
    %dma_wait3A_257 = tpu.memref_slice %arg13[%dma_wait3A_255, %dma_wait3A_256] : memref<128x256xf32, #tpu.memory_space<vmem>> -> memref<32x256xf32, #tpu.memory_space<vmem>>
    %dma_wait3A_258 = arith.constant 0 : i32
    %dma_wait3A_259 = tpu.memref_slice %arg2[%add3A_19, %dma_wait3A_258] : memref<4096x256xf32, #tpu.memory_space<hbm>> -> memref<32x256xf32, #tpu.memory_space<hbm>>
    tpu.wait_dma2 semaphore(%arg18 : memref<!tpu.dma_semaphore, #tpu.memory_space<semaphore_mem>>) src(%dma_wait3A_259 : memref<32x256xf32, #tpu.memory_space<hbm>>) dst(%dma_wait3A_257 : memref<32x256xf32, #tpu.memory_space<vmem>>)
    %scan3A_260 = arith.constant 0 : i32
    %scan3A_261 = arith.constant 32 : i32
    %scan3A_262 = arith.constant 32 : i32
    %scan3A_263 = arith.addi %scan3A_261, %scan3A_262 : i32
    %scan3A_264 = arith.constant 1 : i32
    scf.for %scan3A_370 = %scan3A_261 to %scan3A_263 step %scan3A_264  : i32 {
      %broadcast_in_dim3A_371 = vector.broadcast %scan3A_370 : i32 to vector<16xi32>
      %gather3A = tpu.vector_load_idx %arg11[%broadcast_in_dim3A_371] : memref<128xf32, #tpu.memory_space<vmem>>[vector<16xi32>], vector<16xf32>,
      %get3A_372 = arith.index_cast %scan3A_370 : i32 to index
      %get3A_373 = arith.constant 0 : index
      %get3A_374 = tpu.vector_load %arg12[%get3A_372, %get3A_373] {strides = array<i32>} : memref<128x256xf32, #tpu.memory_space<vmem>>, vector<16xf32>,
      %get3A_375 = arith.index_cast %scan3A_370 : i32 to index
      %get3A_376 = arith.constant 0 : index
      %get3A_377 = tpu.vector_load %arg13[%get3A_375, %get3A_376] {strides = array<i32>} : memref<128x256xf32, #tpu.memory_space<vmem>>, vector<16xf32>,
      %mul3A_378 = arith.mulf %gather3A, %get3A_377 : vector<16xf32>
      %add3A_379 = arith.addf %get3A_374, %mul3A_378 : vector<16xf32>
      %mul3A_380 = arith.constant 2.000000e-01 : f32
      %mul3A_381 = vector.broadcast %mul3A_380 : f32 to vector<16xf32>
      %mul3A_382 = arith.mulf %mul3A_381, %add3A_379 : vector<16xf32>
      %max3A = arith.maximumf %add3A_379, %mul3A_382 : vector<16xf32>
      %swap3A_383 = arith.index_cast %scan3A_370 : i32 to index
      %swap3A_384 = arith.constant 0 : index
      %swap3A_385 = tpu.vector_load %arg12[%swap3A_383, %swap3A_384] {strides = array<i32>} : memref<128x256xf32, #tpu.memory_space<vmem>>, vector<16xf32>,
      tpu.vector_store %arg12[%swap3A_383, %swap3A_384], %max3A {strides = array<i32>} : memref<128x256xf32, #tpu.memory_space<vmem>>, vector<16xf32>,
      %get3A_386 = arith.index_cast %scan3A_370 : i32 to index
      %get3A_387 = arith.constant 16 : index
      %get3A_388 = tpu.vector_load %arg12[%get3A_386, %get3A_387] {strides = array<i32>} : memref<128x256xf32, #tpu.memory_space<vmem>>, vector<16xf32>,
      %get3A_389 = arith.index_cast %scan3A_370 : i32 to index
      %get3A_390 = arith.constant 16 : index
      %get3A_391 = tpu.vector_load %arg13[%get3A_389, %get3A_390] {strides = array<i32>} : memref<128x256xf32, #tpu.memory_space<vmem>>, vector<16xf32>,
      %mul3A_392 = arith.mulf %gather3A, %get3A_391 : vector<16xf32>
      %add3A_393 = arith.addf %get3A_388, %mul3A_392 : vector<16xf32>
      %mul3A_394 = arith.constant 2.000000e-01 : f32
      %mul3A_395 = vector.broadcast %mul3A_394 : f32 to vector<16xf32>
      %mul3A_396 = arith.mulf %mul3A_395, %add3A_393 : vector<16xf32>
      %max3A_397 = arith.maximumf %add3A_393, %mul3A_396 : vector<16xf32>
      %swap3A_398 = arith.index_cast %scan3A_370 : i32 to index
      %swap3A_399 = arith.constant 16 : index
      %swap3A_400 = tpu.vector_load %arg12[%swap3A_398, %swap3A_399] {strides = array<i32>} : memref<128x256xf32, #tpu.memory_space<vmem>>, vector<16xf32>,
      tpu.vector_store %arg12[%swap3A_398, %swap3A_399], %max3A_397 {strides = array<i32>} : memref<128x256xf32, #tpu.memory_space<vmem>>, vector<16xf32>,
      %get3A_401 = arith.index_cast %scan3A_370 : i32 to index
      %get3A_402 = arith.constant 32 : index
      %get3A_403 = tpu.vector_load %arg12[%get3A_401, %get3A_402] {strides = array<i32>} : memref<128x256xf32, #tpu.memory_space<vmem>>, vector<16xf32>,
      %get3A_404 = arith.index_cast %scan3A_370 : i32 to index
      %get3A_405 = arith.constant 32 : index
      %get3A_406 = tpu.vector_load %arg13[%get3A_404, %get3A_405] {strides = array<i32>} : memref<128x256xf32, #tpu.memory_space<vmem>>, vector<16xf32>,
      %mul3A_407 = arith.mulf %gather3A, %get3A_406 : vector<16xf32>
      %add3A_408 = arith.addf %get3A_403, %mul3A_407 : vector<16xf32>
      %mul3A_409 = arith.constant 2.000000e-01 : f32
      %mul3A_410 = vector.broadcast %mul3A_409 : f32 to vector<16xf32>
      %mul3A_411 = arith.mulf %mul3A_410, %add3A_408 : vector<16xf32>
      %max3A_412 = arith.maximumf %add3A_408, %mul3A_411 : vector<16xf32>
      %swap3A_413 = arith.index_cast %scan3A_370 : i32 to index
      %swap3A_414 = arith.constant 32 : index
      %swap3A_415 = tpu.vector_load %arg12[%swap3A_413, %swap3A_414] {strides = array<i32>} : memref<128x256xf32, #tpu.memory_space<vmem>>, vector<16xf32>,
      tpu.vector_store %arg12[%swap3A_413, %swap3A_414], %max3A_412 {strides = array<i32>} : memref<128x256xf32, #tpu.memory_space<vmem>>, vector<16xf32>,
      %get3A_416 = arith.index_cast %scan3A_370 : i32 to index
      %get3A_417 = arith.constant 48 : index
      %get3A_418 = tpu.vector_load %arg12[%get3A_416, %get3A_417] {strides = array<i32>} : memref<128x256xf32, #tpu.memory_space<vmem>>, vector<16xf32>,
      %get3A_419 = arith.index_cast %scan3A_370 : i32 to index
      %get3A_420 = arith.constant 48 : index
      %get3A_421 = tpu.vector_load %arg13[%get3A_419, %get3A_420] {strides = array<i32>} : memref<128x256xf32, #tpu.memory_space<vmem>>, vector<16xf32>,
      %mul3A_422 = arith.mulf %gather3A, %get3A_421 : vector<16xf32>
      %add3A_423 = arith.addf %get3A_418, %mul3A_422 : vector<16xf32>
      %mul3A_424 = arith.constant 2.000000e-01 : f32
      %mul3A_425 = vector.broadcast %mul3A_424 : f32 to vector<16xf32>
      %mul3A_426 = arith.mulf %mul3A_425, %add3A_423 : vector<16xf32>
      %max3A_427 = arith.maximumf %add3A_423, %mul3A_426 : vector<16xf32>
      %swap3A_428 = arith.index_cast %scan3A_370 : i32 to index
      %swap3A_429 = arith.constant 48 : index
      %swap3A_430 = tpu.vector_load %arg12[%swap3A_428, %swap3A_429] {strides = array<i32>} : memref<128x256xf32, #tpu.memory_space<vmem>>, vector<16xf32>,
      tpu.vector_store %arg12[%swap3A_428, %swap3A_429], %max3A_427 {strides = array<i32>} : memref<128x256xf32, #tpu.memory_space<vmem>>, vector<16xf32>,
      %get3A_431 = arith.index_cast %scan3A_370 : i32 to index
      %get3A_432 = arith.constant 64 : index
      %get3A_433 = tpu.vector_load %arg12[%get3A_431, %get3A_432] {strides = array<i32>} : memref<128x256xf32, #tpu.memory_space<vmem>>, vector<16xf32>,
      %get3A_434 = arith.index_cast %scan3A_370 : i32 to index
      %get3A_435 = arith.constant 64 : index
      %get3A_436 = tpu.vector_load %arg13[%get3A_434, %get3A_435] {strides = array<i32>} : memref<128x256xf32, #tpu.memory_space<vmem>>, vector<16xf32>,
      %mul3A_437 = arith.mulf %gather3A, %get3A_436 : vector<16xf32>
      %add3A_438 = arith.addf %get3A_433, %mul3A_437 : vector<16xf32>
      %mul3A_439 = arith.constant 2.000000e-01 : f32
      %mul3A_440 = vector.broadcast %mul3A_439 : f32 to vector<16xf32>
      %mul3A_441 = arith.mulf %mul3A_440, %add3A_438 : vector<16xf32>
      %max3A_442 = arith.maximumf %add3A_438, %mul3A_441 : vector<16xf32>
      %swap3A_443 = arith.index_cast %scan3A_370 : i32 to index
      %swap3A_444 = arith.constant 64 : index
      %swap3A_445 = tpu.vector_load %arg12[%swap3A_443, %swap3A_444] {strides = array<i32>} : memref<128x256xf32, #tpu.memory_space<vmem>>, vector<16xf32>,
      tpu.vector_store %arg12[%swap3A_443, %swap3A_444], %max3A_442 {strides = array<i32>} : memref<128x256xf32, #tpu.memory_space<vmem>>, vector<16xf32>,
      %get3A_446 = arith.index_cast %scan3A_370 : i32 to index
      %get3A_447 = arith.constant 80 : index
      %get3A_448 = tpu.vector_load %arg12[%get3A_446, %get3A_447] {strides = array<i32>} : memref<128x256xf32, #tpu.memory_space<vmem>>, vector<16xf32>,
      %get3A_449 = arith.index_cast %scan3A_370 : i32 to index
      %get3A_450 = arith.constant 80 : index
      %get3A_451 = tpu.vector_load %arg13[%get3A_449, %get3A_450] {strides = array<i32>} : memref<128x256xf32, #tpu.memory_space<vmem>>, vector<16xf32>,
      %mul3A_452 = arith.mulf %gather3A, %get3A_451 : vector<16xf32>
      %add3A_453 = arith.addf %get3A_448, %mul3A_452 : vector<16xf32>
      %mul3A_454 = arith.constant 2.000000e-01 : f32
      %mul3A_455 = vector.broadcast %mul3A_454 : f32 to vector<16xf32>
      %mul3A_456 = arith.mulf %mul3A_455, %add3A_453 : vector<16xf32>
      %max3A_457 = arith.maximumf %add3A_453, %mul3A_456 : vector<16xf32>
      %swap3A_458 = arith.index_cast %scan3A_370 : i32 to index
      %swap3A_459 = arith.constant 80 : index
      %swap3A_460 = tpu.vector_load %arg12[%swap3A_458, %swap3A_459] {strides = array<i32>} : memref<128x256xf32, #tpu.memory_space<vmem>>, vector<16xf32>,
      tpu.vector_store %arg12[%swap3A_458, %swap3A_459], %max3A_457 {strides = array<i32>} : memref<128x256xf32, #tpu.memory_space<vmem>>, vector<16xf32>,
      %get3A_461 = arith.index_cast %scan3A_370 : i32 to index
      %get3A_462 = arith.constant 96 : index
      %get3A_463 = tpu.vector_load %arg12[%get3A_461, %get3A_462] {strides = array<i32>} : memref<128x256xf32, #tpu.memory_space<vmem>>, vector<16xf32>,
      %get3A_464 = arith.index_cast %scan3A_370 : i32 to index
      %get3A_465 = arith.constant 96 : index
      %get3A_466 = tpu.vector_load %arg13[%get3A_464, %get3A_465] {strides = array<i32>} : memref<128x256xf32, #tpu.memory_space<vmem>>, vector<16xf32>,
      %mul3A_467 = arith.mulf %gather3A, %get3A_466 : vector<16xf32>
      %add3A_468 = arith.addf %get3A_463, %mul3A_467 : vector<16xf32>
      %mul3A_469 = arith.constant 2.000000e-01 : f32
      %mul3A_470 = vector.broadcast %mul3A_469 : f32 to vector<16xf32>
      %mul3A_471 = arith.mulf %mul3A_470, %add3A_468 : vector<16xf32>
      %max3A_472 = arith.maximumf %add3A_468, %mul3A_471 : vector<16xf32>
      %swap3A_473 = arith.index_cast %scan3A_370 : i32 to index
      %swap3A_474 = arith.constant 96 : index
      %swap3A_475 = tpu.vector_load %arg12[%swap3A_473, %swap3A_474] {strides = array<i32>} : memref<128x256xf32, #tpu.memory_space<vmem>>, vector<16xf32>,
      tpu.vector_store %arg12[%swap3A_473, %swap3A_474], %max3A_472 {strides = array<i32>} : memref<128x256xf32, #tpu.memory_space<vmem>>, vector<16xf32>,
      %get3A_476 = arith.index_cast %scan3A_370 : i32 to index
      %get3A_477 = arith.constant 112 : index
      %get3A_478 = tpu.vector_load %arg12[%get3A_476, %get3A_477] {strides = array<i32>} : memref<128x256xf32, #tpu.memory_space<vmem>>, vector<16xf32>,
      %get3A_479 = arith.index_cast %scan3A_370 : i32 to index
      %get3A_480 = arith.constant 112 : index
      %get3A_481 = tpu.vector_load %arg13[%get3A_479, %get3A_480] {strides = array<i32>} : memref<128x256xf32, #tpu.memory_space<vmem>>, vector<16xf32>,
      %mul3A_482 = arith.mulf %gather3A, %get3A_481 : vector<16xf32>
      %add3A_483 = arith.addf %get3A_478, %mul3A_482 : vector<16xf32>
      %mul3A_484 = arith.constant 2.000000e-01 : f32
      %mul3A_485 = vector.broadcast %mul3A_484 : f32 to vector<16xf32>
      %mul3A_486 = arith.mulf %mul3A_485, %add3A_483 : vector<16xf32>
      %max3A_487 = arith.maximumf %add3A_483, %mul3A_486 : vector<16xf32>
      %swap3A_488 = arith.index_cast %scan3A_370 : i32 to index
      %swap3A_489 = arith.constant 112 : index
      %swap3A_490 = tpu.vector_load %arg12[%swap3A_488, %swap3A_489] {strides = array<i32>} : memref<128x256xf32, #tpu.memory_space<vmem>>, vector<16xf32>,
      tpu.vector_store %arg12[%swap3A_488, %swap3A_489], %max3A_487 {strides = array<i32>} : memref<128x256xf32, #tpu.memory_space<vmem>>, vector<16xf32>,
      %get3A_491 = arith.index_cast %scan3A_370 : i32 to index
      %get3A_492 = arith.constant 128 : index
      %get3A_493 = tpu.vector_load %arg12[%get3A_491, %get3A_492] {strides = array<i32>} : memref<128x256xf32, #tpu.memory_space<vmem>>, vector<16xf32>,
      %get3A_494 = arith.index_cast %scan3A_370 : i32 to index
      %get3A_495 = arith.constant 128 : index
      %get3A_496 = tpu.vector_load %arg13[%get3A_494, %get3A_495] {strides = array<i32>} : memref<128x256xf32, #tpu.memory_space<vmem>>, vector<16xf32>,
      %mul3A_497 = arith.mulf %gather3A, %get3A_496 : vector<16xf32>
      %add3A_498 = arith.addf %get3A_493, %mul3A_497 : vector<16xf32>
      %mul3A_499 = arith.constant 2.000000e-01 : f32
      %mul3A_500 = vector.broadcast %mul3A_499 : f32 to vector<16xf32>
      %mul3A_501 = arith.mulf %mul3A_500, %add3A_498 : vector<16xf32>
      %max3A_502 = arith.maximumf %add3A_498, %mul3A_501 : vector<16xf32>
      %swap3A_503 = arith.index_cast %scan3A_370 : i32 to index
      %swap3A_504 = arith.constant 128 : index
      %swap3A_505 = tpu.vector_load %arg12[%swap3A_503, %swap3A_504] {strides = array<i32>} : memref<128x256xf32, #tpu.memory_space<vmem>>, vector<16xf32>,
      tpu.vector_store %arg12[%swap3A_503, %swap3A_504], %max3A_502 {strides = array<i32>} : memref<128x256xf32, #tpu.memory_space<vmem>>, vector<16xf32>,
      %get3A_506 = arith.index_cast %scan3A_370 : i32 to index
      %get3A_507 = arith.constant 144 : index
      %get3A_508 = tpu.vector_load %arg12[%get3A_506, %get3A_507] {strides = array<i32>} : memref<128x256xf32, #tpu.memory_space<vmem>>, vector<16xf32>,
      %get3A_509 = arith.index_cast %scan3A_370 : i32 to index
      %get3A_510 = arith.constant 144 : index
      %get3A_511 = tpu.vector_load %arg13[%get3A_509, %get3A_510] {strides = array<i32>} : memref<128x256xf32, #tpu.memory_space<vmem>>, vector<16xf32>,
      %mul3A_512 = arith.mulf %gather3A, %get3A_511 : vector<16xf32>
      %add3A_513 = arith.addf %get3A_508, %mul3A_512 : vector<16xf32>
      %mul3A_514 = arith.constant 2.000000e-01 : f32
      %mul3A_515 = vector.broadcast %mul3A_514 : f32 to vector<16xf32>
      %mul3A_516 = arith.mulf %mul3A_515, %add3A_513 : vector<16xf32>
      %max3A_517 = arith.maximumf %add3A_513, %mul3A_516 : vector<16xf32>
      %swap3A_518 = arith.index_cast %scan3A_370 : i32 to index
      %swap3A_519 = arith.constant 144 : index
      %swap3A_520 = tpu.vector_load %arg12[%swap3A_518, %swap3A_519] {strides = array<i32>} : memref<128x256xf32, #tpu.memory_space<vmem>>, vector<16xf32>,
      tpu.vector_store %arg12[%swap3A_518, %swap3A_519], %max3A_517 {strides = array<i32>} : memref<128x256xf32, #tpu.memory_space<vmem>>, vector<16xf32>,
      %get3A_521 = arith.index_cast %scan3A_370 : i32 to index
      %get3A_522 = arith.constant 160 : index
      %get3A_523 = tpu.vector_load %arg12[%get3A_521, %get3A_522] {strides = array<i32>} : memref<128x256xf32, #tpu.memory_space<vmem>>, vector<16xf32>,
      %get3A_524 = arith.index_cast %scan3A_370 : i32 to index
      %get3A_525 = arith.constant 160 : index
      %get3A_526 = tpu.vector_load %arg13[%get3A_524, %get3A_525] {strides = array<i32>} : memref<128x256xf32, #tpu.memory_space<vmem>>, vector<16xf32>,
      %mul3A_527 = arith.mulf %gather3A, %get3A_526 : vector<16xf32>
      %add3A_528 = arith.addf %get3A_523, %mul3A_527 : vector<16xf32>
      %mul3A_529 = arith.constant 2.000000e-01 : f32
      %mul3A_530 = vector.broadcast %mul3A_529 : f32 to vector<16xf32>
      %mul3A_531 = arith.mulf %mul3A_530, %add3A_528 : vector<16xf32>
      %max3A_532 = arith.maximumf %add3A_528, %mul3A_531 : vector<16xf32>
      %swap3A_533 = arith.index_cast %scan3A_370 : i32 to index
      %swap3A_534 = arith.constant 160 : index
      %swap3A_535 = tpu.vector_load %arg12[%swap3A_533, %swap3A_534] {strides = array<i32>} : memref<128x256xf32, #tpu.memory_space<vmem>>, vector<16xf32>,
      tpu.vector_store %arg12[%swap3A_533, %swap3A_534], %max3A_532 {strides = array<i32>} : memref<128x256xf32, #tpu.memory_space<vmem>>, vector<16xf32>,
      %get3A_536 = arith.index_cast %scan3A_370 : i32 to index
      %get3A_537 = arith.constant 176 : index
      %get3A_538 = tpu.vector_load %arg12[%get3A_536, %get3A_537] {strides = array<i32>} : memref<128x256xf32, #tpu.memory_space<vmem>>, vector<16xf32>,
      %get3A_539 = arith.index_cast %scan3A_370 : i32 to index
      %get3A_540 = arith.constant 176 : index
      %get3A_541 = tpu.vector_load %arg13[%get3A_539, %get3A_540] {strides = array<i32>} : memref<128x256xf32, #tpu.memory_space<vmem>>, vector<16xf32>,
      %mul3A_542 = arith.mulf %gather3A, %get3A_541 : vector<16xf32>
      %add3A_543 = arith.addf %get3A_538, %mul3A_542 : vector<16xf32>
      %mul3A_544 = arith.constant 2.000000e-01 : f32
      %mul3A_545 = vector.broadcast %mul3A_544 : f32 to vector<16xf32>
      %mul3A_546 = arith.mulf %mul3A_545, %add3A_543 : vector<16xf32>
      %max3A_547 = arith.maximumf %add3A_543, %mul3A_546 : vector<16xf32>
      %swap3A_548 = arith.index_cast %scan3A_370 : i32 to index
      %swap3A_549 = arith.constant 176 : index
      %swap3A_550 = tpu.vector_load %arg12[%swap3A_548, %swap3A_549] {strides = array<i32>} : memref<128x256xf32, #tpu.memory_space<vmem>>, vector<16xf32>,
      tpu.vector_store %arg12[%swap3A_548, %swap3A_549], %max3A_547 {strides = array<i32>} : memref<128x256xf32, #tpu.memory_space<vmem>>, vector<16xf32>,
      %get3A_551 = arith.index_cast %scan3A_370 : i32 to index
      %get3A_552 = arith.constant 192 : index
      %get3A_553 = tpu.vector_load %arg12[%get3A_551, %get3A_552] {strides = array<i32>} : memref<128x256xf32, #tpu.memory_space<vmem>>, vector<16xf32>,
      %get3A_554 = arith.index_cast %scan3A_370 : i32 to index
      %get3A_555 = arith.constant 192 : index
      %get3A_556 = tpu.vector_load %arg13[%get3A_554, %get3A_555] {strides = array<i32>} : memref<128x256xf32, #tpu.memory_space<vmem>>, vector<16xf32>,
      %mul3A_557 = arith.mulf %gather3A, %get3A_556 : vector<16xf32>
      %add3A_558 = arith.addf %get3A_553, %mul3A_557 : vector<16xf32>
      %mul3A_559 = arith.constant 2.000000e-01 : f32
      %mul3A_560 = vector.broadcast %mul3A_559 : f32 to vector<16xf32>
      %mul3A_561 = arith.mulf %mul3A_560, %add3A_558 : vector<16xf32>
      %max3A_562 = arith.maximumf %add3A_558, %mul3A_561 : vector<16xf32>
      %swap3A_563 = arith.index_cast %scan3A_370 : i32 to index
      %swap3A_564 = arith.constant 192 : index
      %swap3A_565 = tpu.vector_load %arg12[%swap3A_563, %swap3A_564] {strides = array<i32>} : memref<128x256xf32, #tpu.memory_space<vmem>>, vector<16xf32>,
      tpu.vector_store %arg12[%swap3A_563, %swap3A_564], %max3A_562 {strides = array<i32>} : memref<128x256xf32, #tpu.memory_space<vmem>>, vector<16xf32>,
      %get3A_566 = arith.index_cast %scan3A_370 : i32 to index
      %get3A_567 = arith.constant 208 : index
      %get3A_568 = tpu.vector_load %arg12[%get3A_566, %get3A_567] {strides = array<i32>} : memref<128x256xf32, #tpu.memory_space<vmem>>, vector<16xf32>,
      %get3A_569 = arith.index_cast %scan3A_370 : i32 to index
      %get3A_570 = arith.constant 208 : index
      %get3A_571 = tpu.vector_load %arg13[%get3A_569, %get3A_570] {strides = array<i32>} : memref<128x256xf32, #tpu.memory_space<vmem>>, vector<16xf32>,
      %mul3A_572 = arith.mulf %gather3A, %get3A_571 : vector<16xf32>
      %add3A_573 = arith.addf %get3A_568, %mul3A_572 : vector<16xf32>
      %mul3A_574 = arith.constant 2.000000e-01 : f32
      %mul3A_575 = vector.broadcast %mul3A_574 : f32 to vector<16xf32>
      %mul3A_576 = arith.mulf %mul3A_575, %add3A_573 : vector<16xf32>
      %max3A_577 = arith.maximumf %add3A_573, %mul3A_576 : vector<16xf32>
      %swap3A_578 = arith.index_cast %scan3A_370 : i32 to index
      %swap3A_579 = arith.constant 208 : index
      %swap3A_580 = tpu.vector_load %arg12[%swap3A_578, %swap3A_579] {strides = array<i32>} : memref<128x256xf32, #tpu.memory_space<vmem>>, vector<16xf32>,
      tpu.vector_store %arg12[%swap3A_578, %swap3A_579], %max3A_577 {strides = array<i32>} : memref<128x256xf32, #tpu.memory_space<vmem>>, vector<16xf32>,
      %get3A_581 = arith.index_cast %scan3A_370 : i32 to index
      %get3A_582 = arith.constant 224 : index
      %get3A_583 = tpu.vector_load %arg12[%get3A_581, %get3A_582] {strides = array<i32>} : memref<128x256xf32, #tpu.memory_space<vmem>>, vector<16xf32>,
      %get3A_584 = arith.index_cast %scan3A_370 : i32 to index
      %get3A_585 = arith.constant 224 : index
      %get3A_586 = tpu.vector_load %arg13[%get3A_584, %get3A_585] {strides = array<i32>} : memref<128x256xf32, #tpu.memory_space<vmem>>, vector<16xf32>,
      %mul3A_587 = arith.mulf %gather3A, %get3A_586 : vector<16xf32>
      %add3A_588 = arith.addf %get3A_583, %mul3A_587 : vector<16xf32>
      %mul3A_589 = arith.constant 2.000000e-01 : f32
      %mul3A_590 = vector.broadcast %mul3A_589 : f32 to vector<16xf32>
      %mul3A_591 = arith.mulf %mul3A_590, %add3A_588 : vector<16xf32>
      %max3A_592 = arith.maximumf %add3A_588, %mul3A_591 : vector<16xf32>
      %swap3A_593 = arith.index_cast %scan3A_370 : i32 to index
      %swap3A_594 = arith.constant 224 : index
      %swap3A_595 = tpu.vector_load %arg12[%swap3A_593, %swap3A_594] {strides = array<i32>} : memref<128x256xf32, #tpu.memory_space<vmem>>, vector<16xf32>,
      tpu.vector_store %arg12[%swap3A_593, %swap3A_594], %max3A_592 {strides = array<i32>} : memref<128x256xf32, #tpu.memory_space<vmem>>, vector<16xf32>,
      %get3A_596 = arith.index_cast %scan3A_370 : i32 to index
      %get3A_597 = arith.constant 240 : index
      %get3A_598 = tpu.vector_load %arg12[%get3A_596, %get3A_597] {strides = array<i32>} : memref<128x256xf32, #tpu.memory_space<vmem>>, vector<16xf32>,
      %get3A_599 = arith.index_cast %scan3A_370 : i32 to index
      %get3A_600 = arith.constant 240 : index
      %get3A_601 = tpu.vector_load %arg13[%get3A_599, %get3A_600] {strides = array<i32>} : memref<128x256xf32, #tpu.memory_space<vmem>>, vector<16xf32>,
      %mul3A_602 = arith.mulf %gather3A, %get3A_601 : vector<16xf32>
      %add3A_603 = arith.addf %get3A_598, %mul3A_602 : vector<16xf32>
      %mul3A_604 = arith.constant 2.000000e-01 : f32
      %mul3A_605 = vector.broadcast %mul3A_604 : f32 to vector<16xf32>
      %mul3A_606 = arith.mulf %mul3A_605, %add3A_603 : vector<16xf32>
      %max3A_607 = arith.maximumf %add3A_603, %mul3A_606 : vector<16xf32>
      %swap3A_608 = arith.index_cast %scan3A_370 : i32 to index
      %swap3A_609 = arith.constant 240 : index
      %swap3A_610 = tpu.vector_load %arg12[%swap3A_608, %swap3A_609] {strides = array<i32>} : memref<128x256xf32, #tpu.memory_space<vmem>>, vector<16xf32>,
      tpu.vector_store %arg12[%swap3A_608, %swap3A_609], %max3A_607 {strides = array<i32>} : memref<128x256xf32, #tpu.memory_space<vmem>>, vector<16xf32>,
    }
    %scan3A_265 = arith.constant 32 : i32
    %dma_start3A_266 = arith.constant 32 : i32
    %dma_start3A_267 = arith.constant 0 : i32
    %dma_start3A_268 = tpu.memref_slice %arg12[%dma_start3A_266, %dma_start3A_267] : memref<128x256xf32, #tpu.memory_space<vmem>> -> memref<32x256xf32, #tpu.memory_space<vmem>>
    %dma_start3A_269 = arith.constant 32 : i32
    %dma_start3A_270 = tpu.memref_slice %arg7[%dma_start3A_269] : memref<128xi32, #tpu.memory_space<vmem>> -> memref<32xi32, #tpu.memory_space<vmem>>
    %dma_start3A_271 = arith.constant 0 : i32
    %dma_start3A_272 = arith.constant 0 : i32
    %dma_start3A_273 = tpu.memref_slice %arg6[%dma_start3A_271, %dma_start3A_272] : memref<4096x256xf32, #tpu.memory_space<hbm>> -> memref<4096x256xf32, #tpu.memory_space<hbm>>
    tpu.enqueue_indirect_dma source(%dma_start3A_268 : memref<32x256xf32, #tpu.memory_space<vmem>>) target(%dma_start3A_273 : memref<4096x256xf32, #tpu.memory_space<hbm>>) offsets(%dma_start3A_270 : memref<32xi32, #tpu.memory_space<vmem>>) semaphore(%arg16 : memref<!tpu.dma_semaphore, #tpu.memory_space<semaphore_mem>>)
    %dma_wait3A_274 = arith.constant 64 : i32
    %dma_wait3A_275 = arith.constant 0 : i32
    %dma_wait3A_276 = tpu.memref_slice %arg12[%dma_wait3A_274, %dma_wait3A_275] : memref<128x256xf32, #tpu.memory_space<vmem>> -> memref<32x256xf32, #tpu.memory_space<vmem>>
    %dma_wait3A_277 = arith.constant 64 : i32
    %dma_wait3A_278 = tpu.memref_slice %arg8[%dma_wait3A_277] : memref<128xi32, #tpu.memory_space<vmem>> -> memref<32xi32, #tpu.memory_space<vmem>>
    %dma_wait3A_279 = arith.constant 0 : i32
    %dma_wait3A_280 = arith.constant 0 : i32
    %dma_wait3A_281 = tpu.memref_slice %arg2[%dma_wait3A_279, %dma_wait3A_280] : memref<4096x256xf32, #tpu.memory_space<hbm>> -> memref<4096x256xf32, #tpu.memory_space<hbm>>
    tpu.wait_indirect_dma semaphore(%arg23 : memref<!tpu.dma_semaphore, #tpu.memory_space<semaphore_mem>>) src(%dma_wait3A_281 : memref<4096x256xf32, #tpu.memory_space<hbm>>) dst(%dma_wait3A_276 : memref<32x256xf32, #tpu.memory_space<vmem>>)
    %dma_wait3A_282 = arith.constant 64 : i32
    %dma_wait3A_283 = arith.constant 0 : i32
    %dma_wait3A_284 = tpu.memref_slice %arg13[%dma_wait3A_282, %dma_wait3A_283] : memref<128x256xf32, #tpu.memory_space<vmem>> -> memref<32x256xf32, #tpu.memory_space<vmem>>
    %dma_wait3A_285 = arith.constant 0 : i32
    %dma_wait3A_286 = tpu.memref_slice %arg2[%add3A_31, %dma_wait3A_285] : memref<4096x256xf32, #tpu.memory_space<hbm>> -> memref<32x256xf32, #tpu.memory_space<hbm>>
    %dma_wait3A_287 = arith.constant 64 : i32
    %dma_wait3A_288 = arith.constant 0 : i32
    %dma_wait3A_289 = tpu.memref_slice %arg13[%dma_wait3A_287, %dma_wait3A_288] : memref<128x256xf32, #tpu.memory_space<vmem>> -> memref<32x256xf32, #tpu.memory_space<vmem>>
    %dma_wait3A_290 = arith.constant 0 : i32
    %dma_wait3A_291 = tpu.memref_slice %arg2[%add3A_31, %dma_wait3A_290] : memref<4096x256xf32, #tpu.memory_space<hbm>> -> memref<32x256xf32, #tpu.memory_space<hbm>>
    tpu.wait_dma2 semaphore(%arg19 : memref<!tpu.dma_semaphore, #tpu.memory_space<semaphore_mem>>) src(%dma_wait3A_291 : memref<32x256xf32, #tpu.memory_space<hbm>>) dst(%dma_wait3A_289 : memref<32x256xf32, #tpu.memory_space<vmem>>)
    %scan3A_292 = arith.constant 0 : i32
    %scan3A_293 = arith.constant 64 : i32
    %scan3A_294 = arith.constant 32 : i32
    %scan3A_295 = arith.addi %scan3A_293, %scan3A_294 : i32
    %scan3A_296 = arith.constant 1 : i32
    scf.for %scan3A_370 = %scan3A_293 to %scan3A_295 step %scan3A_296  : i32 {
      %broadcast_in_dim3A_371 = vector.broadcast %scan3A_370 : i32 to vector<16xi32>
      %gather3A = tpu.vector_load_idx %arg11[%broadcast_in_dim3A_371] : memref<128xf32, #tpu.memory_space<vmem>>[vector<16xi32>], vector<16xf32>,
      %get3A_372 = arith.index_cast %scan3A_370 : i32 to index
      %get3A_373 = arith.constant 0 : index
      %get3A_374 = tpu.vector_load %arg12[%get3A_372, %get3A_373] {strides = array<i32>} : memref<128x256xf32, #tpu.memory_space<vmem>>, vector<16xf32>,
      %get3A_375 = arith.index_cast %scan3A_370 : i32 to index
      %get3A_376 = arith.constant 0 : index
      %get3A_377 = tpu.vector_load %arg13[%get3A_375, %get3A_376] {strides = array<i32>} : memref<128x256xf32, #tpu.memory_space<vmem>>, vector<16xf32>,
      %mul3A_378 = arith.mulf %gather3A, %get3A_377 : vector<16xf32>
      %add3A_379 = arith.addf %get3A_374, %mul3A_378 : vector<16xf32>
      %mul3A_380 = arith.constant 2.000000e-01 : f32
      %mul3A_381 = vector.broadcast %mul3A_380 : f32 to vector<16xf32>
      %mul3A_382 = arith.mulf %mul3A_381, %add3A_379 : vector<16xf32>
      %max3A = arith.maximumf %add3A_379, %mul3A_382 : vector<16xf32>
      %swap3A_383 = arith.index_cast %scan3A_370 : i32 to index
      %swap3A_384 = arith.constant 0 : index
      %swap3A_385 = tpu.vector_load %arg12[%swap3A_383, %swap3A_384] {strides = array<i32>} : memref<128x256xf32, #tpu.memory_space<vmem>>, vector<16xf32>,
      tpu.vector_store %arg12[%swap3A_383, %swap3A_384], %max3A {strides = array<i32>} : memref<128x256xf32, #tpu.memory_space<vmem>>, vector<16xf32>,
      %get3A_386 = arith.index_cast %scan3A_370 : i32 to index
      %get3A_387 = arith.constant 16 : index
      %get3A_388 = tpu.vector_load %arg12[%get3A_386, %get3A_387] {strides = array<i32>} : memref<128x256xf32, #tpu.memory_space<vmem>>, vector<16xf32>,
      %get3A_389 = arith.index_cast %scan3A_370 : i32 to index
      %get3A_390 = arith.constant 16 : index
      %get3A_391 = tpu.vector_load %arg13[%get3A_389, %get3A_390] {strides = array<i32>} : memref<128x256xf32, #tpu.memory_space<vmem>>, vector<16xf32>,
      %mul3A_392 = arith.mulf %gather3A, %get3A_391 : vector<16xf32>
      %add3A_393 = arith.addf %get3A_388, %mul3A_392 : vector<16xf32>
      %mul3A_394 = arith.constant 2.000000e-01 : f32
      %mul3A_395 = vector.broadcast %mul3A_394 : f32 to vector<16xf32>
      %mul3A_396 = arith.mulf %mul3A_395, %add3A_393 : vector<16xf32>
      %max3A_397 = arith.maximumf %add3A_393, %mul3A_396 : vector<16xf32>
      %swap3A_398 = arith.index_cast %scan3A_370 : i32 to index
      %swap3A_399 = arith.constant 16 : index
      %swap3A_400 = tpu.vector_load %arg12[%swap3A_398, %swap3A_399] {strides = array<i32>} : memref<128x256xf32, #tpu.memory_space<vmem>>, vector<16xf32>,
      tpu.vector_store %arg12[%swap3A_398, %swap3A_399], %max3A_397 {strides = array<i32>} : memref<128x256xf32, #tpu.memory_space<vmem>>, vector<16xf32>,
      %get3A_401 = arith.index_cast %scan3A_370 : i32 to index
      %get3A_402 = arith.constant 32 : index
      %get3A_403 = tpu.vector_load %arg12[%get3A_401, %get3A_402] {strides = array<i32>} : memref<128x256xf32, #tpu.memory_space<vmem>>, vector<16xf32>,
      %get3A_404 = arith.index_cast %scan3A_370 : i32 to index
      %get3A_405 = arith.constant 32 : index
      %get3A_406 = tpu.vector_load %arg13[%get3A_404, %get3A_405] {strides = array<i32>} : memref<128x256xf32, #tpu.memory_space<vmem>>, vector<16xf32>,
      %mul3A_407 = arith.mulf %gather3A, %get3A_406 : vector<16xf32>
      %add3A_408 = arith.addf %get3A_403, %mul3A_407 : vector<16xf32>
      %mul3A_409 = arith.constant 2.000000e-01 : f32
      %mul3A_410 = vector.broadcast %mul3A_409 : f32 to vector<16xf32>
      %mul3A_411 = arith.mulf %mul3A_410, %add3A_408 : vector<16xf32>
      %max3A_412 = arith.maximumf %add3A_408, %mul3A_411 : vector<16xf32>
      %swap3A_413 = arith.index_cast %scan3A_370 : i32 to index
      %swap3A_414 = arith.constant 32 : index
      %swap3A_415 = tpu.vector_load %arg12[%swap3A_413, %swap3A_414] {strides = array<i32>} : memref<128x256xf32, #tpu.memory_space<vmem>>, vector<16xf32>,
      tpu.vector_store %arg12[%swap3A_413, %swap3A_414], %max3A_412 {strides = array<i32>} : memref<128x256xf32, #tpu.memory_space<vmem>>, vector<16xf32>,
      %get3A_416 = arith.index_cast %scan3A_370 : i32 to index
      %get3A_417 = arith.constant 48 : index
      %get3A_418 = tpu.vector_load %arg12[%get3A_416, %get3A_417] {strides = array<i32>} : memref<128x256xf32, #tpu.memory_space<vmem>>, vector<16xf32>,
      %get3A_419 = arith.index_cast %scan3A_370 : i32 to index
      %get3A_420 = arith.constant 48 : index
      %get3A_421 = tpu.vector_load %arg13[%get3A_419, %get3A_420] {strides = array<i32>} : memref<128x256xf32, #tpu.memory_space<vmem>>, vector<16xf32>,
      %mul3A_422 = arith.mulf %gather3A, %get3A_421 : vector<16xf32>
      %add3A_423 = arith.addf %get3A_418, %mul3A_422 : vector<16xf32>
      %mul3A_424 = arith.constant 2.000000e-01 : f32
      %mul3A_425 = vector.broadcast %mul3A_424 : f32 to vector<16xf32>
      %mul3A_426 = arith.mulf %mul3A_425, %add3A_423 : vector<16xf32>
      %max3A_427 = arith.maximumf %add3A_423, %mul3A_426 : vector<16xf32>
      %swap3A_428 = arith.index_cast %scan3A_370 : i32 to index
      %swap3A_429 = arith.constant 48 : index
      %swap3A_430 = tpu.vector_load %arg12[%swap3A_428, %swap3A_429] {strides = array<i32>} : memref<128x256xf32, #tpu.memory_space<vmem>>, vector<16xf32>,
      tpu.vector_store %arg12[%swap3A_428, %swap3A_429], %max3A_427 {strides = array<i32>} : memref<128x256xf32, #tpu.memory_space<vmem>>, vector<16xf32>,
      %get3A_431 = arith.index_cast %scan3A_370 : i32 to index
      %get3A_432 = arith.constant 64 : index
      %get3A_433 = tpu.vector_load %arg12[%get3A_431, %get3A_432] {strides = array<i32>} : memref<128x256xf32, #tpu.memory_space<vmem>>, vector<16xf32>,
      %get3A_434 = arith.index_cast %scan3A_370 : i32 to index
      %get3A_435 = arith.constant 64 : index
      %get3A_436 = tpu.vector_load %arg13[%get3A_434, %get3A_435] {strides = array<i32>} : memref<128x256xf32, #tpu.memory_space<vmem>>, vector<16xf32>,
      %mul3A_437 = arith.mulf %gather3A, %get3A_436 : vector<16xf32>
      %add3A_438 = arith.addf %get3A_433, %mul3A_437 : vector<16xf32>
      %mul3A_439 = arith.constant 2.000000e-01 : f32
      %mul3A_440 = vector.broadcast %mul3A_439 : f32 to vector<16xf32>
      %mul3A_441 = arith.mulf %mul3A_440, %add3A_438 : vector<16xf32>
      %max3A_442 = arith.maximumf %add3A_438, %mul3A_441 : vector<16xf32>
      %swap3A_443 = arith.index_cast %scan3A_370 : i32 to index
      %swap3A_444 = arith.constant 64 : index
      %swap3A_445 = tpu.vector_load %arg12[%swap3A_443, %swap3A_444] {strides = array<i32>} : memref<128x256xf32, #tpu.memory_space<vmem>>, vector<16xf32>,
      tpu.vector_store %arg12[%swap3A_443, %swap3A_444], %max3A_442 {strides = array<i32>} : memref<128x256xf32, #tpu.memory_space<vmem>>, vector<16xf32>,
      %get3A_446 = arith.index_cast %scan3A_370 : i32 to index
      %get3A_447 = arith.constant 80 : index
      %get3A_448 = tpu.vector_load %arg12[%get3A_446, %get3A_447] {strides = array<i32>} : memref<128x256xf32, #tpu.memory_space<vmem>>, vector<16xf32>,
      %get3A_449 = arith.index_cast %scan3A_370 : i32 to index
      %get3A_450 = arith.constant 80 : index
      %get3A_451 = tpu.vector_load %arg13[%get3A_449, %get3A_450] {strides = array<i32>} : memref<128x256xf32, #tpu.memory_space<vmem>>, vector<16xf32>,
      %mul3A_452 = arith.mulf %gather3A, %get3A_451 : vector<16xf32>
      %add3A_453 = arith.addf %get3A_448, %mul3A_452 : vector<16xf32>
      %mul3A_454 = arith.constant 2.000000e-01 : f32
      %mul3A_455 = vector.broadcast %mul3A_454 : f32 to vector<16xf32>
      %mul3A_456 = arith.mulf %mul3A_455, %add3A_453 : vector<16xf32>
      %max3A_457 = arith.maximumf %add3A_453, %mul3A_456 : vector<16xf32>
      %swap3A_458 = arith.index_cast %scan3A_370 : i32 to index
      %swap3A_459 = arith.constant 80 : index
      %swap3A_460 = tpu.vector_load %arg12[%swap3A_458, %swap3A_459] {strides = array<i32>} : memref<128x256xf32, #tpu.memory_space<vmem>>, vector<16xf32>,
      tpu.vector_store %arg12[%swap3A_458, %swap3A_459], %max3A_457 {strides = array<i32>} : memref<128x256xf32, #tpu.memory_space<vmem>>, vector<16xf32>,
      %get3A_461 = arith.index_cast %scan3A_370 : i32 to index
      %get3A_462 = arith.constant 96 : index
      %get3A_463 = tpu.vector_load %arg12[%get3A_461, %get3A_462] {strides = array<i32>} : memref<128x256xf32, #tpu.memory_space<vmem>>, vector<16xf32>,
      %get3A_464 = arith.index_cast %scan3A_370 : i32 to index
      %get3A_465 = arith.constant 96 : index
      %get3A_466 = tpu.vector_load %arg13[%get3A_464, %get3A_465] {strides = array<i32>} : memref<128x256xf32, #tpu.memory_space<vmem>>, vector<16xf32>,
      %mul3A_467 = arith.mulf %gather3A, %get3A_466 : vector<16xf32>
      %add3A_468 = arith.addf %get3A_463, %mul3A_467 : vector<16xf32>
      %mul3A_469 = arith.constant 2.000000e-01 : f32
      %mul3A_470 = vector.broadcast %mul3A_469 : f32 to vector<16xf32>
      %mul3A_471 = arith.mulf %mul3A_470, %add3A_468 : vector<16xf32>
      %max3A_472 = arith.maximumf %add3A_468, %mul3A_471 : vector<16xf32>
      %swap3A_473 = arith.index_cast %scan3A_370 : i32 to index
      %swap3A_474 = arith.constant 96 : index
      %swap3A_475 = tpu.vector_load %arg12[%swap3A_473, %swap3A_474] {strides = array<i32>} : memref<128x256xf32, #tpu.memory_space<vmem>>, vector<16xf32>,
      tpu.vector_store %arg12[%swap3A_473, %swap3A_474], %max3A_472 {strides = array<i32>} : memref<128x256xf32, #tpu.memory_space<vmem>>, vector<16xf32>,
      %get3A_476 = arith.index_cast %scan3A_370 : i32 to index
      %get3A_477 = arith.constant 112 : index
      %get3A_478 = tpu.vector_load %arg12[%get3A_476, %get3A_477] {strides = array<i32>} : memref<128x256xf32, #tpu.memory_space<vmem>>, vector<16xf32>,
      %get3A_479 = arith.index_cast %scan3A_370 : i32 to index
      %get3A_480 = arith.constant 112 : index
      %get3A_481 = tpu.vector_load %arg13[%get3A_479, %get3A_480] {strides = array<i32>} : memref<128x256xf32, #tpu.memory_space<vmem>>, vector<16xf32>,
      %mul3A_482 = arith.mulf %gather3A, %get3A_481 : vector<16xf32>
      %add3A_483 = arith.addf %get3A_478, %mul3A_482 : vector<16xf32>
      %mul3A_484 = arith.constant 2.000000e-01 : f32
      %mul3A_485 = vector.broadcast %mul3A_484 : f32 to vector<16xf32>
      %mul3A_486 = arith.mulf %mul3A_485, %add3A_483 : vector<16xf32>
      %max3A_487 = arith.maximumf %add3A_483, %mul3A_486 : vector<16xf32>
      %swap3A_488 = arith.index_cast %scan3A_370 : i32 to index
      %swap3A_489 = arith.constant 112 : index
      %swap3A_490 = tpu.vector_load %arg12[%swap3A_488, %swap3A_489] {strides = array<i32>} : memref<128x256xf32, #tpu.memory_space<vmem>>, vector<16xf32>,
      tpu.vector_store %arg12[%swap3A_488, %swap3A_489], %max3A_487 {strides = array<i32>} : memref<128x256xf32, #tpu.memory_space<vmem>>, vector<16xf32>,
      %get3A_491 = arith.index_cast %scan3A_370 : i32 to index
      %get3A_492 = arith.constant 128 : index
      %get3A_493 = tpu.vector_load %arg12[%get3A_491, %get3A_492] {strides = array<i32>} : memref<128x256xf32, #tpu.memory_space<vmem>>, vector<16xf32>,
      %get3A_494 = arith.index_cast %scan3A_370 : i32 to index
      %get3A_495 = arith.constant 128 : index
      %get3A_496 = tpu.vector_load %arg13[%get3A_494, %get3A_495] {strides = array<i32>} : memref<128x256xf32, #tpu.memory_space<vmem>>, vector<16xf32>,
      %mul3A_497 = arith.mulf %gather3A, %get3A_496 : vector<16xf32>
      %add3A_498 = arith.addf %get3A_493, %mul3A_497 : vector<16xf32>
      %mul3A_499 = arith.constant 2.000000e-01 : f32
      %mul3A_500 = vector.broadcast %mul3A_499 : f32 to vector<16xf32>
      %mul3A_501 = arith.mulf %mul3A_500, %add3A_498 : vector<16xf32>
      %max3A_502 = arith.maximumf %add3A_498, %mul3A_501 : vector<16xf32>
      %swap3A_503 = arith.index_cast %scan3A_370 : i32 to index
      %swap3A_504 = arith.constant 128 : index
      %swap3A_505 = tpu.vector_load %arg12[%swap3A_503, %swap3A_504] {strides = array<i32>} : memref<128x256xf32, #tpu.memory_space<vmem>>, vector<16xf32>,
      tpu.vector_store %arg12[%swap3A_503, %swap3A_504], %max3A_502 {strides = array<i32>} : memref<128x256xf32, #tpu.memory_space<vmem>>, vector<16xf32>,
      %get3A_506 = arith.index_cast %scan3A_370 : i32 to index
      %get3A_507 = arith.constant 144 : index
      %get3A_508 = tpu.vector_load %arg12[%get3A_506, %get3A_507] {strides = array<i32>} : memref<128x256xf32, #tpu.memory_space<vmem>>, vector<16xf32>,
      %get3A_509 = arith.index_cast %scan3A_370 : i32 to index
      %get3A_510 = arith.constant 144 : index
      %get3A_511 = tpu.vector_load %arg13[%get3A_509, %get3A_510] {strides = array<i32>} : memref<128x256xf32, #tpu.memory_space<vmem>>, vector<16xf32>,
      %mul3A_512 = arith.mulf %gather3A, %get3A_511 : vector<16xf32>
      %add3A_513 = arith.addf %get3A_508, %mul3A_512 : vector<16xf32>
      %mul3A_514 = arith.constant 2.000000e-01 : f32
      %mul3A_515 = vector.broadcast %mul3A_514 : f32 to vector<16xf32>
      %mul3A_516 = arith.mulf %mul3A_515, %add3A_513 : vector<16xf32>
      %max3A_517 = arith.maximumf %add3A_513, %mul3A_516 : vector<16xf32>
      %swap3A_518 = arith.index_cast %scan3A_370 : i32 to index
      %swap3A_519 = arith.constant 144 : index
      %swap3A_520 = tpu.vector_load %arg12[%swap3A_518, %swap3A_519] {strides = array<i32>} : memref<128x256xf32, #tpu.memory_space<vmem>>, vector<16xf32>,
      tpu.vector_store %arg12[%swap3A_518, %swap3A_519], %max3A_517 {strides = array<i32>} : memref<128x256xf32, #tpu.memory_space<vmem>>, vector<16xf32>,
      %get3A_521 = arith.index_cast %scan3A_370 : i32 to index
      %get3A_522 = arith.constant 160 : index
      %get3A_523 = tpu.vector_load %arg12[%get3A_521, %get3A_522] {strides = array<i32>} : memref<128x256xf32, #tpu.memory_space<vmem>>, vector<16xf32>,
      %get3A_524 = arith.index_cast %scan3A_370 : i32 to index
      %get3A_525 = arith.constant 160 : index
      %get3A_526 = tpu.vector_load %arg13[%get3A_524, %get3A_525] {strides = array<i32>} : memref<128x256xf32, #tpu.memory_space<vmem>>, vector<16xf32>,
      %mul3A_527 = arith.mulf %gather3A, %get3A_526 : vector<16xf32>
      %add3A_528 = arith.addf %get3A_523, %mul3A_527 : vector<16xf32>
      %mul3A_529 = arith.constant 2.000000e-01 : f32
      %mul3A_530 = vector.broadcast %mul3A_529 : f32 to vector<16xf32>
      %mul3A_531 = arith.mulf %mul3A_530, %add3A_528 : vector<16xf32>
      %max3A_532 = arith.maximumf %add3A_528, %mul3A_531 : vector<16xf32>
      %swap3A_533 = arith.index_cast %scan3A_370 : i32 to index
      %swap3A_534 = arith.constant 160 : index
      %swap3A_535 = tpu.vector_load %arg12[%swap3A_533, %swap3A_534] {strides = array<i32>} : memref<128x256xf32, #tpu.memory_space<vmem>>, vector<16xf32>,
      tpu.vector_store %arg12[%swap3A_533, %swap3A_534], %max3A_532 {strides = array<i32>} : memref<128x256xf32, #tpu.memory_space<vmem>>, vector<16xf32>,
      %get3A_536 = arith.index_cast %scan3A_370 : i32 to index
      %get3A_537 = arith.constant 176 : index
      %get3A_538 = tpu.vector_load %arg12[%get3A_536, %get3A_537] {strides = array<i32>} : memref<128x256xf32, #tpu.memory_space<vmem>>, vector<16xf32>,
      %get3A_539 = arith.index_cast %scan3A_370 : i32 to index
      %get3A_540 = arith.constant 176 : index
      %get3A_541 = tpu.vector_load %arg13[%get3A_539, %get3A_540] {strides = array<i32>} : memref<128x256xf32, #tpu.memory_space<vmem>>, vector<16xf32>,
      %mul3A_542 = arith.mulf %gather3A, %get3A_541 : vector<16xf32>
      %add3A_543 = arith.addf %get3A_538, %mul3A_542 : vector<16xf32>
      %mul3A_544 = arith.constant 2.000000e-01 : f32
      %mul3A_545 = vector.broadcast %mul3A_544 : f32 to vector<16xf32>
      %mul3A_546 = arith.mulf %mul3A_545, %add3A_543 : vector<16xf32>
      %max3A_547 = arith.maximumf %add3A_543, %mul3A_546 : vector<16xf32>
      %swap3A_548 = arith.index_cast %scan3A_370 : i32 to index
      %swap3A_549 = arith.constant 176 : index
      %swap3A_550 = tpu.vector_load %arg12[%swap3A_548, %swap3A_549] {strides = array<i32>} : memref<128x256xf32, #tpu.memory_space<vmem>>, vector<16xf32>,
      tpu.vector_store %arg12[%swap3A_548, %swap3A_549], %max3A_547 {strides = array<i32>} : memref<128x256xf32, #tpu.memory_space<vmem>>, vector<16xf32>,
      %get3A_551 = arith.index_cast %scan3A_370 : i32 to index
      %get3A_552 = arith.constant 192 : index
      %get3A_553 = tpu.vector_load %arg12[%get3A_551, %get3A_552] {strides = array<i32>} : memref<128x256xf32, #tpu.memory_space<vmem>>, vector<16xf32>,
      %get3A_554 = arith.index_cast %scan3A_370 : i32 to index
      %get3A_555 = arith.constant 192 : index
      %get3A_556 = tpu.vector_load %arg13[%get3A_554, %get3A_555] {strides = array<i32>} : memref<128x256xf32, #tpu.memory_space<vmem>>, vector<16xf32>,
      %mul3A_557 = arith.mulf %gather3A, %get3A_556 : vector<16xf32>
      %add3A_558 = arith.addf %get3A_553, %mul3A_557 : vector<16xf32>
      %mul3A_559 = arith.constant 2.000000e-01 : f32
      %mul3A_560 = vector.broadcast %mul3A_559 : f32 to vector<16xf32>
      %mul3A_561 = arith.mulf %mul3A_560, %add3A_558 : vector<16xf32>
      %max3A_562 = arith.maximumf %add3A_558, %mul3A_561 : vector<16xf32>
      %swap3A_563 = arith.index_cast %scan3A_370 : i32 to index
      %swap3A_564 = arith.constant 192 : index
      %swap3A_565 = tpu.vector_load %arg12[%swap3A_563, %swap3A_564] {strides = array<i32>} : memref<128x256xf32, #tpu.memory_space<vmem>>, vector<16xf32>,
      tpu.vector_store %arg12[%swap3A_563, %swap3A_564], %max3A_562 {strides = array<i32>} : memref<128x256xf32, #tpu.memory_space<vmem>>, vector<16xf32>,
      %get3A_566 = arith.index_cast %scan3A_370 : i32 to index
      %get3A_567 = arith.constant 208 : index
      %get3A_568 = tpu.vector_load %arg12[%get3A_566, %get3A_567] {strides = array<i32>} : memref<128x256xf32, #tpu.memory_space<vmem>>, vector<16xf32>,
      %get3A_569 = arith.index_cast %scan3A_370 : i32 to index
      %get3A_570 = arith.constant 208 : index
      %get3A_571 = tpu.vector_load %arg13[%get3A_569, %get3A_570] {strides = array<i32>} : memref<128x256xf32, #tpu.memory_space<vmem>>, vector<16xf32>,
      %mul3A_572 = arith.mulf %gather3A, %get3A_571 : vector<16xf32>
      %add3A_573 = arith.addf %get3A_568, %mul3A_572 : vector<16xf32>
      %mul3A_574 = arith.constant 2.000000e-01 : f32
      %mul3A_575 = vector.broadcast %mul3A_574 : f32 to vector<16xf32>
      %mul3A_576 = arith.mulf %mul3A_575, %add3A_573 : vector<16xf32>
      %max3A_577 = arith.maximumf %add3A_573, %mul3A_576 : vector<16xf32>
      %swap3A_578 = arith.index_cast %scan3A_370 : i32 to index
      %swap3A_579 = arith.constant 208 : index
      %swap3A_580 = tpu.vector_load %arg12[%swap3A_578, %swap3A_579] {strides = array<i32>} : memref<128x256xf32, #tpu.memory_space<vmem>>, vector<16xf32>,
      tpu.vector_store %arg12[%swap3A_578, %swap3A_579], %max3A_577 {strides = array<i32>} : memref<128x256xf32, #tpu.memory_space<vmem>>, vector<16xf32>,
      %get3A_581 = arith.index_cast %scan3A_370 : i32 to index
      %get3A_582 = arith.constant 224 : index
      %get3A_583 = tpu.vector_load %arg12[%get3A_581, %get3A_582] {strides = array<i32>} : memref<128x256xf32, #tpu.memory_space<vmem>>, vector<16xf32>,
      %get3A_584 = arith.index_cast %scan3A_370 : i32 to index
      %get3A_585 = arith.constant 224 : index
      %get3A_586 = tpu.vector_load %arg13[%get3A_584, %get3A_585] {strides = array<i32>} : memref<128x256xf32, #tpu.memory_space<vmem>>, vector<16xf32>,
      %mul3A_587 = arith.mulf %gather3A, %get3A_586 : vector<16xf32>
      %add3A_588 = arith.addf %get3A_583, %mul3A_587 : vector<16xf32>
      %mul3A_589 = arith.constant 2.000000e-01 : f32
      %mul3A_590 = vector.broadcast %mul3A_589 : f32 to vector<16xf32>
      %mul3A_591 = arith.mulf %mul3A_590, %add3A_588 : vector<16xf32>
      %max3A_592 = arith.maximumf %add3A_588, %mul3A_591 : vector<16xf32>
      %swap3A_593 = arith.index_cast %scan3A_370 : i32 to index
      %swap3A_594 = arith.constant 224 : index
      %swap3A_595 = tpu.vector_load %arg12[%swap3A_593, %swap3A_594] {strides = array<i32>} : memref<128x256xf32, #tpu.memory_space<vmem>>, vector<16xf32>,
      tpu.vector_store %arg12[%swap3A_593, %swap3A_594], %max3A_592 {strides = array<i32>} : memref<128x256xf32, #tpu.memory_space<vmem>>, vector<16xf32>,
      %get3A_596 = arith.index_cast %scan3A_370 : i32 to index
      %get3A_597 = arith.constant 240 : index
      %get3A_598 = tpu.vector_load %arg12[%get3A_596, %get3A_597] {strides = array<i32>} : memref<128x256xf32, #tpu.memory_space<vmem>>, vector<16xf32>,
      %get3A_599 = arith.index_cast %scan3A_370 : i32 to index
      %get3A_600 = arith.constant 240 : index
      %get3A_601 = tpu.vector_load %arg13[%get3A_599, %get3A_600] {strides = array<i32>} : memref<128x256xf32, #tpu.memory_space<vmem>>, vector<16xf32>,
      %mul3A_602 = arith.mulf %gather3A, %get3A_601 : vector<16xf32>
      %add3A_603 = arith.addf %get3A_598, %mul3A_602 : vector<16xf32>
      %mul3A_604 = arith.constant 2.000000e-01 : f32
      %mul3A_605 = vector.broadcast %mul3A_604 : f32 to vector<16xf32>
      %mul3A_606 = arith.mulf %mul3A_605, %add3A_603 : vector<16xf32>
      %max3A_607 = arith.maximumf %add3A_603, %mul3A_606 : vector<16xf32>
      %swap3A_608 = arith.index_cast %scan3A_370 : i32 to index
      %swap3A_609 = arith.constant 240 : index
      %swap3A_610 = tpu.vector_load %arg12[%swap3A_608, %swap3A_609] {strides = array<i32>} : memref<128x256xf32, #tpu.memory_space<vmem>>, vector<16xf32>,
      tpu.vector_store %arg12[%swap3A_608, %swap3A_609], %max3A_607 {strides = array<i32>} : memref<128x256xf32, #tpu.memory_space<vmem>>, vector<16xf32>,
    }
    %scan3A_297 = arith.constant 32 : i32
    %dma_start3A_298 = arith.constant 64 : i32
    %dma_start3A_299 = arith.constant 0 : i32
    %dma_start3A_300 = tpu.memref_slice %arg12[%dma_start3A_298, %dma_start3A_299] : memref<128x256xf32, #tpu.memory_space<vmem>> -> memref<32x256xf32, #tpu.memory_space<vmem>>
    %dma_start3A_301 = arith.constant 64 : i32
    %dma_start3A_302 = tpu.memref_slice %arg7[%dma_start3A_301] : memref<128xi32, #tpu.memory_space<vmem>> -> memref<32xi32, #tpu.memory_space<vmem>>
    %dma_start3A_303 = arith.constant 0 : i32
    %dma_start3A_304 = arith.constant 0 : i32
    %dma_start3A_305 = tpu.memref_slice %arg6[%dma_start3A_303, %dma_start3A_304] : memref<4096x256xf32, #tpu.memory_space<hbm>> -> memref<4096x256xf32, #tpu.memory_space<hbm>>
    tpu.enqueue_indirect_dma source(%dma_start3A_300 : memref<32x256xf32, #tpu.memory_space<vmem>>) target(%dma_start3A_305 : memref<4096x256xf32, #tpu.memory_space<hbm>>) offsets(%dma_start3A_302 : memref<32xi32, #tpu.memory_space<vmem>>) semaphore(%arg16 : memref<!tpu.dma_semaphore, #tpu.memory_space<semaphore_mem>>)
    %dma_wait3A_306 = arith.constant 96 : i32
    %dma_wait3A_307 = arith.constant 0 : i32
    %dma_wait3A_308 = tpu.memref_slice %arg12[%dma_wait3A_306, %dma_wait3A_307] : memref<128x256xf32, #tpu.memory_space<vmem>> -> memref<32x256xf32, #tpu.memory_space<vmem>>
    %dma_wait3A_309 = arith.constant 96 : i32
    %dma_wait3A_310 = tpu.memref_slice %arg8[%dma_wait3A_309] : memref<128xi32, #tpu.memory_space<vmem>> -> memref<32xi32, #tpu.memory_space<vmem>>
    %dma_wait3A_311 = arith.constant 0 : i32
    %dma_wait3A_312 = arith.constant 0 : i32
    %dma_wait3A_313 = tpu.memref_slice %arg2[%dma_wait3A_311, %dma_wait3A_312] : memref<4096x256xf32, #tpu.memory_space<hbm>> -> memref<4096x256xf32, #tpu.memory_space<hbm>>
    tpu.wait_indirect_dma semaphore(%arg24 : memref<!tpu.dma_semaphore, #tpu.memory_space<semaphore_mem>>) src(%dma_wait3A_313 : memref<4096x256xf32, #tpu.memory_space<hbm>>) dst(%dma_wait3A_308 : memref<32x256xf32, #tpu.memory_space<vmem>>)
    %dma_wait3A_314 = arith.constant 96 : i32
    %dma_wait3A_315 = arith.constant 0 : i32
    %dma_wait3A_316 = tpu.memref_slice %arg13[%dma_wait3A_314, %dma_wait3A_315] : memref<128x256xf32, #tpu.memory_space<vmem>> -> memref<32x256xf32, #tpu.memory_space<vmem>>
    %dma_wait3A_317 = arith.constant 0 : i32
    %dma_wait3A_318 = tpu.memref_slice %arg2[%add3A_43, %dma_wait3A_317] : memref<4096x256xf32, #tpu.memory_space<hbm>> -> memref<32x256xf32, #tpu.memory_space<hbm>>
    %dma_wait3A_319 = arith.constant 96 : i32
    %dma_wait3A_320 = arith.constant 0 : i32
    %dma_wait3A_321 = tpu.memref_slice %arg13[%dma_wait3A_319, %dma_wait3A_320] : memref<128x256xf32, #tpu.memory_space<vmem>> -> memref<32x256xf32, #tpu.memory_space<vmem>>
    %dma_wait3A_322 = arith.constant 0 : i32
    %dma_wait3A_323 = tpu.memref_slice %arg2[%add3A_43, %dma_wait3A_322] : memref<4096x256xf32, #tpu.memory_space<hbm>> -> memref<32x256xf32, #tpu.memory_space<hbm>>
    tpu.wait_dma2 semaphore(%arg20 : memref<!tpu.dma_semaphore, #tpu.memory_space<semaphore_mem>>) src(%dma_wait3A_323 : memref<32x256xf32, #tpu.memory_space<hbm>>) dst(%dma_wait3A_321 : memref<32x256xf32, #tpu.memory_space<vmem>>)
    %scan3A_324 = arith.constant 0 : i32
    %scan3A_325 = arith.constant 96 : i32
    %scan3A_326 = arith.constant 32 : i32
    %scan3A_327 = arith.addi %scan3A_325, %scan3A_326 : i32
    %scan3A_328 = arith.constant 1 : i32
    scf.for %scan3A_370 = %scan3A_325 to %scan3A_327 step %scan3A_328  : i32 {
      %broadcast_in_dim3A_371 = vector.broadcast %scan3A_370 : i32 to vector<16xi32>
      %gather3A = tpu.vector_load_idx %arg11[%broadcast_in_dim3A_371] : memref<128xf32, #tpu.memory_space<vmem>>[vector<16xi32>], vector<16xf32>,
      %get3A_372 = arith.index_cast %scan3A_370 : i32 to index
      %get3A_373 = arith.constant 0 : index
      %get3A_374 = tpu.vector_load %arg12[%get3A_372, %get3A_373] {strides = array<i32>} : memref<128x256xf32, #tpu.memory_space<vmem>>, vector<16xf32>,
      %get3A_375 = arith.index_cast %scan3A_370 : i32 to index
      %get3A_376 = arith.constant 0 : index
      %get3A_377 = tpu.vector_load %arg13[%get3A_375, %get3A_376] {strides = array<i32>} : memref<128x256xf32, #tpu.memory_space<vmem>>, vector<16xf32>,
      %mul3A_378 = arith.mulf %gather3A, %get3A_377 : vector<16xf32>
      %add3A_379 = arith.addf %get3A_374, %mul3A_378 : vector<16xf32>
      %mul3A_380 = arith.constant 2.000000e-01 : f32
      %mul3A_381 = vector.broadcast %mul3A_380 : f32 to vector<16xf32>
      %mul3A_382 = arith.mulf %mul3A_381, %add3A_379 : vector<16xf32>
      %max3A = arith.maximumf %add3A_379, %mul3A_382 : vector<16xf32>
      %swap3A_383 = arith.index_cast %scan3A_370 : i32 to index
      %swap3A_384 = arith.constant 0 : index
      %swap3A_385 = tpu.vector_load %arg12[%swap3A_383, %swap3A_384] {strides = array<i32>} : memref<128x256xf32, #tpu.memory_space<vmem>>, vector<16xf32>,
      tpu.vector_store %arg12[%swap3A_383, %swap3A_384], %max3A {strides = array<i32>} : memref<128x256xf32, #tpu.memory_space<vmem>>, vector<16xf32>,
      %get3A_386 = arith.index_cast %scan3A_370 : i32 to index
      %get3A_387 = arith.constant 16 : index
      %get3A_388 = tpu.vector_load %arg12[%get3A_386, %get3A_387] {strides = array<i32>} : memref<128x256xf32, #tpu.memory_space<vmem>>, vector<16xf32>,
      %get3A_389 = arith.index_cast %scan3A_370 : i32 to index
      %get3A_390 = arith.constant 16 : index
      %get3A_391 = tpu.vector_load %arg13[%get3A_389, %get3A_390] {strides = array<i32>} : memref<128x256xf32, #tpu.memory_space<vmem>>, vector<16xf32>,
      %mul3A_392 = arith.mulf %gather3A, %get3A_391 : vector<16xf32>
      %add3A_393 = arith.addf %get3A_388, %mul3A_392 : vector<16xf32>
      %mul3A_394 = arith.constant 2.000000e-01 : f32
      %mul3A_395 = vector.broadcast %mul3A_394 : f32 to vector<16xf32>
      %mul3A_396 = arith.mulf %mul3A_395, %add3A_393 : vector<16xf32>
      %max3A_397 = arith.maximumf %add3A_393, %mul3A_396 : vector<16xf32>
      %swap3A_398 = arith.index_cast %scan3A_370 : i32 to index
      %swap3A_399 = arith.constant 16 : index
      %swap3A_400 = tpu.vector_load %arg12[%swap3A_398, %swap3A_399] {strides = array<i32>} : memref<128x256xf32, #tpu.memory_space<vmem>>, vector<16xf32>,
      tpu.vector_store %arg12[%swap3A_398, %swap3A_399], %max3A_397 {strides = array<i32>} : memref<128x256xf32, #tpu.memory_space<vmem>>, vector<16xf32>,
      %get3A_401 = arith.index_cast %scan3A_370 : i32 to index
      %get3A_402 = arith.constant 32 : index
      %get3A_403 = tpu.vector_load %arg12[%get3A_401, %get3A_402] {strides = array<i32>} : memref<128x256xf32, #tpu.memory_space<vmem>>, vector<16xf32>,
      %get3A_404 = arith.index_cast %scan3A_370 : i32 to index
      %get3A_405 = arith.constant 32 : index
      %get3A_406 = tpu.vector_load %arg13[%get3A_404, %get3A_405] {strides = array<i32>} : memref<128x256xf32, #tpu.memory_space<vmem>>, vector<16xf32>,
      %mul3A_407 = arith.mulf %gather3A, %get3A_406 : vector<16xf32>
      %add3A_408 = arith.addf %get3A_403, %mul3A_407 : vector<16xf32>
      %mul3A_409 = arith.constant 2.000000e-01 : f32
      %mul3A_410 = vector.broadcast %mul3A_409 : f32 to vector<16xf32>
      %mul3A_411 = arith.mulf %mul3A_410, %add3A_408 : vector<16xf32>
      %max3A_412 = arith.maximumf %add3A_408, %mul3A_411 : vector<16xf32>
      %swap3A_413 = arith.index_cast %scan3A_370 : i32 to index
      %swap3A_414 = arith.constant 32 : index
      %swap3A_415 = tpu.vector_load %arg12[%swap3A_413, %swap3A_414] {strides = array<i32>} : memref<128x256xf32, #tpu.memory_space<vmem>>, vector<16xf32>,
      tpu.vector_store %arg12[%swap3A_413, %swap3A_414], %max3A_412 {strides = array<i32>} : memref<128x256xf32, #tpu.memory_space<vmem>>, vector<16xf32>,
      %get3A_416 = arith.index_cast %scan3A_370 : i32 to index
      %get3A_417 = arith.constant 48 : index
      %get3A_418 = tpu.vector_load %arg12[%get3A_416, %get3A_417] {strides = array<i32>} : memref<128x256xf32, #tpu.memory_space<vmem>>, vector<16xf32>,
      %get3A_419 = arith.index_cast %scan3A_370 : i32 to index
      %get3A_420 = arith.constant 48 : index
      %get3A_421 = tpu.vector_load %arg13[%get3A_419, %get3A_420] {strides = array<i32>} : memref<128x256xf32, #tpu.memory_space<vmem>>, vector<16xf32>,
      %mul3A_422 = arith.mulf %gather3A, %get3A_421 : vector<16xf32>
      %add3A_423 = arith.addf %get3A_418, %mul3A_422 : vector<16xf32>
      %mul3A_424 = arith.constant 2.000000e-01 : f32
      %mul3A_425 = vector.broadcast %mul3A_424 : f32 to vector<16xf32>
      %mul3A_426 = arith.mulf %mul3A_425, %add3A_423 : vector<16xf32>
      %max3A_427 = arith.maximumf %add3A_423, %mul3A_426 : vector<16xf32>
      %swap3A_428 = arith.index_cast %scan3A_370 : i32 to index
      %swap3A_429 = arith.constant 48 : index
      %swap3A_430 = tpu.vector_load %arg12[%swap3A_428, %swap3A_429] {strides = array<i32>} : memref<128x256xf32, #tpu.memory_space<vmem>>, vector<16xf32>,
      tpu.vector_store %arg12[%swap3A_428, %swap3A_429], %max3A_427 {strides = array<i32>} : memref<128x256xf32, #tpu.memory_space<vmem>>, vector<16xf32>,
      %get3A_431 = arith.index_cast %scan3A_370 : i32 to index
      %get3A_432 = arith.constant 64 : index
      %get3A_433 = tpu.vector_load %arg12[%get3A_431, %get3A_432] {strides = array<i32>} : memref<128x256xf32, #tpu.memory_space<vmem>>, vector<16xf32>,
      %get3A_434 = arith.index_cast %scan3A_370 : i32 to index
      %get3A_435 = arith.constant 64 : index
      %get3A_436 = tpu.vector_load %arg13[%get3A_434, %get3A_435] {strides = array<i32>} : memref<128x256xf32, #tpu.memory_space<vmem>>, vector<16xf32>,
      %mul3A_437 = arith.mulf %gather3A, %get3A_436 : vector<16xf32>
      %add3A_438 = arith.addf %get3A_433, %mul3A_437 : vector<16xf32>
      %mul3A_439 = arith.constant 2.000000e-01 : f32
      %mul3A_440 = vector.broadcast %mul3A_439 : f32 to vector<16xf32>
      %mul3A_441 = arith.mulf %mul3A_440, %add3A_438 : vector<16xf32>
      %max3A_442 = arith.maximumf %add3A_438, %mul3A_441 : vector<16xf32>
      %swap3A_443 = arith.index_cast %scan3A_370 : i32 to index
      %swap3A_444 = arith.constant 64 : index
      %swap3A_445 = tpu.vector_load %arg12[%swap3A_443, %swap3A_444] {strides = array<i32>} : memref<128x256xf32, #tpu.memory_space<vmem>>, vector<16xf32>,
      tpu.vector_store %arg12[%swap3A_443, %swap3A_444], %max3A_442 {strides = array<i32>} : memref<128x256xf32, #tpu.memory_space<vmem>>, vector<16xf32>,
      %get3A_446 = arith.index_cast %scan3A_370 : i32 to index
      %get3A_447 = arith.constant 80 : index
      %get3A_448 = tpu.vector_load %arg12[%get3A_446, %get3A_447] {strides = array<i32>} : memref<128x256xf32, #tpu.memory_space<vmem>>, vector<16xf32>,
      %get3A_449 = arith.index_cast %scan3A_370 : i32 to index
      %get3A_450 = arith.constant 80 : index
      %get3A_451 = tpu.vector_load %arg13[%get3A_449, %get3A_450] {strides = array<i32>} : memref<128x256xf32, #tpu.memory_space<vmem>>, vector<16xf32>,
      %mul3A_452 = arith.mulf %gather3A, %get3A_451 : vector<16xf32>
      %add3A_453 = arith.addf %get3A_448, %mul3A_452 : vector<16xf32>
      %mul3A_454 = arith.constant 2.000000e-01 : f32
      %mul3A_455 = vector.broadcast %mul3A_454 : f32 to vector<16xf32>
      %mul3A_456 = arith.mulf %mul3A_455, %add3A_453 : vector<16xf32>
      %max3A_457 = arith.maximumf %add3A_453, %mul3A_456 : vector<16xf32>
      %swap3A_458 = arith.index_cast %scan3A_370 : i32 to index
      %swap3A_459 = arith.constant 80 : index
      %swap3A_460 = tpu.vector_load %arg12[%swap3A_458, %swap3A_459] {strides = array<i32>} : memref<128x256xf32, #tpu.memory_space<vmem>>, vector<16xf32>,
      tpu.vector_store %arg12[%swap3A_458, %swap3A_459], %max3A_457 {strides = array<i32>} : memref<128x256xf32, #tpu.memory_space<vmem>>, vector<16xf32>,
      %get3A_461 = arith.index_cast %scan3A_370 : i32 to index
      %get3A_462 = arith.constant 96 : index
      %get3A_463 = tpu.vector_load %arg12[%get3A_461, %get3A_462] {strides = array<i32>} : memref<128x256xf32, #tpu.memory_space<vmem>>, vector<16xf32>,
      %get3A_464 = arith.index_cast %scan3A_370 : i32 to index
      %get3A_465 = arith.constant 96 : index
      %get3A_466 = tpu.vector_load %arg13[%get3A_464, %get3A_465] {strides = array<i32>} : memref<128x256xf32, #tpu.memory_space<vmem>>, vector<16xf32>,
      %mul3A_467 = arith.mulf %gather3A, %get3A_466 : vector<16xf32>
      %add3A_468 = arith.addf %get3A_463, %mul3A_467 : vector<16xf32>
      %mul3A_469 = arith.constant 2.000000e-01 : f32
      %mul3A_470 = vector.broadcast %mul3A_469 : f32 to vector<16xf32>
      %mul3A_471 = arith.mulf %mul3A_470, %add3A_468 : vector<16xf32>
      %max3A_472 = arith.maximumf %add3A_468, %mul3A_471 : vector<16xf32>
      %swap3A_473 = arith.index_cast %scan3A_370 : i32 to index
      %swap3A_474 = arith.constant 96 : index
      %swap3A_475 = tpu.vector_load %arg12[%swap3A_473, %swap3A_474] {strides = array<i32>} : memref<128x256xf32, #tpu.memory_space<vmem>>, vector<16xf32>,
      tpu.vector_store %arg12[%swap3A_473, %swap3A_474], %max3A_472 {strides = array<i32>} : memref<128x256xf32, #tpu.memory_space<vmem>>, vector<16xf32>,
      %get3A_476 = arith.index_cast %scan3A_370 : i32 to index
      %get3A_477 = arith.constant 112 : index
      %get3A_478 = tpu.vector_load %arg12[%get3A_476, %get3A_477] {strides = array<i32>} : memref<128x256xf32, #tpu.memory_space<vmem>>, vector<16xf32>,
      %get3A_479 = arith.index_cast %scan3A_370 : i32 to index
      %get3A_480 = arith.constant 112 : index
      %get3A_481 = tpu.vector_load %arg13[%get3A_479, %get3A_480] {strides = array<i32>} : memref<128x256xf32, #tpu.memory_space<vmem>>, vector<16xf32>,
      %mul3A_482 = arith.mulf %gather3A, %get3A_481 : vector<16xf32>
      %add3A_483 = arith.addf %get3A_478, %mul3A_482 : vector<16xf32>
      %mul3A_484 = arith.constant 2.000000e-01 : f32
      %mul3A_485 = vector.broadcast %mul3A_484 : f32 to vector<16xf32>
      %mul3A_486 = arith.mulf %mul3A_485, %add3A_483 : vector<16xf32>
      %max3A_487 = arith.maximumf %add3A_483, %mul3A_486 : vector<16xf32>
      %swap3A_488 = arith.index_cast %scan3A_370 : i32 to index
      %swap3A_489 = arith.constant 112 : index
      %swap3A_490 = tpu.vector_load %arg12[%swap3A_488, %swap3A_489] {strides = array<i32>} : memref<128x256xf32, #tpu.memory_space<vmem>>, vector<16xf32>,
      tpu.vector_store %arg12[%swap3A_488, %swap3A_489], %max3A_487 {strides = array<i32>} : memref<128x256xf32, #tpu.memory_space<vmem>>, vector<16xf32>,
      %get3A_491 = arith.index_cast %scan3A_370 : i32 to index
      %get3A_492 = arith.constant 128 : index
      %get3A_493 = tpu.vector_load %arg12[%get3A_491, %get3A_492] {strides = array<i32>} : memref<128x256xf32, #tpu.memory_space<vmem>>, vector<16xf32>,
      %get3A_494 = arith.index_cast %scan3A_370 : i32 to index
      %get3A_495 = arith.constant 128 : index
      %get3A_496 = tpu.vector_load %arg13[%get3A_494, %get3A_495] {strides = array<i32>} : memref<128x256xf32, #tpu.memory_space<vmem>>, vector<16xf32>,
      %mul3A_497 = arith.mulf %gather3A, %get3A_496 : vector<16xf32>
      %add3A_498 = arith.addf %get3A_493, %mul3A_497 : vector<16xf32>
      %mul3A_499 = arith.constant 2.000000e-01 : f32
      %mul3A_500 = vector.broadcast %mul3A_499 : f32 to vector<16xf32>
      %mul3A_501 = arith.mulf %mul3A_500, %add3A_498 : vector<16xf32>
      %max3A_502 = arith.maximumf %add3A_498, %mul3A_501 : vector<16xf32>
      %swap3A_503 = arith.index_cast %scan3A_370 : i32 to index
      %swap3A_504 = arith.constant 128 : index
      %swap3A_505 = tpu.vector_load %arg12[%swap3A_503, %swap3A_504] {strides = array<i32>} : memref<128x256xf32, #tpu.memory_space<vmem>>, vector<16xf32>,
      tpu.vector_store %arg12[%swap3A_503, %swap3A_504], %max3A_502 {strides = array<i32>} : memref<128x256xf32, #tpu.memory_space<vmem>>, vector<16xf32>,
      %get3A_506 = arith.index_cast %scan3A_370 : i32 to index
      %get3A_507 = arith.constant 144 : index
      %get3A_508 = tpu.vector_load %arg12[%get3A_506, %get3A_507] {strides = array<i32>} : memref<128x256xf32, #tpu.memory_space<vmem>>, vector<16xf32>,
      %get3A_509 = arith.index_cast %scan3A_370 : i32 to index
      %get3A_510 = arith.constant 144 : index
      %get3A_511 = tpu.vector_load %arg13[%get3A_509, %get3A_510] {strides = array<i32>} : memref<128x256xf32, #tpu.memory_space<vmem>>, vector<16xf32>,
      %mul3A_512 = arith.mulf %gather3A, %get3A_511 : vector<16xf32>
      %add3A_513 = arith.addf %get3A_508, %mul3A_512 : vector<16xf32>
      %mul3A_514 = arith.constant 2.000000e-01 : f32
      %mul3A_515 = vector.broadcast %mul3A_514 : f32 to vector<16xf32>
      %mul3A_516 = arith.mulf %mul3A_515, %add3A_513 : vector<16xf32>
      %max3A_517 = arith.maximumf %add3A_513, %mul3A_516 : vector<16xf32>
      %swap3A_518 = arith.index_cast %scan3A_370 : i32 to index
      %swap3A_519 = arith.constant 144 : index
      %swap3A_520 = tpu.vector_load %arg12[%swap3A_518, %swap3A_519] {strides = array<i32>} : memref<128x256xf32, #tpu.memory_space<vmem>>, vector<16xf32>,
      tpu.vector_store %arg12[%swap3A_518, %swap3A_519], %max3A_517 {strides = array<i32>} : memref<128x256xf32, #tpu.memory_space<vmem>>, vector<16xf32>,
      %get3A_521 = arith.index_cast %scan3A_370 : i32 to index
      %get3A_522 = arith.constant 160 : index
      %get3A_523 = tpu.vector_load %arg12[%get3A_521, %get3A_522] {strides = array<i32>} : memref<128x256xf32, #tpu.memory_space<vmem>>, vector<16xf32>,
      %get3A_524 = arith.index_cast %scan3A_370 : i32 to index
      %get3A_525 = arith.constant 160 : index
      %get3A_526 = tpu.vector_load %arg13[%get3A_524, %get3A_525] {strides = array<i32>} : memref<128x256xf32, #tpu.memory_space<vmem>>, vector<16xf32>,
      %mul3A_527 = arith.mulf %gather3A, %get3A_526 : vector<16xf32>
      %add3A_528 = arith.addf %get3A_523, %mul3A_527 : vector<16xf32>
      %mul3A_529 = arith.constant 2.000000e-01 : f32
      %mul3A_530 = vector.broadcast %mul3A_529 : f32 to vector<16xf32>
      %mul3A_531 = arith.mulf %mul3A_530, %add3A_528 : vector<16xf32>
      %max3A_532 = arith.maximumf %add3A_528, %mul3A_531 : vector<16xf32>
      %swap3A_533 = arith.index_cast %scan3A_370 : i32 to index
      %swap3A_534 = arith.constant 160 : index
      %swap3A_535 = tpu.vector_load %arg12[%swap3A_533, %swap3A_534] {strides = array<i32>} : memref<128x256xf32, #tpu.memory_space<vmem>>, vector<16xf32>,
      tpu.vector_store %arg12[%swap3A_533, %swap3A_534], %max3A_532 {strides = array<i32>} : memref<128x256xf32, #tpu.memory_space<vmem>>, vector<16xf32>,
      %get3A_536 = arith.index_cast %scan3A_370 : i32 to index
      %get3A_537 = arith.constant 176 : index
      %get3A_538 = tpu.vector_load %arg12[%get3A_536, %get3A_537] {strides = array<i32>} : memref<128x256xf32, #tpu.memory_space<vmem>>, vector<16xf32>,
      %get3A_539 = arith.index_cast %scan3A_370 : i32 to index
      %get3A_540 = arith.constant 176 : index
      %get3A_541 = tpu.vector_load %arg13[%get3A_539, %get3A_540] {strides = array<i32>} : memref<128x256xf32, #tpu.memory_space<vmem>>, vector<16xf32>,
      %mul3A_542 = arith.mulf %gather3A, %get3A_541 : vector<16xf32>
      %add3A_543 = arith.addf %get3A_538, %mul3A_542 : vector<16xf32>
      %mul3A_544 = arith.constant 2.000000e-01 : f32
      %mul3A_545 = vector.broadcast %mul3A_544 : f32 to vector<16xf32>
      %mul3A_546 = arith.mulf %mul3A_545, %add3A_543 : vector<16xf32>
      %max3A_547 = arith.maximumf %add3A_543, %mul3A_546 : vector<16xf32>
      %swap3A_548 = arith.index_cast %scan3A_370 : i32 to index
      %swap3A_549 = arith.constant 176 : index
      %swap3A_550 = tpu.vector_load %arg12[%swap3A_548, %swap3A_549] {strides = array<i32>} : memref<128x256xf32, #tpu.memory_space<vmem>>, vector<16xf32>,
      tpu.vector_store %arg12[%swap3A_548, %swap3A_549], %max3A_547 {strides = array<i32>} : memref<128x256xf32, #tpu.memory_space<vmem>>, vector<16xf32>,
      %get3A_551 = arith.index_cast %scan3A_370 : i32 to index
      %get3A_552 = arith.constant 192 : index
      %get3A_553 = tpu.vector_load %arg12[%get3A_551, %get3A_552] {strides = array<i32>} : memref<128x256xf32, #tpu.memory_space<vmem>>, vector<16xf32>,
      %get3A_554 = arith.index_cast %scan3A_370 : i32 to index
      %get3A_555 = arith.constant 192 : index
      %get3A_556 = tpu.vector_load %arg13[%get3A_554, %get3A_555] {strides = array<i32>} : memref<128x256xf32, #tpu.memory_space<vmem>>, vector<16xf32>,
      %mul3A_557 = arith.mulf %gather3A, %get3A_556 : vector<16xf32>
      %add3A_558 = arith.addf %get3A_553, %mul3A_557 : vector<16xf32>
      %mul3A_559 = arith.constant 2.000000e-01 : f32
      %mul3A_560 = vector.broadcast %mul3A_559 : f32 to vector<16xf32>
      %mul3A_561 = arith.mulf %mul3A_560, %add3A_558 : vector<16xf32>
      %max3A_562 = arith.maximumf %add3A_558, %mul3A_561 : vector<16xf32>
      %swap3A_563 = arith.index_cast %scan3A_370 : i32 to index
      %swap3A_564 = arith.constant 192 : index
      %swap3A_565 = tpu.vector_load %arg12[%swap3A_563, %swap3A_564] {strides = array<i32>} : memref<128x256xf32, #tpu.memory_space<vmem>>, vector<16xf32>,
      tpu.vector_store %arg12[%swap3A_563, %swap3A_564], %max3A_562 {strides = array<i32>} : memref<128x256xf32, #tpu.memory_space<vmem>>, vector<16xf32>,
      %get3A_566 = arith.index_cast %scan3A_370 : i32 to index
      %get3A_567 = arith.constant 208 : index
      %get3A_568 = tpu.vector_load %arg12[%get3A_566, %get3A_567] {strides = array<i32>} : memref<128x256xf32, #tpu.memory_space<vmem>>, vector<16xf32>,
      %get3A_569 = arith.index_cast %scan3A_370 : i32 to index
      %get3A_570 = arith.constant 208 : index
      %get3A_571 = tpu.vector_load %arg13[%get3A_569, %get3A_570] {strides = array<i32>} : memref<128x256xf32, #tpu.memory_space<vmem>>, vector<16xf32>,
      %mul3A_572 = arith.mulf %gather3A, %get3A_571 : vector<16xf32>
      %add3A_573 = arith.addf %get3A_568, %mul3A_572 : vector<16xf32>
      %mul3A_574 = arith.constant 2.000000e-01 : f32
      %mul3A_575 = vector.broadcast %mul3A_574 : f32 to vector<16xf32>
      %mul3A_576 = arith.mulf %mul3A_575, %add3A_573 : vector<16xf32>
      %max3A_577 = arith.maximumf %add3A_573, %mul3A_576 : vector<16xf32>
      %swap3A_578 = arith.index_cast %scan3A_370 : i32 to index
      %swap3A_579 = arith.constant 208 : index
      %swap3A_580 = tpu.vector_load %arg12[%swap3A_578, %swap3A_579] {strides = array<i32>} : memref<128x256xf32, #tpu.memory_space<vmem>>, vector<16xf32>,
      tpu.vector_store %arg12[%swap3A_578, %swap3A_579], %max3A_577 {strides = array<i32>} : memref<128x256xf32, #tpu.memory_space<vmem>>, vector<16xf32>,
      %get3A_581 = arith.index_cast %scan3A_370 : i32 to index
      %get3A_582 = arith.constant 224 : index
      %get3A_583 = tpu.vector_load %arg12[%get3A_581, %get3A_582] {strides = array<i32>} : memref<128x256xf32, #tpu.memory_space<vmem>>, vector<16xf32>,
      %get3A_584 = arith.index_cast %scan3A_370 : i32 to index
      %get3A_585 = arith.constant 224 : index
      %get3A_586 = tpu.vector_load %arg13[%get3A_584, %get3A_585] {strides = array<i32>} : memref<128x256xf32, #tpu.memory_space<vmem>>, vector<16xf32>,
      %mul3A_587 = arith.mulf %gather3A, %get3A_586 : vector<16xf32>
      %add3A_588 = arith.addf %get3A_583, %mul3A_587 : vector<16xf32>
      %mul3A_589 = arith.constant 2.000000e-01 : f32
      %mul3A_590 = vector.broadcast %mul3A_589 : f32 to vector<16xf32>
      %mul3A_591 = arith.mulf %mul3A_590, %add3A_588 : vector<16xf32>
      %max3A_592 = arith.maximumf %add3A_588, %mul3A_591 : vector<16xf32>
      %swap3A_593 = arith.index_cast %scan3A_370 : i32 to index
      %swap3A_594 = arith.constant 224 : index
      %swap3A_595 = tpu.vector_load %arg12[%swap3A_593, %swap3A_594] {strides = array<i32>} : memref<128x256xf32, #tpu.memory_space<vmem>>, vector<16xf32>,
      tpu.vector_store %arg12[%swap3A_593, %swap3A_594], %max3A_592 {strides = array<i32>} : memref<128x256xf32, #tpu.memory_space<vmem>>, vector<16xf32>,
      %get3A_596 = arith.index_cast %scan3A_370 : i32 to index
      %get3A_597 = arith.constant 240 : index
      %get3A_598 = tpu.vector_load %arg12[%get3A_596, %get3A_597] {strides = array<i32>} : memref<128x256xf32, #tpu.memory_space<vmem>>, vector<16xf32>,
      %get3A_599 = arith.index_cast %scan3A_370 : i32 to index
      %get3A_600 = arith.constant 240 : index
      %get3A_601 = tpu.vector_load %arg13[%get3A_599, %get3A_600] {strides = array<i32>} : memref<128x256xf32, #tpu.memory_space<vmem>>, vector<16xf32>,
      %mul3A_602 = arith.mulf %gather3A, %get3A_601 : vector<16xf32>
      %add3A_603 = arith.addf %get3A_598, %mul3A_602 : vector<16xf32>
      %mul3A_604 = arith.constant 2.000000e-01 : f32
      %mul3A_605 = vector.broadcast %mul3A_604 : f32 to vector<16xf32>
      %mul3A_606 = arith.mulf %mul3A_605, %add3A_603 : vector<16xf32>
      %max3A_607 = arith.maximumf %add3A_603, %mul3A_606 : vector<16xf32>
      %swap3A_608 = arith.index_cast %scan3A_370 : i32 to index
      %swap3A_609 = arith.constant 240 : index
      %swap3A_610 = tpu.vector_load %arg12[%swap3A_608, %swap3A_609] {strides = array<i32>} : memref<128x256xf32, #tpu.memory_space<vmem>>, vector<16xf32>,
      tpu.vector_store %arg12[%swap3A_608, %swap3A_609], %max3A_607 {strides = array<i32>} : memref<128x256xf32, #tpu.memory_space<vmem>>, vector<16xf32>,
    }
    %scan3A_329 = arith.constant 32 : i32
    %dma_start3A_330 = arith.constant 96 : i32
    %dma_start3A_331 = arith.constant 0 : i32
    %dma_start3A_332 = tpu.memref_slice %arg12[%dma_start3A_330, %dma_start3A_331] : memref<128x256xf32, #tpu.memory_space<vmem>> -> memref<32x256xf32, #tpu.memory_space<vmem>>
    %dma_start3A_333 = arith.constant 96 : i32
    %dma_start3A_334 = tpu.memref_slice %arg7[%dma_start3A_333] : memref<128xi32, #tpu.memory_space<vmem>> -> memref<32xi32, #tpu.memory_space<vmem>>
    %dma_start3A_335 = arith.constant 0 : i32
    %dma_start3A_336 = arith.constant 0 : i32
    %dma_start3A_337 = tpu.memref_slice %arg6[%dma_start3A_335, %dma_start3A_336] : memref<4096x256xf32, #tpu.memory_space<hbm>> -> memref<4096x256xf32, #tpu.memory_space<hbm>>
    tpu.enqueue_indirect_dma source(%dma_start3A_332 : memref<32x256xf32, #tpu.memory_space<vmem>>) target(%dma_start3A_337 : memref<4096x256xf32, #tpu.memory_space<hbm>>) offsets(%dma_start3A_334 : memref<32xi32, #tpu.memory_space<vmem>>) semaphore(%arg16 : memref<!tpu.dma_semaphore, #tpu.memory_space<semaphore_mem>>)
    %dma_wait3A_338 = arith.constant 0 : i32
    %dma_wait3A_339 = arith.constant 0 : i32
    %dma_wait3A_340 = tpu.memref_slice %arg12[%dma_wait3A_338, %dma_wait3A_339] : memref<128x256xf32, #tpu.memory_space<vmem>> -> memref<32x256xf32, #tpu.memory_space<vmem>>
    %dma_wait3A_341 = arith.constant 0 : i32
    %dma_wait3A_342 = tpu.memref_slice %arg7[%dma_wait3A_341] : memref<128xi32, #tpu.memory_space<vmem>> -> memref<32xi32, #tpu.memory_space<vmem>>
    %dma_wait3A_343 = arith.constant 0 : i32
    %dma_wait3A_344 = arith.constant 0 : i32
    %dma_wait3A_345 = tpu.memref_slice %arg6[%dma_wait3A_343, %dma_wait3A_344] : memref<4096x256xf32, #tpu.memory_space<hbm>> -> memref<4096x256xf32, #tpu.memory_space<hbm>>
    tpu.wait_indirect_dma semaphore(%arg16 : memref<!tpu.dma_semaphore, #tpu.memory_space<semaphore_mem>>) src(%dma_wait3A_340 : memref<32x256xf32, #tpu.memory_space<vmem>>) dst(%dma_wait3A_345 : memref<4096x256xf32, #tpu.memory_space<hbm>>)
    %dma_wait3A_346 = arith.constant 32 : i32
    %dma_wait3A_347 = arith.constant 0 : i32
    %dma_wait3A_348 = tpu.memref_slice %arg12[%dma_wait3A_346, %dma_wait3A_347] : memref<128x256xf32, #tpu.memory_space<vmem>> -> memref<32x256xf32, #tpu.memory_space<vmem>>
    %dma_wait3A_349 = arith.constant 32 : i32
    %dma_wait3A_350 = tpu.memref_slice %arg7[%dma_wait3A_349] : memref<128xi32, #tpu.memory_space<vmem>> -> memref<32xi32, #tpu.memory_space<vmem>>
    %dma_wait3A_351 = arith.constant 0 : i32
    %dma_wait3A_352 = arith.constant 0 : i32
    %dma_wait3A_353 = tpu.memref_slice %arg6[%dma_wait3A_351, %dma_wait3A_352] : memref<4096x256xf32, #tpu.memory_space<hbm>> -> memref<4096x256xf32, #tpu.memory_space<hbm>>
    tpu.wait_indirect_dma semaphore(%arg16 : memref<!tpu.dma_semaphore, #tpu.memory_space<semaphore_mem>>) src(%dma_wait3A_348 : memref<32x256xf32, #tpu.memory_space<vmem>>) dst(%dma_wait3A_353 : memref<4096x256xf32, #tpu.memory_space<hbm>>)
    %dma_wait3A_354 = arith.constant 64 : i32
    %dma_wait3A_355 = arith.constant 0 : i32
    %dma_wait3A_356 = tpu.memref_slice %arg12[%dma_wait3A_354, %dma_wait3A_355] : memref<128x256xf32, #tpu.memory_space<vmem>> -> memref<32x256xf32, #tpu.memory_space<vmem>>
    %dma_wait3A_357 = arith.constant 64 : i32
    %dma_wait3A_358 = tpu.memref_slice %arg7[%dma_wait3A_357] : memref<128xi32, #tpu.memory_space<vmem>> -> memref<32xi32, #tpu.memory_space<vmem>>
    %dma_wait3A_359 = arith.constant 0 : i32
    %dma_wait3A_360 = arith.constant 0 : i32
    %dma_wait3A_361 = tpu.memref_slice %arg6[%dma_wait3A_359, %dma_wait3A_360] : memref<4096x256xf32, #tpu.memory_space<hbm>> -> memref<4096x256xf32, #tpu.memory_space<hbm>>
    tpu.wait_indirect_dma semaphore(%arg16 : memref<!tpu.dma_semaphore, #tpu.memory_space<semaphore_mem>>) src(%dma_wait3A_356 : memref<32x256xf32, #tpu.memory_space<vmem>>) dst(%dma_wait3A_361 : memref<4096x256xf32, #tpu.memory_space<hbm>>)
    %dma_wait3A_362 = arith.constant 96 : i32
    %dma_wait3A_363 = arith.constant 0 : i32
    %dma_wait3A_364 = tpu.memref_slice %arg12[%dma_wait3A_362, %dma_wait3A_363] : memref<128x256xf32, #tpu.memory_space<vmem>> -> memref<32x256xf32, #tpu.memory_space<vmem>>
    %dma_wait3A_365 = arith.constant 96 : i32
    %dma_wait3A_366 = tpu.memref_slice %arg7[%dma_wait3A_365] : memref<128xi32, #tpu.memory_space<vmem>> -> memref<32xi32, #tpu.memory_space<vmem>>
    %dma_wait3A_367 = arith.constant 0 : i32
    %dma_wait3A_368 = arith.constant 0 : i32
    %dma_wait3A_369 = tpu.memref_slice %arg6[%dma_wait3A_367, %dma_wait3A_368] : memref<4096x256xf32, #tpu.memory_space<hbm>> -> memref<4096x256xf32, #tpu.memory_space<hbm>>
    tpu.wait_indirect_dma semaphore(%arg16 : memref<!tpu.dma_semaphore, #tpu.memory_space<semaphore_mem>>) src(%dma_wait3A_364 : memref<32x256xf32, #tpu.memory_space<vmem>>) dst(%dma_wait3A_369 : memref<4096x256xf32, #tpu.memory_space<hbm>>)
    return
  }
}

module attributes {stable_mosaic.version = 14 : i64} {
  func.func @_tc_body(%arg0: i32, %arg1: memref<2048x256xf32, #tpu.memory_space<vmem>>, %arg2: memref<256x256xf32, #tpu.memory_space<vmem>>, %arg3: memref<1x512xf32, #tpu.memory_space<vmem>>, %arg4: memref<2048x256xf32, #tpu.memory_space<vmem>>, %arg5: memref<2048xf32, #tpu.memory_space<vmem>>, %arg6: memref<2048xf32, #tpu.memory_space<vmem>>) attributes {dimension_semantics = [#tpu.dimension_semantics<parallel>], iteration_bounds = array<i64: 2>, scalar_prefetch = 0 : i64, scratch_operands = 0 : i64, tpu.core_type = #tpu.core_type<tc>, window_params = [{transform_indices = @transform_0, window_bounds = array<i64: 2048, 256>}, {pipeline_mode = #tpu.pipeline_mode<synchronous>, transform_indices = @transform_1, window_bounds = array<i64: 256, 256>}, {pipeline_mode = #tpu.pipeline_mode<synchronous>, transform_indices = @transform_2, window_bounds = array<i64: 1, 512>}, {transform_indices = @transform_3, window_bounds = array<i64: 2048, 256>}, {transform_indices = @transform_4, window_bounds = array<i64: 2048>}, {transform_indices = @transform_5, window_bounds = array<i64: 2048>}]} {
    %get3A = arith.constant 0 : index
    %get3A_0 = arith.constant 0 : index
    %get3A_1 = vector.load %arg1[%get3A, %get3A_0] : memref<2048x256xf32, #tpu.memory_space<vmem>>, vector<2048x256xf32>
    %get3A_2 = arith.constant 0 : index
    %get3A_3 = arith.constant 0 : index
    %get3A_4 = vector.load %arg2[%get3A_2, %get3A_3] : memref<256x256xf32, #tpu.memory_space<vmem>>, vector<256x256xf32>
    %dot_general3A = arith.constant dense<0.000000e+00> : vector<2048x256xf32>
    %dot_general3A_5 = tpu.matmul %get3A_1, %get3A_4, %dot_general3A {dimension_numbers = #tpu.dot_dimension_numbers<[1], [1], [0], [0], [0, 0, 1, 0], [], []>, transpose_lhs_hint = false} : vector<2048x256xf32>, vector<256x256xf32>, vector<2048x256xf32> -> vector<2048x256xf32>
    %swap3A = arith.constant 0 : index
    %swap3A_6 = arith.constant 0 : index
    %swap3A_7 = vector.load %arg4[%swap3A, %swap3A_6] : memref<2048x256xf32, #tpu.memory_space<vmem>>, vector<2048x256xf32>
    tpu.vector_store %arg4[%swap3A, %swap3A_6], %dot_general3A_5 {strides = array<i32>} : memref<2048x256xf32, #tpu.memory_space<vmem>>, vector<2048x256xf32>,
    %get3A_8 = arith.constant 0 : index
    %get3A_9 = arith.constant 0 : index
    %get3A_10 = vector.load %arg3[%get3A_8, %get3A_9] : memref<1x512xf32, #tpu.memory_space<vmem>>, vector<1x512xf32>
    %reshape3A = vector.shape_cast %get3A_10 : vector<1x512xf32> to vector<2x256xf32>
    %dot_general3A_11 = arith.constant dense<0.000000e+00> : vector<2x2048xf32>
    %dot_general3A_12 = tpu.matmul %reshape3A, %dot_general3A_5, %dot_general3A_11 {dimension_numbers = #tpu.dot_dimension_numbers<[1], [1], [0], [0], [0, 0, 1, 0], [], []>, transpose_lhs_hint = false} : vector<2x256xf32>, vector<2048x256xf32>, vector<2x2048xf32> -> vector<2x2048xf32>
    %slice3A = vector.extract_strided_slice %dot_general3A_12 {offsets = [0, 0], sizes = [1, 2048], strides = [1, 1]} : vector<2x2048xf32> to vector<1x2048xf32>
    %squeeze3A = vector.shape_cast %slice3A : vector<1x2048xf32> to vector<2048xf32>
    %swap3A_13 = arith.constant 0 : index
    %swap3A_14 = vector.load %arg5[%swap3A_13] : memref<2048xf32, #tpu.memory_space<vmem>>, vector<2048xf32>
    tpu.vector_store %arg5[%swap3A_13], %squeeze3A {strides = array<i32>} : memref<2048xf32, #tpu.memory_space<vmem>>, vector<2048xf32>,
    %slice3A_15 = vector.extract_strided_slice %dot_general3A_12 {offsets = [1, 0], sizes = [1, 2048], strides = [1, 1]} : vector<2x2048xf32> to vector<1x2048xf32>
    %squeeze3A_16 = vector.shape_cast %slice3A_15 : vector<1x2048xf32> to vector<2048xf32>
    %swap3A_17 = arith.constant 0 : index
    %swap3A_18 = vector.load %arg6[%swap3A_17] : memref<2048xf32, #tpu.memory_space<vmem>>, vector<2048xf32>
    tpu.vector_store %arg6[%swap3A_17], %squeeze3A_16 {strides = array<i32>} : memref<2048xf32, #tpu.memory_space<vmem>>, vector<2048xf32>,
    return
  }
  func.func @transform_0(%arg0: i32) -> (i32, i32) {
    %c0_i32 = arith.constant 0 : i32
    %c0_i32_0 = arith.constant 0 : i32
    return %arg0, %c0_i32 : i32, i32
  }
  func.func @transform_1(%arg0: i32) -> (i32, i32) {
    %c0_i32 = arith.constant 0 : i32
    %c0_i32_0 = arith.constant 0 : i32
    %c0_i32_1 = arith.constant 0 : i32
    return %c0_i32, %c0_i32_0 : i32, i32
  }
  func.func @transform_2(%arg0: i32) -> (i32, i32) {
    %c0_i32 = arith.constant 0 : i32
    %c0_i32_0 = arith.constant 0 : i32
    %c0_i32_1 = arith.constant 0 : i32
    return %c0_i32, %c0_i32_0 : i32, i32
  }
  func.func @transform_3(%arg0: i32) -> (i32, i32) {
    %c0_i32 = arith.constant 0 : i32
    %c0_i32_0 = arith.constant 0 : i32
    return %arg0, %c0_i32 : i32, i32
  }
  func.func @transform_4(%arg0: i32) -> i32 {
    %c0_i32 = arith.constant 0 : i32
    return %arg0 : i32
  }
  func.func @transform_5(%arg0: i32) -> i32 {
    %c0_i32 = arith.constant 0 : i32
    return %arg0 : i32
  }
}

</mosaic_0001>

<sc_bundles>
// kernel: kernel.4.cloned.1.call-start
scs
__scs_entry_jumppad:
0x0: {  	(pc) =	sbr.rel $0x88, $3  }
0x1: {  	(tag) =	ssettag $0x0;
	lr =	simm.s32 $0x1  }
0x2: {  	[smem:$0x3F9D] =	sst lr;
	_ =	strace $0xD0000000  }
0x3: {  	_ = 	snop  }
0x4: {  	_ = 	snop  }
0x5: {  	_ = 	snop  }
0x6: {  	_ = 	snop  }
0x7: {  	_ = 	snop  }
__scs_overlays_trampoline_lowered:
0x8: {  	[smem:$0x3FAC] =	sst s0  }
0x9: {  	[smem:$0x3FAD] =	sst s1  }
0xa: {  	[smem:$0x3FAE] =	sst s2  }
0xb: {  	[smem:$0x3FAF] =	sst s3  }
0xc: {  	[smem:$0x3FB0] =	sst s4  }
0xd: {  	[smem:$0x3FB1] =	sst s5  }
0xe: {  	[smem:$0x3FB2] =	sst s6  }
0xf: {  	[smem:$0x3FB3] =	sst s7  }
0x10: {  	[smem:$0x3FB4] =	sst s8  }
0x11: {  	[smem:$0x3FB5] =	sst s9;
	s0 =	simm.s32 @!p0 $0x0  }
0x12: {  	s1 =	sld [smem:$0x3F9B];
	s0 =	simm.s32 @p0 $0x1  }
0x13: {  	[smem:$0x3FB6] =	sst s0;
	s0 =	simm.s32 @!p1 $0x0  }
0x14: {  	s2 =	sld [smem:$0x3F9A];
	s0 =	simm.s32 @p1 $0x1  }
0x15: {  	[smem:$0x3FB7] =	sst s0;
	s0 =	simm.s32 @!p2 $0x0  }
0x16: {  	s3 =	sld [smem:$0x3FDB];
	s0 =	simm.s32 @p2 $0x1  }
0x17: {  	s4 =	simm.s32 $0x1BF5;
	[smem:$0x3FB9] =	sst s0  }
0x18: {  	s0 =	sld [smem:$0x3F9C];
	_ =	swait.ge [sflag:s4], $0x0  }
0x19: {  	s7 =	sld [smem:$0x3F9D]  }
0x1a: {  	s8 =	sadd.s32 $0xFFFFE003, lr  }
0x1b: {  	s9 =	sadd.s32 $0xFFFFFEF7, lr;
	s5 =	simm.s32 $0xFFFFFFFF;
	p2 =	slt.u32 s8, $0xFFFFF086  }
0x1c: {  	p1 =	slt.u32 s9, $0xF7A;
	s5 =	simm.s32 @!p2 $0x0  }
0x1d: {  	s5 =	simm.s32 @p1 $0x1;
	p0 =	seq.s32 s7, s2  }
0x1e: {  	s7 =	smul.u32 @!p0 $0xF7A, s2;
	p2 =	seq.s32 @!p0 s5, $0x0  }
0x1f: {  	s9 =	smul.u32 $0xF7A, s1;
	s8 =	simm.s32 @!p0 $0x1BF5;
	p2 =	por !p2, p0  }
0x20: {  	[sflag:s8] =	ssyncset.s32 @!p0 $0xFFFFF086;
	s6 =	sadd.s32 @!p0 s3, s7;
	s7 =	simm.s32 @!p0 $0x108  }
0x21: {  	s3 =	sadd.s32 s3, s9;
	s6 =	sadd.s32 @!p0 $0x88, s6;
	s7 =	simm.s32 @p2 $0x1082  }
0x22: {  	[simem:s7], [sflag:s8] =	dma.local @!p0 [hbm:s6], $0xF7A  }
0x23: {  	s9 =	sor.u32 $0xD0000000, s2;
	s6 =	simm.s32 $0x108;
	_ =	swait.ge @!p0 [sflag:s8], $0x0  }
0x24: {  	s3 =	sadd.s32 $0x88, s3;
	s6 =	simm.s32 @!p1 $0x1082;
	[sflag:s4] =	ssyncset.s32 $0xFFFFF086  }
0x25: {  	[simem:s6], [sflag:s4] =	dma.local [hbm:s3], $0xF7A  }
0x26: {  	[smem:$0x3F9D] =	sst s1;
	(tag) =	ssettag s2;
	_ =	strace s9  }
0x27: {  	s1 =	sld [smem:$0x3FAD]  }
0x28: {  	s2 =	sld [smem:$0x3FAE]  }
0x29: {  	s4 =	sld [smem:$0x3FB0]  }
0x2a: {  	p0 =	seq.s32 s5, $0x0;
	s5 =	sld [smem:$0x3FB1]  }
0x2b: {  	s6 =	sld [smem:$0x3FB2]  }
0x2c: {  	s7 =	sld [smem:$0x3FB3]  }
0x2d: {  	s3 =	simm.s32 $0x108;
	s8 =	sld [smem:$0x3FB4]  }
0x2e: {  	s3 =	simm.s32 @!p0 $0x1082;
	s9 =	sld [smem:$0x3FB5]  }
0x2f: {  	lr =	sadd.s32 s0, s3;
	s0 =	sld [smem:$0x3FAC]  }
0x30: {  	s3 =	sld [smem:$0x3FAF]  }
0x31: {  	[smem:$0x3FB8] =	sst s10  }
0x32: {  	s10 =	sld [smem:$0x3FB6];
	_ =	sdelay $0x3  }
0x33: {  	p0 =	seq.s32 s10, $0x1;
	s10 =	sld [smem:$0x3FB8];
	_ =	sdelay $0x3  }
0x34: {  	[smem:$0x3FB8] =	sst s10  }
0x35: {  	s10 =	sld [smem:$0x3FB7];
	_ =	sdelay $0x3  }
0x36: {  	p1 =	seq.s32 s10, $0x1;
	s10 =	sld [smem:$0x3FB8];
	_ =	sdelay $0x3  }
0x37: {  	[smem:$0x3FB8] =	sst s10  }
0x38: {  	s10 =	sld [smem:$0x3FB9]  }
0x39: {  	_ = 	snop;
	(pc) =	sbr.ind lr, $3  }
0x3a: {  	_ = 	snop  }
0x3b: {  	_ = 	snop  }
0x3c: {  	p2 =	seq.s32 s10, $0x1;
	s10 =	sld [smem:$0x3FB8]  }
0x3d: {  	_ =	shalt  }
0x3e: {  	_ =	shalt  }
0x3f: {  	_ =	shalt  }
0x40: {  	_ =	shalt  }
0x41: {  	_ =	shalt  }
0x42: {  	_ =	shalt  }
0x43: {  	_ =	shalt  }
0x44: {  	_ =	shalt  }
0x45: {  	_ =	shalt  }
0x46: {  	_ =	shalt  }
0x47: {  	_ =	shalt  }
0x48: {  	_ =	shalt  }
0x49: {  	_ =	shalt  }
0x4a: {  	_ =	shalt  }
0x4b: {  	_ =	shalt  }
0x4c: {  	_ =	shalt  }
0x4d: {  	_ =	shalt  }
0x4e: {  	_ =	shalt  }
0x4f: {  	_ =	shalt  }
0x50: {  	_ =	shalt  }
0x51: {  	_ =	shalt  }
0x52: {  	_ =	shalt  }
0x53: {  	_ =	shalt  }
0x54: {  	_ =	shalt  }
0x55: {  	_ =	shalt  }
0x56: {  	_ =	shalt  }
0x57: {  	_ =	shalt  }
0x58: {  	_ =	shalt  }
0x59: {  	_ =	shalt  }
0x5a: {  	_ =	shalt  }
0x5b: {  	_ =	shalt  }
0x5c: {  	_ =	shalt  }
0x5d: {  	_ =	shalt  }
0x5e: {  	_ =	shalt  }
0x5f: {  	_ =	shalt  }
0x60: {  	_ =	shalt  }
0x61: {  	_ =	shalt  }
0x62: {  	_ =	shalt  }
0x63: {  	_ =	shalt  }
0x64: {  	_ =	shalt  }
0x65: {  	_ =	shalt  }
0x66: {  	_ =	shalt  }
0x67: {  	_ =	shalt  }
0x68: {  	_ =	shalt  }
0x69: {  	_ =	shalt  }
0x6a: {  	_ =	shalt  }
0x6b: {  	_ =	shalt  }
0x6c: {  	_ =	shalt  }
0x6d: {  	_ =	shalt  }
0x6e: {  	_ =	shalt  }
0x6f: {  	_ =	shalt  }
0x70: {  	_ =	shalt  }
0x71: {  	_ =	shalt  }
0x72: {  	_ =	shalt  }
0x73: {  	_ =	shalt  }
0x74: {  	_ =	shalt  }
0x75: {  	_ =	shalt  }
0x76: {  	_ =	shalt  }
0x77: {  	_ =	shalt  }
0x78: {  	_ =	shalt  }
0x79: {  	_ =	shalt  }
0x7a: {  	_ =	shalt  }
0x7b: {  	_ =	shalt  }
0x7c: {  	_ =	shalt  }
0x7d: {  	_ =	shalt  }
0x7e: {  	_ =	shalt  }
0x7f: {  	_ =	shalt  }
0x80: {  	_ =	shalt  }
0x81: {  	_ =	shalt  }
0x82: {  	_ =	shalt  }
0x83: {  	_ =	shalt  }
0x84: {  	_ =	shalt  }
0x85: {  	_ =	shalt  }
0x86: {  	_ =	shalt  }
0x87: {  	_ =	shalt  }
.Lfunc_end0:
.L_simem_size_0:
called_computation_lowered:
.L_overlay_start_0:
0x88: {  	s2 =	sld [smem:$0x3FD9]  }
0x89: {  	s3 =	sld [smem:$0x3FFE];
	_ =	sdelay $0x1  }
0x8a: {  	s1 =	srdreg.scid  }
0x8b: {  	s0 =	sand.u32 $0x1, s1  }
0x8c: {  	s17 =	sshll.u32 s0, $0xA;
	s2 =	sadd.s32 s3, s2  }
0x8d: {  	s2 =	sadd.s32 s2, s17  }
0x8e: {  	[smem:$0x3FC4] =	sst s2  }
0x8f: {  	_ = 	snop  }
0x90: {  	s2 =	sld [smem:$0x3FD0];
	(tm) =	ssettm $0x1  }
0x91: {  	s18 =	sld [smem:$0x3FFB];
	_ =	sdelay $0x3  }
0x92: {  	_ =	strace s18  }
0x93: {  	s3 =	sld [smem:$0x3FFC];
	_ =	sdelay $0x3  }
0x94: {  	_ =	strace s3  }
0x95: {  	s3 =	sld [smem:$0x3FFD];
	_ =	sdelay $0x3  }
0x96: {  	_ =	strace s3  }
0x97: {  	_ =	strace $0x8FFFFFFF  }
0x98: {  	s19 =	sld [smem:$0x3FDB];
	_ =	sdelay $0x1  }
0x99: {  	s4 =	simm.s32 $_scs_section_size  }
0x9a: {  	s5 =	simm.s32 $_size__tile_overlayer_lowered;
	s6 =	simm.s32 $_tile_overlayer_lowered  }
0x9b: {  	s22 =	simm.s32 $0x1BFF;
	s21 =	sshll.u32 s6, $0x1;
	s3 =	sadd.s32 s4, s19  }
0x9c: {  	s7 =	simm.s32 $0x0;
	s20 =	sshll.u32 s5, $0x1;
	s5 =	sadd.s32 s21, s3  }
0x9d: {  	[timem:s7], [sflag:s22] =	dma.local [hbm:s5], s20  }
0x9e: {  	_ =	swait.ge [sflag:s22], s20  }
0x9f: {  	s4 =	ssub.s32 $0x0, s20;
	[sflag:s22] =	ssyncset.done $0x0  }
0xa0: {  	[sflag:s22] =	ssyncadd.s32 s4;
	_ =	sdelay $0x1  }
0xa1: {  	s23 =	simm.s32 $0x1B8B  }
0xa2: {  	_ =	swait.ge [sflag:s23], $0x1  }
0xa3: {  	[sflag:s23] =	ssyncset.done $0x0  }
0xa4: {  	s25 =	simm.s32 $0x1B8E;
	s24 =	sld [smem:$0x3FFE];
	[sflag:s23] =	ssyncadd.s32 $0xFFFFFFFF  }
0xa5: {  	s26 =	simm.s32 $execute0_lowered;
	[smem:$0x3FD2] =	sst s25  }
0xa6: {  	s5 =	sshll.u32 s26, $0x1;
	_ =	strace $0x80000046;
	[dreg:$0x1] =	wrdreg $0xFFFFFFFF  }
0xa7: {  	s28 =	simm.s32 $_size_execute0_lowered;
	s3 =	sadd.s32 s3, s5;
	[dreg:$0x0] =	wrdreg $0x0  }
0xa8: {  	s5 =	sshll.u32 s28, $0x1;
	[dreg:$0x2] =	wrdreg s3  }
0xa9: {  	[dreg:$0x3] =	wrdreg s5  }
0xaa: {  	[dreg:$0x4] =	wrdreg $0xC0  }
0xab: {  	_ =	task [dreg:s7], $0x5FFFF  }
0xac: {  	[dreg:$0x1] =	wrdreg $0xFFFFFFFF  }
0xad: {  	[dreg:$0x0] =	wrdreg $0x60  }
0xae: {  	[dreg:$0x2] =	wrdreg s24  }
0xaf: {  	[dreg:$0x3] =	wrdreg s2  }
0xb0: {  	[dreg:$0x4] =	wrdreg $0x9  }
0xb1: {  	_ =	task.clear_ibuf [dreg:s7], $0x5FFFF;
	_ =	strace $0x90000046  }
0xb2: {  	s29 =	simm.s32 $0x9;
	_ =	strace $0x80000048  }
0xb3: {  	_ =	swait.ge [sflag:s29], $0x1  }
0xb4: {  	[sflag:s29] =	ssyncadd.s32 $0xFFFFFFFF  }
0xb5: {  	_ =	strace $0x90000048  }
0xb6: {  	_ =	sfence  }
0xb7: {  	s30 =	sld [smem:$0x0];
	_ =	sdelay $0x2  }
0xb8: {  	s31 =	sshll.u32 s1, $0xD;
	s1 =	sshrl.u32 s1, $0x2  }
0xb9: {  	s3 =	sand.u32 $0x4000, s31;
	s1 =	sadd.s32 s1, s30  }
0xba: {  	s0 =	sor.u32 s3, s0;
	s1 =	sshll.u32 s1, $0x11  }
0xbb: {  	s0 =	sor.u32 s1, s0  }
0xbc: {  	s0 =	sadd.s32 $0x8F2B, s0  }
0xbd: {  	[sflag:s0] =	ssyncadd.remote.s32 $0x1  }
0xbe: {  	_ =	sfence.sel $0xFFFF  }
0xbf: {  	[dreg:$0x0] =	wrdreg $0xFFFFFFFF;
	(pc) =	sbr.abs _section_cstart, $3  }
0xc0: {  	[dreg:$0x1] =	wrdreg $0xFFFFFFFF  }
0xc1: {  	_ =	task.clear_ibuf [dreg:s7], $0x2FFFF;
	_ =	strace $0x9FFFFFFF  }
0xc2: {  	(tm) =	ssettm $0x7FFFFFFF  }
0xc3: {  	_ =	shalt  }
tec
execute0_lowered:
.L_overlay_start_1:
0x0: {  	(tag) =	ssettag $0x1  }
0x1: {  	s0 =	rddreg [dreg:$0x0]  }
0x2: {  	s1 =	rddreg [dreg:$0x1];
	s2 =	simm.s32 $0x0  }
0x3: {  	s3 =	srdreg.scid;
	s6 =	stileid.u32;
	s19 =	simm.s32 $0x1  }
0x4: {  	s15 =	simm.s32 $0x6280;
	s16 =	simm.s32 $0x6A80;
	s17 =	simm.s32 $0x7280  }
0x5: {  	s18 =	simm.s32 $0x7A80;
	s21 =	simm.s32 $0x2;
	s20 =	simm.s32 $0x8  }
0x6: {  	s22 =	simm.s32 $0x4;
	s23 =	simm.s32 $0x200;
	s24 =	simm.s32 $0x9  }
0x7: {  	s28 =	simm.s32 $0x6;
	s29 =	simm.s32 $0xB;
	s30 =	simm.s32 $0x3  }
0x8: {  	s31 =	simm.s32 $0x0;
	[smem:$0x7FF] =	sst s2;
	s4 =	sadd.s32 $0x1400, s0  }
0x9: {  	s3 =	sand.u32 $0x1, s3;
	s5 =	sadd.s32 $0x1200, s0;
	s6 =	sshll.u32 s6, $0x8  }
0xa: {  	s8 =	sadd.s32 $0x21400, s0;
	_ =	strace $0x80000047;
	s7 =	sshll.u32 s3, $0x7  }
0xb: {  	[dreg:$0x3] =	wrdreg s8;
	s3 =	ssub.s32 $0x2, s3;
	s6 =	sor.u32 s7, s6  }
0xc: {  	s26 =	sshrl.u32 s3, $0x1;
	s25 =	sshrl.u32 s6, $0x3;
	s6 =	sshll.u32 s6, $0x5  }
0xd: {  	s3 =	ssub.s32 s3, s26;
	s26 =	simm.s32 $0xA;
	s0 =	sadd.s32 s25, s0  }
0xe: {  	v2 =	vlaneseq.u32;
	s7 =	sadd.s32 s4, s6;
	s8 =	sadd.s32 s5, s25;
	s13 =	smax.u32 s3, $0x1  }
0xf: {  	vm0 =	vmmov $0xffff;
	v3 =	vimm.f32 $2.441406250e-04;
	v1 =	vshrl.u32 v2, $0x3;
	s25 =	simm.s32 $0x5;
	s6 =	simm.s32 $0x7;
	s9 =	sadd.s32 $0x21600, s0  }
0x10: {  	v0 =	vand.u32 $0x7, v2;
	v2 =	vor.u32 $0x8, v2;
	v1 =	vmul.u32 $0x8, v1;
	s10 =	sadd.s32 $0x400, s7;
	s11 =	sadd.s32 $0x800, s7;
	s12 =	sadd.s32 $0xC00, s7  }
.LBB2_1:
0x11: {  	[tilespmem:s2], [sflag:$0x1] =	stream.linear.gather [hbm4b:s8+s2], $0x80, $0x38;
	[tilespmem:$0x10280] =	vst v63  }
0x12: {  	s0 =	simm.s32 $0x180  }
0x13: {  	[tilespmem:s0], [sflag:$0x2] =	stream.linear.gather [hbm4b:s9+s2], $0x80, $0x38;
	[tilespmem:$0x10280] =	vst v63  }
0x14: {  	s14 =	simm.s32 $0x8280  }
0x15: {  	[tilespmem:s14], [sflag:$0x4] =	stream.linear.gather [hbm4b:s7+s2], $0x2000, $0x38;
	[tilespmem:$0x10280] =	vst v63  }
0x16: {  	s3 =	simm.s32 $0xA280  }
0x17: {  	[tilespmem:s3], [sflag:$0x5] =	stream.linear.gather [hbm4b:s10+s2], $0x2000, $0x38;
	[tilespmem:$0x10280] =	vst v63  }
0x18: {  	s14 =	simm.s32 $0xC280  }
0x19: {  	[tilespmem:s14], [sflag:$0x6] =	stream.linear.gather [hbm4b:s11+s2], $0x2000, $0x38;
	[tilespmem:$0x10280] =	vst v63  }
0x1a: {  	s3 =	simm.s32 $0xE280  }
0x1b: {  	[tilespmem:s3], [sflag:$0x7] =	stream.linear.gather [hbm4b:s12+s2], $0x2000, $0x38;
	[tilespmem:$0x10280] =	vst v63  }
0x1c: {  	_ =	swait.ge [sflag:s19], $0x80  }
0x1d: {  	[sflag:s19] =	ssyncset.done $0x0  }
0x1e: {  	s3 =	simm.s32 $0x80;
	[sflag:s19] =	ssyncadd.s32 $0xFFFFFF80  }
0x1f: {  	[tilespmem:s3], [sflag:$0x1] =	stream.indirect.gather [hbm4b:s5+s3], $0x1, s2, s3, $0xb8;
	[tilespmem:$0x10280] =	vst v63  }
0x20: {  	s14 =	simm.s32 $0x100;
	s0 =	rddreg [dreg:$0x3]  }
0x21: {  	[tilespmem:s14], [sflag:$0x2] =	stream.indirect.gather [hbm4b:s0+s3], $0x1, s2, s3, $0xb8;
	[tilespmem:$0x10280] =	vst v63  }
0x22: {  	_ =	swait.ge [sflag:s19], $0x80  }
0x23: {  	[sflag:s19] =	ssyncset.done $0x0  }
0x24: {  	[sflag:s19] =	ssyncadd.s32 $0xFFFFFF80  }
0x25: {  	v4 =	vld [tilespmem:$0x80];
	_ =	sdelay $0x4  }
0x26: {  	v5 =	vshll.u32 v4, $0x1  }
0x27: {  	v4 =	vand.u32 $0x7, v4;
	v5 =	vand.u32 $0xFFFFFFF0, v5  }
0x28: {  	v4 =	vor.u32 v4, v5  }
0x29: {  	v5 =	vperm.xlane v4, v0;
	_ =	sdelay $0x1  }
0x2a: {  	v4 =	vperm.xlane v4, v2;
	v5 =	vadd.s32 v1, v5;
	_ =	sdelay $0x1  }
0x2b: {  	v4 =	vadd.s32 v1, v4;
	_ =	sdelay $0x1  }
0x2c: {  	s14 =	simm.s32 $0x280  }
0x2d: {  	[tilespmem:s14], [sflag:$0x8] =	stream.indirect_vreg.gather [hbm4b:s4+s2], $0x80, v5, vm0, $0xb8;
	[tilespmem:$0x10280] =	vst v63  }
0x2e: {  	s3 =	simm.s32 $0xA80  }
0x2f: {  	[tilespmem:s3], [sflag:$0x8] =	stream.indirect_vreg.gather [hbm4b:s4+s2], $0x80, v4, vm0, $0xb8;
	[tilespmem:$0x10280] =	vst v63  }
0x30: {  	v4 =	vld [tilespmem:$0x90];
	_ =	sdelay $0x4  }
0x31: {  	v5 =	vshll.u32 v4, $0x1  }
0x32: {  	v4 =	vand.u32 $0x7, v4;
	v5 =	vand.u32 $0xFFFFFFF0, v5  }
0x33: {  	v4 =	vor.u32 v4, v5  }
0x34: {  	v5 =	vperm.xlane v4, v0;
	_ =	sdelay $0x1  }
0x35: {  	v4 =	vperm.xlane v4, v2;
	v5 =	vadd.s32 v1, v5;
	_ =	sdelay $0x1  }
0x36: {  	v4 =	vadd.s32 v1, v4;
	_ =	sdelay $0x1  }
0x37: {  	s14 =	simm.s32 $0x1280  }
0x38: {  	[tilespmem:s14], [sflag:$0x8] =	stream.indirect_vreg.gather [hbm4b:s4+s2], $0x80, v5, vm0, $0xb8;
	[tilespmem:$0x10280] =	vst v63  }
0x39: {  	s3 =	simm.s32 $0x1A80  }
0x3a: {  	[tilespmem:s3], [sflag:$0x8] =	stream.indirect_vreg.gather [hbm4b:s4+s2], $0x80, v4, vm0, $0xb8;
	[tilespmem:$0x10280] =	vst v63  }
0x3b: {  	v4 =	vld [tilespmem:$0xA0];
	_ =	sdelay $0x4  }
0x3c: {  	v5 =	vshll.u32 v4, $0x1  }
0x3d: {  	v4 =	vand.u32 $0x7, v4;
	v5 =	vand.u32 $0xFFFFFFF0, v5  }
0x3e: {  	v4 =	vor.u32 v4, v5  }
0x3f: {  	v5 =	vperm.xlane v4, v0;
	_ =	sdelay $0x1  }
0x40: {  	v4 =	vperm.xlane v4, v2;
	v5 =	vadd.s32 v1, v5;
	_ =	sdelay $0x1  }
0x41: {  	v4 =	vadd.s32 v1, v4;
	_ =	sdelay $0x1  }
0x42: {  	s14 =	simm.s32 $0x2280  }
0x43: {  	[tilespmem:s14], [sflag:$0x9] =	stream.indirect_vreg.gather [hbm4b:s4+s2], $0x80, v5, vm0, $0xb8;
	[tilespmem:$0x10280] =	vst v63  }
0x44: {  	s3 =	simm.s32 $0x2A80  }
0x45: {  	[tilespmem:s3], [sflag:$0x9] =	stream.indirect_vreg.gather [hbm4b:s4+s2], $0x80, v4, vm0, $0xb8;
	[tilespmem:$0x10280] =	vst v63  }
0x46: {  	v4 =	vld [tilespmem:$0xB0];
	_ =	sdelay $0x4  }
0x47: {  	v5 =	vshll.u32 v4, $0x1  }
0x48: {  	v4 =	vand.u32 $0x7, v4;
	v5 =	vand.u32 $0xFFFFFFF0, v5  }
0x49: {  	v4 =	vor.u32 v4, v5  }
0x4a: {  	v5 =	vperm.xlane v4, v0;
	_ =	sdelay $0x1  }
0x4b: {  	v4 =	vperm.xlane v4, v2;
	v5 =	vadd.s32 v1, v5;
	_ =	sdelay $0x1  }
0x4c: {  	v4 =	vadd.s32 v1, v4;
	_ =	sdelay $0x1  }
0x4d: {  	s14 =	simm.s32 $0x3280  }
0x4e: {  	[tilespmem:s14], [sflag:$0x9] =	stream.indirect_vreg.gather [hbm4b:s4+s2], $0x80, v5, vm0, $0xb8;
	[tilespmem:$0x10280] =	vst v63  }
0x4f: {  	s3 =	simm.s32 $0x3A80  }
0x50: {  	[tilespmem:s3], [sflag:$0x9] =	stream.indirect_vreg.gather [hbm4b:s4+s2], $0x80, v4, vm0, $0xb8;
	[tilespmem:$0x10280] =	vst v63  }
0x51: {  	v4 =	vld [tilespmem:$0xC0];
	_ =	sdelay $0x4  }
0x52: {  	v5 =	vshll.u32 v4, $0x1  }
0x53: {  	v4 =	vand.u32 $0x7, v4;
	v5 =	vand.u32 $0xFFFFFFF0, v5  }
0x54: {  	v4 =	vor.u32 v4, v5  }
0x55: {  	v5 =	vperm.xlane v4, v0;
	_ =	sdelay $0x1  }
0x56: {  	v4 =	vperm.xlane v4, v2;
	v5 =	vadd.s32 v1, v5;
	_ =	sdelay $0x1  }
0x57: {  	v4 =	vadd.s32 v1, v4;
	_ =	sdelay $0x1  }
0x58: {  	s14 =	simm.s32 $0x4280  }
0x59: {  	[tilespmem:s14], [sflag:$0xA] =	stream.indirect_vreg.gather [hbm4b:s4+s2], $0x80, v5, vm0, $0xb8;
	[tilespmem:$0x10280] =	vst v63  }
0x5a: {  	s3 =	simm.s32 $0x4A80  }
0x5b: {  	[tilespmem:s3], [sflag:$0xA] =	stream.indirect_vreg.gather [hbm4b:s4+s2], $0x80, v4, vm0, $0xb8;
	[tilespmem:$0x10280] =	vst v63  }
0x5c: {  	v4 =	vld [tilespmem:$0xD0];
	_ =	sdelay $0x4  }
0x5d: {  	v5 =	vshll.u32 v4, $0x1  }
0x5e: {  	v4 =	vand.u32 $0x7, v4;
	v5 =	vand.u32 $0xFFFFFFF0, v5  }
0x5f: {  	v4 =	vor.u32 v4, v5  }
0x60: {  	v5 =	vperm.xlane v4, v0;
	_ =	sdelay $0x1  }
0x61: {  	v4 =	vperm.xlane v4, v2;
	v5 =	vadd.s32 v1, v5;
	_ =	sdelay $0x1  }
0x62: {  	v4 =	vadd.s32 v1, v4;
	_ =	sdelay $0x1  }
0x63: {  	s14 =	simm.s32 $0x5280  }
0x64: {  	[tilespmem:s14], [sflag:$0xA] =	stream.indirect_vreg.gather [hbm4b:s4+s2], $0x80, v5, vm0, $0xb8;
	[tilespmem:$0x10280] =	vst v63  }
0x65: {  	s3 =	simm.s32 $0x5A80  }
0x66: {  	[tilespmem:s3], [sflag:$0xA] =	stream.indirect_vreg.gather [hbm4b:s4+s2], $0x80, v4, vm0, $0xb8;
	[tilespmem:$0x10280] =	vst v63  }
0x67: {  	v4 =	vld [tilespmem:$0xE0];
	_ =	sdelay $0x4  }
0x68: {  	v5 =	vshll.u32 v4, $0x1  }
0x69: {  	v4 =	vand.u32 $0x7, v4;
	v5 =	vand.u32 $0xFFFFFFF0, v5  }
0x6a: {  	v4 =	vor.u32 v4, v5  }
0x6b: {  	v5 =	vperm.xlane v4, v0;
	_ =	sdelay $0x1  }
0x6c: {  	v4 =	vperm.xlane v4, v2;
	v5 =	vadd.s32 v1, v5;
	_ =	sdelay $0x1  }
0x6d: {  	v4 =	vadd.s32 v1, v4;
	_ =	sdelay $0x2  }
0x6e: {  	[tilespmem:s15], [sflag:$0xB] =	stream.indirect_vreg.gather [hbm4b:s4+s2], $0x80, v5, vm0, $0xb8;
	[tilespmem:$0x10280] =	vst v63  }
0x6f: {  	_ = 	snop  }
0x70: {  	[tilespmem:s16], [sflag:$0xB] =	stream.indirect_vreg.gather [hbm4b:s4+s2], $0x80, v4, vm0, $0xb8;
	[tilespmem:$0x10280] =	vst v63  }
0x71: {  	v4 =	vld [tilespmem:$0xF0];
	_ =	sdelay $0x4  }
0x72: {  	v5 =	vshll.u32 v4, $0x1  }
0x73: {  	v4 =	vand.u32 $0x7, v4;
	v5 =	vand.u32 $0xFFFFFFF0, v5  }
0x74: {  	v4 =	vor.u32 v4, v5  }
0x75: {  	v5 =	vperm.xlane v4, v0;
	_ =	sdelay $0x1  }
0x76: {  	v4 =	vperm.xlane v4, v2;
	v5 =	vadd.s32 v1, v5;
	_ =	sdelay $0x1  }
0x77: {  	v4 =	vadd.s32 v1, v4;
	_ =	sdelay $0x2  }
0x78: {  	[tilespmem:s17], [sflag:$0xB] =	stream.indirect_vreg.gather [hbm4b:s4+s2], $0x80, v5, vm0, $0xb8;
	[tilespmem:$0x10280] =	vst v63  }
0x79: {  	_ = 	snop  }
0x7a: {  	[tilespmem:s18], [sflag:$0xB] =	stream.indirect_vreg.gather [hbm4b:s4+s2], $0x80, v4, vm0, $0xb8;
	[tilespmem:$0x10280] =	vst v63  }
0x7b: {  	_ =	swait.ge [sflag:s21], $0x80  }
0x7c: {  	[sflag:s21] =	ssyncset.done $0x0  }
0x7d: {  	[sflag:s21] =	ssyncadd.s32 $0xFFFFFF80  }
0x7e: {  	_ =	swait.ge [sflag:s21], $0x80  }
0x7f: {  	[sflag:s21] =	ssyncset.done $0x0  }
0x80: {  	[sflag:s21] =	ssyncadd.s32 $0xFFFFFF80  }
0x81: {  	v4 =	vld [tilespmem:$0x100]  }
0x82: {  	v5 =	vld [tilespmem:$0x180]  }
0x83: {  	v6 =	vld [tilespmem:$0x110]  }
0x84: {  	v7 =	vld [tilespmem:$0x190]  }
0x85: {  	v8 =	vld [tilespmem:$0x120]  }
0x86: {  	v9 =	vld [tilespmem:$0x1A0]  }
0x87: {  	v10 =	vld [tilespmem:$0x130]  }
0x88: {  	v11 =	vld [tilespmem:$0x1B0]  }
0x89: {  	v12 =	vld [tilespmem:$0x140]  }
0x8a: {  	v13 =	vld [tilespmem:$0x1C0]  }
0x8b: {  	v14 =	vld [tilespmem:$0x150]  }
0x8c: {  	v15 =	vld [tilespmem:$0x1D0]  }
0x8d: {  	v16 =	vld [tilespmem:$0x160]  }
0x8e: {  	v4 =	vadd.f32 v5, v4;
	v5 =	vld [tilespmem:$0x1E0]  }
0x8f: {  	v6 =	vadd.f32 v7, v6;
	v7 =	vld [tilespmem:$0x170]  }
0x90: {  	vm1 =	vgt.f32 v4, $0.0e+00;
	v4 =	vadd.f32 v9, v8;
	v8 =	vld [tilespmem:$0x1F0]  }
0x91: {  	v9 =	vsel vm1, $0x3F800000, v3;
	vm1 =	vgt.f32 v6, $0.0e+00;
	v6 =	vadd.f32 v11, v10  }
0x92: {  	[tilespmem:$0x200] =	vst v9;
	v9 =	vsel vm1, $0x3F800000, v3;
	vm1 =	vgt.f32 v4, $0.0e+00;
	v4 =	vadd.f32 v13, v12  }
0x93: {  	[tilespmem:$0x210] =	vst v9;
	v9 =	vsel vm1, $0x3F800000, v3;
	vm1 =	vgt.f32 v6, $0.0e+00;
	v6 =	vadd.f32 v15, v14  }
0x94: {  	[tilespmem:$0x220] =	vst v9;
	v9 =	vsel vm1, $0x3F800000, v3;
	vm1 =	vgt.f32 v4, $0.0e+00;
	v4 =	vadd.f32 v5, v16  }
0x95: {  	[tilespmem:$0x230] =	vst v9;
	v5 =	vsel vm1, $0x3F800000, v3;
	vm1 =	vgt.f32 v6, $0.0e+00;
	v6 =	vadd.f32 v8, v7  }
0x96: {  	[tilespmem:$0x240] =	vst v5;
	v5 =	vsel vm1, $0x3F800000, v3;
	vm1 =	vgt.f32 v4, $0.0e+00  }
0x97: {  	[tilespmem:$0x250] =	vst v5;
	v4 =	vsel vm1, $0x3F800000, v3;
	vm1 =	vgt.f32 v6, $0.0e+00  }
0x98: {  	[tilespmem:$0x260] =	vst v4;
	v4 =	vsel vm1, $0x3F800000, v3  }
0x99: {  	[tilespmem:$0x270] =	vst v4  }
0x9a: {  	_ =	swait.ge [sflag:s20], $0x2000  }
0x9b: {  	[sflag:s20] =	ssyncset.done $0x0  }
0x9c: {  	[sflag:s20] =	ssyncadd.s32 $0xFFFFE000  }
0x9d: {  	_ =	swait.ge [sflag:s22], $0x2000  }
0x9e: {  	s14 =	sand.u32 $0x1800, s2;
	s15 =	sand.u32 $0x380, s2;
	[sflag:s22] =	ssyncset.done $0x0  }
0x9f: {  	s0 =	sor.u32 s15, s14;
	[sflag:s22] =	ssyncadd.s32 $0xFFFFE000  }
0xa0: {  	v4 =	vld [tilespmem:s0+$0x8280]  }
0xa1: {  	v5 =	vld [tilespmem:s0+$0x8290]  }
0xa2: {  	v6 =	vld [tilespmem:s0+$0x82A0]  }
0xa3: {  	v7 =	vld [tilespmem:s0+$0x82B0]  }
0xa4: {  	v8 =	vld [tilespmem:s0+$0x82C0]  }
0xa5: {  	v10 =	vmov s2;
	v9 =	vld [tilespmem:s0+$0x82D0]  }
0xa6: {  	v11 =	vld [tilespmem:s0+$0x82E0]  }
0xa7: {  	v12 =	vld [tilespmem:s0+$0x82F0]  }
0xa8: {  	v13 =	vld [tilespmem:s0+$0x8680]  }
0xa9: {  	v14 =	vld [tilespmem:s0+$0x8690]  }
0xaa: {  	v10 =	vld.idx.msk [tilespmem:v10+s23+$0x0], $0xffff  }
0xab: {  	v15 =	vld [tilespmem:s0+$0x86A0]  }
0xac: {  	v16 =	vld [tilespmem:s0+$0x280]  }
0xad: {  	v17 =	vld [tilespmem:s0+$0x290]  }
0xae: {  	v18 =	vld [tilespmem:s0+$0x2A0]  }
0xaf: {  	v19 =	vld [tilespmem:s0+$0x2B0]  }
0xb0: {  	v20 =	vld [tilespmem:s0+$0x86B0];
	v4 =	vmul.f32 v4, v10  }
0xb1: {  	v21 =	vld [tilespmem:s0+$0x2C0];
	v5 =	vmul.f32 v5, v10  }
0xb2: {  	v22 =	vld [tilespmem:s0+$0x86D0];
	v6 =	vmul.f32 v6, v10;
	v4 =	vadd.f32 v4, v16  }
0xb3: {  	v7 =	vmul.f32 v7, v10;
	v16 =	vld [tilespmem:s0+$0x2D0];
	v5 =	vadd.f32 v5, v17  }
0xb4: {  	v24 =	vld [tilespmem:s0+$0x2E0];
	v6 =	vadd.f32 v6, v18;
	v18 =	vmul.f32 $2.000000030e-01, v4  }
0xb5: {  	v62 =	vld [tilespmem:s0+$0x6A0];
	v8 =	vmul.f32 v8, v10;
	v7 =	vadd.f32 v7, v19;
	v19 =	vmul.f32 $2.000000030e-01, v5  }
0xb6: {  	v9 =	vmul.f32 v9, v10;
	v17 =	vld [tilespmem:s0+$0x86C0];
	v23 =	vmul.f32 $2.000000030e-01, v6;
	v4 =	vmax.f32 v4, v18  }
0xb7: {  	v8 =	vadd.f32 v8, v21;
	v18 =	vld [tilespmem:s0+$0x690];
	v5 =	vmax.f32 v5, v19;
	v19 =	vmul.f32 $2.000000030e-01, v7;
	[tilespmem:s0+$0x280] =	vst v4  }
0xb8: {  	v11 =	vmul.f32 v11, v10;
	v6 =	vmax.f32 v6, v23;
	v4 =	vld [tilespmem:s0+$0x2F0];
	v9 =	vadd.f32 v9, v16;
	[tilespmem:s0+$0x290] =	vst v5  }
0xb9: {  	v5 =	vld [tilespmem:s0+$0x680];
	[tilespmem:s0+$0x2A0] =	vst v6;
	v6 =	vmul.f32 $2.000000030e-01, v8;
	v7 =	vmax.f32 v7, v19  }
0xba: {  	v19 =	vld [tilespmem:s0+$0x86E0];
	v16 =	vmul.f32 $2.000000030e-01, v9;
	[tilespmem:s0+$0x2B0] =	vst v7;
	v7 =	vadd.f32 v11, v24  }
0xbb: {  	v12 =	vmul.f32 v12, v10;
	v6 =	vmax.f32 v8, v6;
	v11 =	vld [tilespmem:s0+$0x86F0]  }
0xbc: {  	s14 =	simm.s32 $0x80;
	s15 =	simm.s32 $0x100;
	v13 =	vmul.f32 v13, v10;
	[tilespmem:s0+$0x2C0] =	vst v6;
	v8 =	vmax.f32 v9, v16;
	v9 =	vld [tilespmem:s0+$0x6B0];
	v6 =	vmul.f32 $2.000000030e-01, v7  }
0xbd: {  	s16 =	sand.u32 $0x1800, s15;
	s17 =	sand.u32 $0x380, s14;
	v16 =	vld [tilespmem:s0+$0x6D0];
	v4 =	vadd.f32 v12, v4  }
0xbe: {  	s3 =	sor.u32 s17, s16;
	v12 =	vmul.f32 v14, v10;
	v14 =	vld [tilespmem:s0+$0x6F0];
	[tilespmem:s0+$0x2D0] =	vst v8;
	v8 =	vadd.f32 v13, v5;
	v6 =	vmax.f32 v7, v6  }
0xbf: {  	v15 =	vmul.f32 v15, v10;
	v5 =	vld [tilespmem:s3+$0x8280];
	v13 =	vmul.f32 $2.000000030e-01, v4;
	[tilespmem:s0+$0x2E0] =	vst v6  }
0xc0: {  	v12 =	vadd.f32 v12, v18;
	v6 =	vmul.f32 v20, v10;
	v18 =	vmul.f32 $2.000000030e-01, v8;
	v7 =	vld [tilespmem:s3+$0x8290]  }
0xc1: {  	v4 =	vmax.f32 v4, v13;
	v13 =	vadd.f32 v15, v62;
	v15 =	vld [tilespmem:s0+$0x6C0]  }
0xc2: {  	v6 =	vadd.f32 v6, v9;
	v9 =	vmax.f32 v8, v18;
	v18 =	vld [tilespmem:s0+$0x6E0];
	[tilespmem:s0+$0x2F0] =	vst v4;
	v4 =	vmul.f32 $2.000000030e-01, v12  }
0xc3: {  	v63 =	vmul.f32 v22, v10;
	v20 =	vmul.f32 $2.000000030e-01, v13  }
0xc4: {  	v17 =	vmul.f32 v17, v10;
	v11 =	vmul.f32 v11, v10;
	v8 =	vld [tilespmem:s3+$0x82A0];
	[tilespmem:s0+$0x680] =	vst v9;
	v4 =	vmax.f32 v12, v4  }
0xc5: {  	v12 =	vmul.f32 $2.000000030e-01, v6;
	v9 =	vld [tilespmem:s3+$0x82B0];
	[tilespmem:s0+$0x690] =	vst v4;
	v4 =	vmax.f32 v13, v20;
	v13 =	vmul.f32 v19, v10  }
0xc6: {  	v19 =	vadd.f32 v63, v16;
	v17 =	vadd.f32 v17, v15  }
0xc7: {  	v10 =	vld [tilespmem:s3+$0x82C0];
	[tilespmem:s0+$0x6A0] =	vst v4;
	v4 =	vmax.f32 v6, v12;
	v12 =	vadd.f32 v11, v14;
	v13 =	vadd.f32 v13, v18  }
0xc8: {  	v11 =	vld [tilespmem:s3+$0x82D0];
	[tilespmem:s0+$0x6B0] =	vst v4;
	v20 =	vmul.f32 $2.000000030e-01, v19;
	v18 =	vmul.f32 $2.000000030e-01, v17  }
0xc9: {  	s17 =	simm.s32 $0x1;
	v4 =	vld [tilespmem:s3+$0x82E0];
	v15 =	vmul.f32 $2.000000030e-01, v12;
	v16 =	vmul.f32 $2.000000030e-01, v13  }
0xca: {  	s16 =	simm.s32 $0x2;
	v14 =	vmov s17;
	v6 =	vld [tilespmem:s3+$0x82F0];
	v18 =	vmax.f32 v17, v18;
	v17 =	vmax.f32 v19, v20  }
.LBB2_2:
0xcb: {  	p0 =	sne.s32 s16, $0x1F;
	v19 =	vld [tilespmem:s3+$0x8680];
	[tilespmem:s0+$0x6C0] =	vst v18;
	v13 =	vmax.f32 v13, v16;
	v12 =	vmax.f32 v12, v15  }
0xcc: {  	v15 =	vld [tilespmem:s3+$0x8690];
	[tilespmem:s0+$0x6D0] =	vst v17  }
0xcd: {  	v16 =	vld [tilespmem:s3+$0x86A0];
	[tilespmem:s0+$0x6E0] =	vst v13  }
0xce: {  	v13 =	vld [tilespmem:s3+$0x86B0];
	[tilespmem:s0+$0x6F0] =	vst v12;
	s0 =	smov.u32 s3  }
0xcf: {  	v12 =	vld.idx.msk [tilespmem:v14+s23+$0x0], $0xffff  }
0xd0: {  	v14 =	vld [tilespmem:s0+$0x2B0]  }
0xd1: {  	v17 =	vld [tilespmem:s0+$0x290]  }
0xd2: {  	v18 =	vld [tilespmem:s0+$0x280]  }
0xd3: {  	v20 =	vld [tilespmem:s0+$0x2A0]  }
0xd4: {  	v21 =	vld [tilespmem:s0+$0x2C0]  }
0xd5: {  	v5 =	vmul.f32 v5, v12;
	v7 =	vmul.f32 v7, v12;
	v22 =	vld [tilespmem:s0+$0x2D0]  }
0xd6: {  	v8 =	vmul.f32 v8, v12;
	v9 =	vmul.f32 v9, v12;
	v23 =	vld [tilespmem:s0+$0x86C0]  }
0xd7: {  	v10 =	vmul.f32 v10, v12;
	v7 =	vadd.f32 v7, v17;
	v5 =	vadd.f32 v5, v18;
	v17 =	vld [tilespmem:s0+$0x86D0]  }
0xd8: {  	v11 =	vmul.f32 v11, v12;
	v9 =	vadd.f32 v9, v14;
	v8 =	vadd.f32 v8, v20;
	v14 =	vld [tilespmem:s0+$0x690]  }
0xd9: {  	v20 =	vmul.f32 $2.000000030e-01, v7;
	v18 =	vmul.f32 $2.000000030e-01, v5;
	v10 =	vadd.f32 v10, v21;
	v21 =	vld [tilespmem:s0+$0x2F0]  }
0xda: {  	v25 =	vmul.f32 $2.000000030e-01, v9;
	v24 =	vmul.f32 $2.000000030e-01, v8;
	v11 =	vadd.f32 v11, v22;
	v22 =	vld [tilespmem:s0+$0x2E0]  }
0xdb: {  	v7 =	vmax.f32 v7, v20;
	v5 =	vmax.f32 v5, v18;
	v18 =	vmul.f32 $2.000000030e-01, v10;
	v20 =	vld [tilespmem:s0+$0x680]  }
0xdc: {  	[tilespmem:s0+$0x280] =	vst v5;
	v5 =	vmax.f32 v8, v24;
	v8 =	vmax.f32 v9, v25;
	v9 =	vmul.f32 $2.000000030e-01, v11;
	v24 =	vld [tilespmem:s0+$0x6A0]  }
0xdd: {  	v4 =	vmul.f32 v4, v12;
	v6 =	vmul.f32 v6, v12;
	[tilespmem:s0+$0x290] =	vst v7;
	v7 =	vmax.f32 v10, v18;
	v10 =	vld [tilespmem:s0+$0x6B0]  }
0xde: {  	[tilespmem:s0+$0x2A0] =	vst v5;
	v5 =	vmax.f32 v11, v9;
	v9 =	vmul.f32 v19, v12;
	v11 =	vmul.f32 v15, v12;
	v15 =	vld [tilespmem:s0+$0x86E0]  }
0xdf: {  	v6 =	vadd.f32 v6, v21;
	[tilespmem:s0+$0x2B0] =	vst v8;
	v4 =	vadd.f32 v4, v22;
	v8 =	vmul.f32 v16, v12;
	v16 =	vld [tilespmem:s0+$0x86F0]  }
0xe0: {  	[tilespmem:s0+$0x2C0] =	vst v7;
	v7 =	vadd.f32 v9, v20;
	v9 =	vadd.f32 v11, v14;
	v11 =	vmul.f32 v13, v12;
	v14 =	vld [tilespmem:s0+$0x6F0]  }
0xe1: {  	s14 =	sadd.s32 $0x80, s14;
	s15 =	sadd.s32 $0x100, s15;
	v13 =	vmul.f32 $2.000000030e-01, v6;
	[tilespmem:s0+$0x2D0] =	vst v5;
	v5 =	vmul.f32 $2.000000030e-01, v4;
	v8 =	vadd.f32 v8, v24;
	v18 =	vld [tilespmem:s0+$0x6D0]  }
0xe2: {  	s17 =	sand.u32 $0x380, s14;
	s3 =	sand.u32 $0x1800, s15;
	v19 =	vmul.f32 $2.000000030e-01, v7;
	v20 =	vmul.f32 $2.000000030e-01, v9;
	v10 =	vadd.f32 v11, v10;
	v11 =	vld [tilespmem:s0+$0x6C0]  }
0xe3: {  	s3 =	sor.u32 s17, s3;
	v6 =	vmax.f32 v6, v13;
	v4 =	vmax.f32 v4, v5;
	v13 =	vmul.f32 $2.000000030e-01, v8;
	v21 =	vld [tilespmem:s0+$0x6E0]  }
0xe4: {  	v5 =	vld [tilespmem:s3+$0x8280];
	[tilespmem:s0+$0x2E0] =	vst v4;
	v4 =	vmax.f32 v7, v19;
	v19 =	vmax.f32 v9, v20;
	v9 =	vmul.f32 $2.000000030e-01, v10  }
0xe5: {  	v17 =	vmul.f32 v17, v12;
	v7 =	vld [tilespmem:s3+$0x8290];
	[tilespmem:s0+$0x2F0] =	vst v6;
	v6 =	vmax.f32 v8, v13;
	v13 =	vmul.f32 v23, v12  }
0xe6: {  	v15 =	vmul.f32 v15, v12;
	v12 =	vmul.f32 v16, v12;
	v8 =	vld [tilespmem:s3+$0x82A0];
	[tilespmem:s0+$0x680] =	vst v4;
	v4 =	vmax.f32 v10, v9  }
.Ltmp0:
0xe7: {  	v17 =	vadd.f32 v17, v18;
	v9 =	vld [tilespmem:s3+$0x82B0];
	[tilespmem:s0+$0x690] =	vst v19;
	v19 =	vadd.f32 v13, v11;
	(pc) =	sbr.rel @p0 .LBB2_2-.Ltmp0, $4  }
0xe8: {  	v12 =	vadd.f32 v12, v14;
	v10 =	vld [tilespmem:s3+$0x82C0];
	[tilespmem:s0+$0x6A0] =	vst v6;
	v13 =	vadd.f32 v15, v21  }
0xe9: {  	v20 =	vmul.f32 $2.000000030e-01, v17;
	v11 =	vld [tilespmem:s3+$0x82D0];
	[tilespmem:s0+$0x6B0] =	vst v4;
	v18 =	vmul.f32 $2.000000030e-01, v19  }
0xea: {  	v15 =	vmul.f32 $2.000000030e-01, v12;
	v4 =	vld [tilespmem:s3+$0x82E0];
	v16 =	vmul.f32 $2.000000030e-01, v13  }
0xeb: {  	v14 =	vmov s16;
	s16 =	sadd.s32 $0x1, s16;
	v17 =	vmax.f32 v17, v20;
	v6 =	vld [tilespmem:s3+$0x82F0];
	v18 =	vmax.f32 v19, v18  }
0xec: {  	v19 =	vld [tilespmem:s3+$0x8680]  }
0xed: {  	[tilespmem:s0+$0x6C0] =	vst v18;
	v12 =	vmax.f32 v12, v15;
	v15 =	vld [tilespmem:s3+$0x280]  }
0xee: {  	v13 =	vmax.f32 v13, v16;
	v18 =	vld [tilespmem:s3+$0x8690];
	[tilespmem:s0+$0x6D0] =	vst v17  }
0xef: {  	v16 =	vld [tilespmem:s3+$0x86A0];
	[tilespmem:s0+$0x6E0] =	vst v13  }
0xf0: {  	v13 =	vld [tilespmem:s3+$0x86B0];
	[tilespmem:s0+$0x6F0] =	vst v12  }
0xf1: {  	v12 =	vld.idx.msk [tilespmem:v14+s23+$0x0], $0xffff  }
0xf2: {  	v20 =	vld [tilespmem:s3+$0x2A0]  }
0xf3: {  	v17 =	vld [tilespmem:s3+$0x290]  }
0xf4: {  	v21 =	vld [tilespmem:s3+$0x2C0]  }
0xf5: {  	v14 =	vld [tilespmem:s3+$0x2B0]  }
0xf6: {  	v22 =	vld [tilespmem:s3+$0x2D0];
	v5 =	vmul.f32 v5, v12;
	v7 =	vmul.f32 v7, v12  }
0xf7: {  	v24 =	vld [tilespmem:s3+$0x2F0];
	v8 =	vmul.f32 v8, v12;
	v9 =	vmul.f32 v9, v12  }
0xf8: {  	v25 =	vld [tilespmem:s3+$0x2E0];
	v10 =	vmul.f32 v10, v12;
	v5 =	vadd.f32 v5, v15;
	v7 =	vadd.f32 v7, v17  }
0xf9: {  	v55 =	vld [tilespmem:s3+$0x6A0];
	v11 =	vmul.f32 v11, v12;
	v4 =	vmul.f32 v4, v12;
	v8 =	vadd.f32 v8, v20  }
0xfa: {  	v23 =	vld [tilespmem:s3+$0x86C0];
	v9 =	vadd.f32 v9, v14;
	v20 =	vmul.f32 $2.000000030e-01, v5;
	v14 =	vmul.f32 $2.000000030e-01, v7  }
0xfb: {  	v15 =	vld [tilespmem:s3+$0x86D0];
	v10 =	vadd.f32 v10, v21;
	v11 =	vadd.f32 v11, v22;
	v54 =	vmul.f32 $2.000000030e-01, v8  }
0xfc: {  	v5 =	vmax.f32 v5, v20;
	v20 =	vmul.f32 $2.000000030e-01, v9;
	v7 =	vmax.f32 v7, v14;
	v14 =	vld [tilespmem:s3+$0x680]  }
0xfd: {  	v6 =	vmul.f32 v6, v12;
	v17 =	vld [tilespmem:s3+$0x690];
	v4 =	vadd.f32 v4, v25;
	[tilespmem:s3+$0x280] =	vst v5;
	v5 =	vmul.f32 $2.000000030e-01, v10  }
0xfe: {  	v8 =	vmax.f32 v8, v54;
	[tilespmem:s3+$0x290] =	vst v7;
	v7 =	vmax.f32 v9, v20;
	v9 =	vmul.f32 $2.000000030e-01, v11;
	v20 =	vld [tilespmem:s3+$0x6B0]  }
0xff: {  	v6 =	vadd.f32 v6, v24;
	[tilespmem:s3+$0x2A0] =	vst v8;
	v8 =	vld [tilespmem:s3+$0x86E0];
	v5 =	vmax.f32 v10, v5;
	v10 =	vmul.f32 v19, v12  }
0x100: {  	[tilespmem:s3+$0x2B0] =	vst v7;
	v7 =	vmul.f32 v16, v12;
	v16 =	vld [tilespmem:s3+$0x86F0];
	v9 =	vmax.f32 v11, v9;
	v11 =	vmul.f32 v18, v12  }
0x101: {  	v13 =	vmul.f32 v13, v12;
	v18 =	vmul.f32 $2.000000030e-01, v6;
	v10 =	vadd.f32 v10, v14;
	v14 =	vld [tilespmem:s3+$0x6C0]  }
0x102: {  	v19 =	vld [tilespmem:s3+$0x6D0];
	[tilespmem:s3+$0x2C0] =	vst v5;
	v7 =	vadd.f32 v7, v55;
	v11 =	vadd.f32 v11, v17;
	v17 =	vmul.f32 $2.000000030e-01, v4  }
0x103: {  	[tilespmem:s3+$0x2D0] =	vst v9;
	v6 =	vmax.f32 v6, v18;
	v5 =	vmul.f32 $2.000000030e-01, v10;
	v13 =	vadd.f32 v13, v20;
	v20 =	vld [tilespmem:s3+$0x6E0]  }
0x104: {  	v57 =	vld [tilespmem:s3+$0x6F0];
	v9 =	vmul.f32 v23, v12;
	[tilespmem:s3+$0x2F0] =	vst v6;
	v56 =	vmul.f32 $2.000000030e-01, v11;
	v4 =	vmax.f32 v4, v17  }
0x105: {  	v6 =	vmul.f32 v8, v12;
	[tilespmem:s3+$0x2E0] =	vst v4;
	v4 =	vmax.f32 v10, v5;
	v5 =	vmul.f32 v15, v12  }
0x106: {  	v17 =	vmul.f32 $2.000000030e-01, v7;
	v10 =	vmax.f32 v11, v56;
	v8 =	vadd.f32 v9, v14  }
0x107: {  	v9 =	vmul.f32 $2.000000030e-01, v13;
	[tilespmem:s3+$0x680] =	vst v4;
	v4 =	vmul.f32 v16, v12;
	v5 =	vadd.f32 v5, v19  }
0x108: {  	v7 =	vmax.f32 v7, v17;
	[tilespmem:s3+$0x690] =	vst v10;
	v6 =	vadd.f32 v6, v20;
	v10 =	vmul.f32 $2.000000030e-01, v8  }
0x109: {  	[tilespmem:s3+$0x6A0] =	vst v7;
	v9 =	vmax.f32 v13, v9;
	v4 =	vadd.f32 v4, v57;
	v7 =	vmul.f32 $2.000000030e-01, v5  }
0x10a: {  	[tilespmem:s3+$0x6B0] =	vst v9;
	v9 =	vmul.f32 $2.000000030e-01, v6;
	v8 =	vmax.f32 v8, v10  }
0x10b: {  	v10 =	vmul.f32 $2.000000030e-01, v4;
	v5 =	vmax.f32 v5, v7;
	[tilespmem:s3+$0x6C0] =	vst v8  }
0x10c: {  	v6 =	vmax.f32 v6, v9;
	[tilespmem:s3+$0x6D0] =	vst v5  }
0x10d: {  	v4 =	vmax.f32 v4, v10;
	[tilespmem:s3+$0x6E0] =	vst v6  }
0x10e: {  	[tilespmem:s3+$0x6F0] =	vst v4  }
0x10f: {  	v4 =	vld [tilespmem:$0x0];
	_ =	sdelay $0x4  }
0x110: {  	v5 =	vshll.u32 v4, $0x1  }
0x111: {  	v4 =	vand.u32 $0x7, v4;
	v5 =	vand.u32 $0xFFFFFFF0, v5  }
0x112: {  	v4 =	vor.u32 v4, v5  }
0x113: {  	v5 =	vperm.xlane v4, v0;
	_ =	sdelay $0x1  }
0x114: {  	v4 =	vperm.xlane v4, v2;
	v5 =	vadd.s32 v1, v5;
	_ =	sdelay $0x1  }
0x115: {  	v4 =	vadd.s32 v1, v4;
	_ =	sdelay $0x1  }
0x116: {  	s15 =	simm.s32 $0x280  }
0x117: {  	[hbm4b:s1+s2] =	stream.indirect_vreg.scatter [tilespmem:s15], [sflag:$0x3], $0x80, v5, vm0, $0xb8;
	[tilespmem:$0x10280] =	vst v63  }
0x118: {  	s16 =	simm.s32 $0xA80  }
0x119: {  	[hbm4b:s1+s2] =	stream.indirect_vreg.scatter [tilespmem:s16], [sflag:$0x3], $0x80, v4, vm0, $0xb8;
	[tilespmem:$0x10280] =	vst v63  }
0x11a: {  	v4 =	vld [tilespmem:$0x10];
	_ =	sdelay $0x4  }
0x11b: {  	v5 =	vshll.u32 v4, $0x1  }
0x11c: {  	v4 =	vand.u32 $0x7, v4;
	v5 =	vand.u32 $0xFFFFFFF0, v5  }
0x11d: {  	v4 =	vor.u32 v4, v5  }
0x11e: {  	v5 =	vperm.xlane v4, v0;
	_ =	sdelay $0x1  }
0x11f: {  	v4 =	vperm.xlane v4, v2;
	v5 =	vadd.s32 v1, v5;
	_ =	sdelay $0x1  }
0x120: {  	v4 =	vadd.s32 v1, v4;
	_ =	sdelay $0x1  }
0x121: {  	s17 =	simm.s32 $0x1280  }
0x122: {  	[hbm4b:s1+s2] =	stream.indirect_vreg.scatter [tilespmem:s17], [sflag:$0x3], $0x80, v5, vm0, $0xb8;
	[tilespmem:$0x10280] =	vst v63  }
0x123: {  	s3 =	simm.s32 $0x1A80  }
0x124: {  	[hbm4b:s1+s2] =	stream.indirect_vreg.scatter [tilespmem:s3], [sflag:$0x3], $0x80, v4, vm0, $0xb8;
	[tilespmem:$0x10280] =	vst v63  }
0x125: {  	_ =	swait.ge [sflag:s24], $0x2000  }
0x126: {  	[sflag:s24] =	ssyncset.done $0x0  }
0x127: {  	[sflag:s24] =	ssyncadd.s32 $0xFFFFE000  }
0x128: {  	s14 =	simm.s32 $0x1000;
	s15 =	simm.s32 $0x2000;
	_ =	swait.ge [sflag:s25], $0x2000  }
0x129: {  	s0 =	sand.u32 $0x380, s14;
	s3 =	sand.u32 $0x3800, s15;
	[sflag:s25] =	ssyncset.done $0x0  }
0x12a: {  	s0 =	sor.u32 s0, s3;
	[sflag:s25] =	ssyncadd.s32 $0xFFFFE000  }
0x12b: {  	v4 =	vld [tilespmem:s0+$0x8280]  }
0x12c: {  	v5 =	vld [tilespmem:s0+$0x8290]  }
0x12d: {  	v6 =	vld [tilespmem:s0+$0x82A0]  }
0x12e: {  	v7 =	vld [tilespmem:s0+$0x82B0]  }
0x12f: {  	s16 =	simm.s32 $0x20;
	v8 =	vld [tilespmem:s0+$0x82C0]  }
0x130: {  	v10 =	vmov s16;
	v9 =	vld [tilespmem:s0+$0x82D0]  }
0x131: {  	v11 =	vld [tilespmem:s0+$0x82E0]  }
0x132: {  	v12 =	vld [tilespmem:s0+$0x82F0]  }
0x133: {  	v13 =	vld [tilespmem:s0+$0x8680]  }
0x134: {  	v14 =	vld [tilespmem:s0+$0x8690]  }
0x135: {  	v10 =	vld.idx.msk [tilespmem:v10+s23+$0x0], $0xffff  }
0x136: {  	v15 =	vld [tilespmem:s0+$0x86A0]  }
0x137: {  	v16 =	vld [tilespmem:s0+$0x280]  }
0x138: {  	v17 =	vld [tilespmem:s0+$0x290]  }
0x139: {  	v18 =	vld [tilespmem:s0+$0x2A0]  }
0x13a: {  	v19 =	vld [tilespmem:s0+$0x2B0]  }
0x13b: {  	v20 =	vld [tilespmem:s0+$0x86B0];
	v4 =	vmul.f32 v4, v10  }
0x13c: {  	v58 =	vld [tilespmem:s0+$0x2C0];
	v5 =	vmul.f32 v5, v10  }
0x13d: {  	v59 =	vld [tilespmem:s0+$0x86D0];
	v6 =	vmul.f32 v6, v10;
	v4 =	vadd.f32 v4, v16  }
0x13e: {  	v7 =	vmul.f32 v7, v10;
	v16 =	vld [tilespmem:s0+$0x2D0];
	v5 =	vadd.f32 v5, v17  }
0x13f: {  	v61 =	vld [tilespmem:s0+$0x2E0];
	v6 =	vadd.f32 v6, v18;
	v18 =	vmul.f32 $2.000000030e-01, v4  }
0x140: {  	v62 =	vld [tilespmem:s0+$0x6A0];
	v8 =	vmul.f32 v8, v10;
	v7 =	vadd.f32 v7, v19;
	v19 =	vmul.f32 $2.000000030e-01, v5  }
0x141: {  	v9 =	vmul.f32 v9, v10;
	v17 =	vld [tilespmem:s0+$0x86C0];
	v60 =	vmul.f32 $2.000000030e-01, v6;
	v4 =	vmax.f32 v4, v18  }
0x142: {  	v8 =	vadd.f32 v8, v58;
	v18 =	vld [tilespmem:s0+$0x690];
	v5 =	vmax.f32 v5, v19;
	v19 =	vmul.f32 $2.000000030e-01, v7;
	[tilespmem:s0+$0x280] =	vst v4  }
0x143: {  	v11 =	vmul.f32 v11, v10;
	v6 =	vmax.f32 v6, v60;
	v4 =	vld [tilespmem:s0+$0x2F0];
	v9 =	vadd.f32 v9, v16;
	[tilespmem:s0+$0x290] =	vst v5  }
0x144: {  	v5 =	vld [tilespmem:s0+$0x680];
	[tilespmem:s0+$0x2A0] =	vst v6;
	v6 =	vmul.f32 $2.000000030e-01, v8;
	v7 =	vmax.f32 v7, v19  }
0x145: {  	v19 =	vld [tilespmem:s0+$0x86E0];
	v16 =	vmul.f32 $2.000000030e-01, v9;
	[tilespmem:s0+$0x2B0] =	vst v7;
	v7 =	vadd.f32 v11, v61  }
0x146: {  	v12 =	vmul.f32 v12, v10;
	v6 =	vmax.f32 v8, v6;
	v11 =	vld [tilespmem:s0+$0x86F0]  }
0x147: {  	s14 =	simm.s32 $0x1080;
	s15 =	simm.s32 $0x2100;
	v13 =	vmul.f32 v13, v10;
	[tilespmem:s0+$0x2C0] =	vst v6;
	v8 =	vmax.f32 v9, v16;
	v9 =	vld [tilespmem:s0+$0x6B0];
	v6 =	vmul.f32 $2.000000030e-01, v7  }
0x148: {  	s16 =	sand.u32 $0x380, s14;
	s17 =	sand.u32 $0x3800, s15;
	v16 =	vld [tilespmem:s0+$0x6D0];
	v4 =	vadd.f32 v12, v4  }
0x149: {  	s3 =	sor.u32 s16, s17;
	v12 =	vmul.f32 v14, v10;
	v14 =	vld [tilespmem:s0+$0x6F0];
	[tilespmem:s0+$0x2D0] =	vst v8;
	v8 =	vadd.f32 v13, v5;
	v6 =	vmax.f32 v7, v6  }
0x14a: {  	v15 =	vmul.f32 v15, v10;
	v5 =	vld [tilespmem:s3+$0x8280];
	v13 =	vmul.f32 $2.000000030e-01, v4;
	[tilespmem:s0+$0x2E0] =	vst v6  }
0x14b: {  	v12 =	vadd.f32 v12, v18;
	v6 =	vmul.f32 v20, v10;
	v18 =	vmul.f32 $2.000000030e-01, v8;
	v7 =	vld [tilespmem:s3+$0x8290]  }
0x14c: {  	v4 =	vmax.f32 v4, v13;
	v13 =	vadd.f32 v15, v62;
	v15 =	vld [tilespmem:s0+$0x6C0]  }
0x14d: {  	v6 =	vadd.f32 v6, v9;
	v9 =	vmax.f32 v8, v18;
	v18 =	vld [tilespmem:s0+$0x6E0];
	[tilespmem:s0+$0x2F0] =	vst v4;
	v4 =	vmul.f32 $2.000000030e-01, v12  }
0x14e: {  	v63 =	vmul.f32 v59, v10;
	v20 =	vmul.f32 $2.000000030e-01, v13  }
0x14f: {  	v17 =	vmul.f32 v17, v10;
	v11 =	vmul.f32 v11, v10;
	v8 =	vld [tilespmem:s3+$0x82A0];
	[tilespmem:s0+$0x680] =	vst v9;
	v4 =	vmax.f32 v12, v4  }
0x150: {  	v12 =	vmul.f32 $2.000000030e-01, v6;
	v9 =	vld [tilespmem:s3+$0x82B0];
	[tilespmem:s0+$0x690] =	vst v4;
	v4 =	vmax.f32 v13, v20;
	v13 =	vmul.f32 v19, v10  }
0x151: {  	v19 =	vadd.f32 v63, v16;
	v17 =	vadd.f32 v17, v15  }
0x152: {  	v10 =	vld [tilespmem:s3+$0x82C0];
	[tilespmem:s0+$0x6A0] =	vst v4;
	v4 =	vmax.f32 v6, v12;
	v12 =	vadd.f32 v11, v14;
	v13 =	vadd.f32 v13, v18  }
0x153: {  	v11 =	vld [tilespmem:s3+$0x82D0];
	[tilespmem:s0+$0x6B0] =	vst v4;
	v20 =	vmul.f32 $2.000000030e-01, v19;
	v18 =	vmul.f32 $2.000000030e-01, v17  }
0x154: {  	s17 =	simm.s32 $0x21;
	v4 =	vld [tilespmem:s3+$0x82E0];
	v15 =	vmul.f32 $2.000000030e-01, v12;
	v16 =	vmul.f32 $2.000000030e-01, v13  }
0x155: {  	s16 =	simm.s32 $0x22;
	v14 =	vmov s17;
	v6 =	vld [tilespmem:s3+$0x82F0];
	v18 =	vmax.f32 v17, v18;
	v17 =	vmax.f32 v19, v20  }
.LBB2_4:
0x156: {  	p0 =	sne.s32 s16, $0x3F;
	v19 =	vld [tilespmem:s3+$0x8680];
	[tilespmem:s0+$0x6C0] =	vst v18;
	v13 =	vmax.f32 v13, v16;
	v12 =	vmax.f32 v12, v15  }
0x157: {  	v15 =	vld [tilespmem:s3+$0x8690];
	[tilespmem:s0+$0x6D0] =	vst v17  }
0x158: {  	v16 =	vld [tilespmem:s3+$0x86A0];
	[tilespmem:s0+$0x6E0] =	vst v13  }
0x159: {  	v13 =	vld [tilespmem:s3+$0x86B0];
	[tilespmem:s0+$0x6F0] =	vst v12;
	s0 =	smov.u32 s3  }
0x15a: {  	v12 =	vld.idx.msk [tilespmem:v14+s23+$0x0], $0xffff  }
0x15b: {  	v14 =	vld [tilespmem:s0+$0x2B0]  }
0x15c: {  	v17 =	vld [tilespmem:s0+$0x290]  }
0x15d: {  	v18 =	vld [tilespmem:s0+$0x280]  }
0x15e: {  	v20 =	vld [tilespmem:s0+$0x2A0]  }
0x15f: {  	v21 =	vld [tilespmem:s0+$0x2C0]  }
0x160: {  	v5 =	vmul.f32 v5, v12;
	v7 =	vmul.f32 v7, v12;
	v22 =	vld [tilespmem:s0+$0x2D0]  }
0x161: {  	v8 =	vmul.f32 v8, v12;
	v9 =	vmul.f32 v9, v12;
	v23 =	vld [tilespmem:s0+$0x86C0]  }
0x162: {  	v10 =	vmul.f32 v10, v12;
	v7 =	vadd.f32 v7, v17;
	v5 =	vadd.f32 v5, v18;
	v17 =	vld [tilespmem:s0+$0x86D0]  }
0x163: {  	v11 =	vmul.f32 v11, v12;
	v9 =	vadd.f32 v9, v14;
	v8 =	vadd.f32 v8, v20;
	v14 =	vld [tilespmem:s0+$0x690]  }
0x164: {  	v20 =	vmul.f32 $2.000000030e-01, v7;
	v18 =	vmul.f32 $2.000000030e-01, v5;
	v10 =	vadd.f32 v10, v21;
	v21 =	vld [tilespmem:s0+$0x2F0]  }
0x165: {  	v25 =	vmul.f32 $2.000000030e-01, v9;
	v24 =	vmul.f32 $2.000000030e-01, v8;
	v11 =	vadd.f32 v11, v22;
	v22 =	vld [tilespmem:s0+$0x2E0]  }
0x166: {  	v7 =	vmax.f32 v7, v20;
	v5 =	vmax.f32 v5, v18;
	v18 =	vmul.f32 $2.000000030e-01, v10;
	v20 =	vld [tilespmem:s0+$0x680]  }
0x167: {  	[tilespmem:s0+$0x280] =	vst v5;
	v5 =	vmax.f32 v8, v24;
	v8 =	vmax.f32 v9, v25;
	v9 =	vmul.f32 $2.000000030e-01, v11;
	v24 =	vld [tilespmem:s0+$0x6A0]  }
0x168: {  	v4 =	vmul.f32 v4, v12;
	v6 =	vmul.f32 v6, v12;
	[tilespmem:s0+$0x290] =	vst v7;
	v7 =	vmax.f32 v10, v18;
	v10 =	vld [tilespmem:s0+$0x6B0]  }
0x169: {  	[tilespmem:s0+$0x2A0] =	vst v5;
	v5 =	vmax.f32 v11, v9;
	v9 =	vmul.f32 v19, v12;
	v11 =	vmul.f32 v15, v12;
	v15 =	vld [tilespmem:s0+$0x86E0]  }
0x16a: {  	v6 =	vadd.f32 v6, v21;
	[tilespmem:s0+$0x2B0] =	vst v8;
	v4 =	vadd.f32 v4, v22;
	v8 =	vmul.f32 v16, v12;
	v16 =	vld [tilespmem:s0+$0x86F0]  }
0x16b: {  	[tilespmem:s0+$0x2C0] =	vst v7;
	v7 =	vadd.f32 v9, v20;
	v9 =	vadd.f32 v11, v14;
	v11 =	vmul.f32 v13, v12;
	v14 =	vld [tilespmem:s0+$0x6F0]  }
0x16c: {  	s14 =	sadd.s32 $0x80, s14;
	s15 =	sadd.s32 $0x100, s15;
	v13 =	vmul.f32 $2.000000030e-01, v6;
	[tilespmem:s0+$0x2D0] =	vst v5;
	v5 =	vmul.f32 $2.000000030e-01, v4;
	v8 =	vadd.f32 v8, v24;
	v18 =	vld [tilespmem:s0+$0x6D0]  }
0x16d: {  	s17 =	sand.u32 $0x380, s14;
	s3 =	sand.u32 $0x3800, s15;
	v19 =	vmul.f32 $2.000000030e-01, v7;
	v20 =	vmul.f32 $2.000000030e-01, v9;
	v10 =	vadd.f32 v11, v10;
	v11 =	vld [tilespmem:s0+$0x6C0]  }
0x16e: {  	s3 =	sor.u32 s17, s3;
	v6 =	vmax.f32 v6, v13;
	v4 =	vmax.f32 v4, v5;
	v13 =	vmul.f32 $2.000000030e-01, v8;
	v21 =	vld [tilespmem:s0+$0x6E0]  }
0x16f: {  	v5 =	vld [tilespmem:s3+$0x8280];
	[tilespmem:s0+$0x2E0] =	vst v4;
	v4 =	vmax.f32 v7, v19;
	v19 =	vmax.f32 v9, v20;
	v9 =	vmul.f32 $2.000000030e-01, v10  }
0x170: {  	v17 =	vmul.f32 v17, v12;
	v7 =	vld [tilespmem:s3+$0x8290];
	[tilespmem:s0+$0x2F0] =	vst v6;
	v6 =	vmax.f32 v8, v13;
	v13 =	vmul.f32 v23, v12  }
0x171: {  	v15 =	vmul.f32 v15, v12;
	v12 =	vmul.f32 v16, v12;
	v8 =	vld [tilespmem:s3+$0x82A0];
	[tilespmem:s0+$0x680] =	vst v4;
	v4 =	vmax.f32 v10, v9  }
.Ltmp1:
0x172: {  	v17 =	vadd.f32 v17, v18;
	v9 =	vld [tilespmem:s3+$0x82B0];
	[tilespmem:s0+$0x690] =	vst v19;
	v19 =	vadd.f32 v13, v11;
	(pc) =	sbr.rel @p0 .LBB2_4-.Ltmp1, $4  }
0x173: {  	v12 =	vadd.f32 v12, v14;
	v10 =	vld [tilespmem:s3+$0x82C0];
	[tilespmem:s0+$0x6A0] =	vst v6;
	v13 =	vadd.f32 v15, v21  }
0x174: {  	v20 =	vmul.f32 $2.000000030e-01, v17;
	v11 =	vld [tilespmem:s3+$0x82D0];
	[tilespmem:s0+$0x6B0] =	vst v4;
	v18 =	vmul.f32 $2.000000030e-01, v19  }
0x175: {  	v15 =	vmul.f32 $2.000000030e-01, v12;
	v4 =	vld [tilespmem:s3+$0x82E0];
	v16 =	vmul.f32 $2.000000030e-01, v13  }
0x176: {  	v14 =	vmov s16;
	s16 =	sadd.s32 $0x1, s16;
	v17 =	vmax.f32 v17, v20;
	v6 =	vld [tilespmem:s3+$0x82F0];
	v18 =	vmax.f32 v19, v18  }
0x177: {  	v19 =	vld [tilespmem:s3+$0x8680]  }
0x178: {  	[tilespmem:s0+$0x6C0] =	vst v18;
	v12 =	vmax.f32 v12, v15;
	v15 =	vld [tilespmem:s3+$0x280]  }
0x179: {  	v13 =	vmax.f32 v13, v16;
	v18 =	vld [tilespmem:s3+$0x8690];
	[tilespmem:s0+$0x6D0] =	vst v17  }
0x17a: {  	v16 =	vld [tilespmem:s3+$0x86A0];
	[tilespmem:s0+$0x6E0] =	vst v13  }
0x17b: {  	v13 =	vld [tilespmem:s3+$0x86B0];
	[tilespmem:s0+$0x6F0] =	vst v12  }
0x17c: {  	v12 =	vld.idx.msk [tilespmem:v14+s23+$0x0], $0xffff  }
0x17d: {  	v20 =	vld [tilespmem:s3+$0x2A0]  }
0x17e: {  	v17 =	vld [tilespmem:s3+$0x290]  }
0x17f: {  	v21 =	vld [tilespmem:s3+$0x2C0]  }
0x180: {  	v14 =	vld [tilespmem:s3+$0x2B0]  }
0x181: {  	v22 =	vld [tilespmem:s3+$0x2D0];
	v5 =	vmul.f32 v5, v12;
	v7 =	vmul.f32 v7, v12  }
0x182: {  	v24 =	vld [tilespmem:s3+$0x2F0];
	v8 =	vmul.f32 v8, v12;
	v9 =	vmul.f32 v9, v12  }
0x183: {  	v25 =	vld [tilespmem:s3+$0x2E0];
	v10 =	vmul.f32 v10, v12;
	v5 =	vadd.f32 v5, v15;
	v7 =	vadd.f32 v7, v17  }
0x184: {  	v55 =	vld [tilespmem:s3+$0x6A0];
	v11 =	vmul.f32 v11, v12;
	v4 =	vmul.f32 v4, v12;
	v8 =	vadd.f32 v8, v20  }
0x185: {  	v23 =	vld [tilespmem:s3+$0x86C0];
	v9 =	vadd.f32 v9, v14;
	v20 =	vmul.f32 $2.000000030e-01, v5;
	v14 =	vmul.f32 $2.000000030e-01, v7  }
0x186: {  	v15 =	vld [tilespmem:s3+$0x86D0];
	v10 =	vadd.f32 v10, v21;
	v11 =	vadd.f32 v11, v22;
	v54 =	vmul.f32 $2.000000030e-01, v8  }
0x187: {  	v5 =	vmax.f32 v5, v20;
	v20 =	vmul.f32 $2.000000030e-01, v9;
	v7 =	vmax.f32 v7, v14;
	v14 =	vld [tilespmem:s3+$0x680]  }
0x188: {  	v6 =	vmul.f32 v6, v12;
	v17 =	vld [tilespmem:s3+$0x690];
	v4 =	vadd.f32 v4, v25;
	[tilespmem:s3+$0x280] =	vst v5;
	v5 =	vmul.f32 $2.000000030e-01, v10  }
0x189: {  	v8 =	vmax.f32 v8, v54;
	[tilespmem:s3+$0x290] =	vst v7;
	v7 =	vmax.f32 v9, v20;
	v9 =	vmul.f32 $2.000000030e-01, v11;
	v20 =	vld [tilespmem:s3+$0x6B0]  }
0x18a: {  	v6 =	vadd.f32 v6, v24;
	[tilespmem:s3+$0x2A0] =	vst v8;
	v8 =	vld [tilespmem:s3+$0x86E0];
	v5 =	vmax.f32 v10, v5;
	v10 =	vmul.f32 v19, v12  }
0x18b: {  	[tilespmem:s3+$0x2B0] =	vst v7;
	v7 =	vmul.f32 v16, v12;
	v16 =	vld [tilespmem:s3+$0x86F0];
	v9 =	vmax.f32 v11, v9;
	v11 =	vmul.f32 v18, v12  }
0x18c: {  	v13 =	vmul.f32 v13, v12;
	v18 =	vmul.f32 $2.000000030e-01, v6;
	v10 =	vadd.f32 v10, v14;
	v14 =	vld [tilespmem:s3+$0x6C0]  }
0x18d: {  	v19 =	vld [tilespmem:s3+$0x6D0];
	[tilespmem:s3+$0x2C0] =	vst v5;
	v7 =	vadd.f32 v7, v55;
	v11 =	vadd.f32 v11, v17;
	v17 =	vmul.f32 $2.000000030e-01, v4  }
0x18e: {  	[tilespmem:s3+$0x2D0] =	vst v9;
	v6 =	vmax.f32 v6, v18;
	v5 =	vmul.f32 $2.000000030e-01, v10;
	v13 =	vadd.f32 v13, v20;
	v20 =	vld [tilespmem:s3+$0x6E0]  }
0x18f: {  	v57 =	vld [tilespmem:s3+$0x6F0];
	v9 =	vmul.f32 v23, v12;
	[tilespmem:s3+$0x2F0] =	vst v6;
	v56 =	vmul.f32 $2.000000030e-01, v11;
	v4 =	vmax.f32 v4, v17  }
0x190: {  	v6 =	vmul.f32 v8, v12;
	[tilespmem:s3+$0x2E0] =	vst v4;
	v4 =	vmax.f32 v10, v5;
	v5 =	vmul.f32 v15, v12  }
0x191: {  	v17 =	vmul.f32 $2.000000030e-01, v7;
	v10 =	vmax.f32 v11, v56;
	v8 =	vadd.f32 v9, v14  }
0x192: {  	v9 =	vmul.f32 $2.000000030e-01, v13;
	[tilespmem:s3+$0x680] =	vst v4;
	v4 =	vmul.f32 v16, v12;
	v5 =	vadd.f32 v5, v19  }
0x193: {  	v7 =	vmax.f32 v7, v17;
	[tilespmem:s3+$0x690] =	vst v10;
	v6 =	vadd.f32 v6, v20;
	v10 =	vmul.f32 $2.000000030e-01, v8  }
0x194: {  	[tilespmem:s3+$0x6A0] =	vst v7;
	v9 =	vmax.f32 v13, v9;
	v4 =	vadd.f32 v4, v57;
	v7 =	vmul.f32 $2.000000030e-01, v5  }
0x195: {  	[tilespmem:s3+$0x6B0] =	vst v9;
	v9 =	vmul.f32 $2.000000030e-01, v6;
	v8 =	vmax.f32 v8, v10  }
0x196: {  	v10 =	vmul.f32 $2.000000030e-01, v4;
	v5 =	vmax.f32 v5, v7;
	[tilespmem:s3+$0x6C0] =	vst v8  }
0x197: {  	v6 =	vmax.f32 v6, v9;
	[tilespmem:s3+$0x6D0] =	vst v5  }
0x198: {  	v4 =	vmax.f32 v4, v10;
	[tilespmem:s3+$0x6E0] =	vst v6  }
0x199: {  	[tilespmem:s3+$0x6F0] =	vst v4  }
0x19a: {  	v4 =	vld [tilespmem:$0x20];
	_ =	sdelay $0x4  }
0x19b: {  	v5 =	vshll.u32 v4, $0x1  }
0x19c: {  	v4 =	vand.u32 $0x7, v4;
	v5 =	vand.u32 $0xFFFFFFF0, v5  }
0x19d: {  	v4 =	vor.u32 v4, v5  }
0x19e: {  	v5 =	vperm.xlane v4, v0;
	_ =	sdelay $0x1  }
0x19f: {  	v4 =	vperm.xlane v4, v2;
	v5 =	vadd.s32 v1, v5;
	_ =	sdelay $0x1  }
0x1a0: {  	v4 =	vadd.s32 v1, v4;
	_ =	sdelay $0x1  }
0x1a1: {  	s15 =	simm.s32 $0x2280  }
0x1a2: {  	[hbm4b:s1+s2] =	stream.indirect_vreg.scatter [tilespmem:s15], [sflag:$0x3], $0x80, v5, vm0, $0xb8;
	[tilespmem:$0x10280] =	vst v63  }
0x1a3: {  	s16 =	simm.s32 $0x2A80  }
0x1a4: {  	[hbm4b:s1+s2] =	stream.indirect_vreg.scatter [tilespmem:s16], [sflag:$0x3], $0x80, v4, vm0, $0xb8;
	[tilespmem:$0x10280] =	vst v63  }
0x1a5: {  	v4 =	vld [tilespmem:$0x30];
	_ =	sdelay $0x4  }
0x1a6: {  	v5 =	vshll.u32 v4, $0x1  }
0x1a7: {  	v4 =	vand.u32 $0x7, v4;
	v5 =	vand.u32 $0xFFFFFFF0, v5  }
0x1a8: {  	v4 =	vor.u32 v4, v5  }
0x1a9: {  	v5 =	vperm.xlane v4, v0;
	_ =	sdelay $0x1  }
0x1aa: {  	v4 =	vperm.xlane v4, v2;
	v5 =	vadd.s32 v1, v5;
	_ =	sdelay $0x1  }
0x1ab: {  	v4 =	vadd.s32 v1, v4;
	_ =	sdelay $0x1  }
0x1ac: {  	s17 =	simm.s32 $0x3280  }
0x1ad: {  	[hbm4b:s1+s2] =	stream.indirect_vreg.scatter [tilespmem:s17], [sflag:$0x3], $0x80, v5, vm0, $0xb8;
	[tilespmem:$0x10280] =	vst v63  }
0x1ae: {  	s3 =	simm.s32 $0x3A80  }
0x1af: {  	[hbm4b:s1+s2] =	stream.indirect_vreg.scatter [tilespmem:s3], [sflag:$0x3], $0x80, v4, vm0, $0xb8;
	[tilespmem:$0x10280] =	vst v63  }
0x1b0: {  	_ =	swait.ge [sflag:s26], $0x2000  }
0x1b1: {  	[sflag:s26] =	ssyncset.done $0x0  }
0x1b2: {  	[sflag:s26] =	ssyncadd.s32 $0xFFFFE000  }
0x1b3: {  	s14 =	simm.s32 $0x2000;
	s15 =	simm.s32 $0x4000;
	_ =	swait.ge [sflag:s28], $0x2000  }
0x1b4: {  	s0 =	sand.u32 $0x380, s14;
	s3 =	sand.u32 $0x7800, s15;
	[sflag:s28] =	ssyncset.done $0x0  }
0x1b5: {  	s0 =	sor.u32 s0, s3;
	[sflag:s28] =	ssyncadd.s32 $0xFFFFE000  }
0x1b6: {  	v4 =	vld [tilespmem:s0+$0x8280]  }
0x1b7: {  	v5 =	vld [tilespmem:s0+$0x8290]  }
0x1b8: {  	v6 =	vld [tilespmem:s0+$0x82A0]  }
0x1b9: {  	v7 =	vld [tilespmem:s0+$0x82B0]  }
0x1ba: {  	s16 =	simm.s32 $0x40;
	v8 =	vld [tilespmem:s0+$0x82C0]  }
0x1bb: {  	v10 =	vmov s16;
	v9 =	vld [tilespmem:s0+$0x82D0]  }
0x1bc: {  	v11 =	vld [tilespmem:s0+$0x82E0]  }
0x1bd: {  	v12 =	vld [tilespmem:s0+$0x82F0]  }
0x1be: {  	v13 =	vld [tilespmem:s0+$0x8680]  }
0x1bf: {  	v14 =	vld [tilespmem:s0+$0x8690]  }
0x1c0: {  	v10 =	vld.idx.msk [tilespmem:v10+s23+$0x0], $0xffff  }
0x1c1: {  	v15 =	vld [tilespmem:s0+$0x86A0]  }
0x1c2: {  	v16 =	vld [tilespmem:s0+$0x280]  }
0x1c3: {  	v17 =	vld [tilespmem:s0+$0x290]  }
0x1c4: {  	v18 =	vld [tilespmem:s0+$0x2A0]  }
0x1c5: {  	v19 =	vld [tilespmem:s0+$0x2B0]  }
0x1c6: {  	v20 =	vld [tilespmem:s0+$0x86B0];
	v4 =	vmul.f32 v4, v10  }
0x1c7: {  	v58 =	vld [tilespmem:s0+$0x2C0];
	v5 =	vmul.f32 v5, v10  }
0x1c8: {  	v59 =	vld [tilespmem:s0+$0x86D0];
	v6 =	vmul.f32 v6, v10;
	v4 =	vadd.f32 v4, v16  }
0x1c9: {  	v7 =	vmul.f32 v7, v10;
	v16 =	vld [tilespmem:s0+$0x2D0];
	v5 =	vadd.f32 v5, v17  }
0x1ca: {  	v61 =	vld [tilespmem:s0+$0x2E0];
	v6 =	vadd.f32 v6, v18;
	v18 =	vmul.f32 $2.000000030e-01, v4  }
0x1cb: {  	v62 =	vld [tilespmem:s0+$0x6A0];
	v8 =	vmul.f32 v8, v10;
	v7 =	vadd.f32 v7, v19;
	v19 =	vmul.f32 $2.000000030e-01, v5  }
0x1cc: {  	v9 =	vmul.f32 v9, v10;
	v17 =	vld [tilespmem:s0+$0x86C0];
	v60 =	vmul.f32 $2.000000030e-01, v6;
	v4 =	vmax.f32 v4, v18  }
0x1cd: {  	v8 =	vadd.f32 v8, v58;
	v18 =	vld [tilespmem:s0+$0x690];
	v5 =	vmax.f32 v5, v19;
	v19 =	vmul.f32 $2.000000030e-01, v7;
	[tilespmem:s0+$0x280] =	vst v4  }
0x1ce: {  	v11 =	vmul.f32 v11, v10;
	v6 =	vmax.f32 v6, v60;
	v4 =	vld [tilespmem:s0+$0x2F0];
	v9 =	vadd.f32 v9, v16;
	[tilespmem:s0+$0x290] =	vst v5  }
0x1cf: {  	v5 =	vld [tilespmem:s0+$0x680];
	[tilespmem:s0+$0x2A0] =	vst v6;
	v6 =	vmul.f32 $2.000000030e-01, v8;
	v7 =	vmax.f32 v7, v19  }
0x1d0: {  	v19 =	vld [tilespmem:s0+$0x86E0];
	v16 =	vmul.f32 $2.000000030e-01, v9;
	[tilespmem:s0+$0x2B0] =	vst v7;
	v7 =	vadd.f32 v11, v61  }
0x1d1: {  	v12 =	vmul.f32 v12, v10;
	v6 =	vmax.f32 v8, v6;
	v11 =	vld [tilespmem:s0+$0x86F0]  }
0x1d2: {  	s14 =	simm.s32 $0x2080;
	s15 =	simm.s32 $0x4100;
	v13 =	vmul.f32 v13, v10;
	[tilespmem:s0+$0x2C0] =	vst v6;
	v8 =	vmax.f32 v9, v16;
	v9 =	vld [tilespmem:s0+$0x6B0];
	v6 =	vmul.f32 $2.000000030e-01, v7  }
0x1d3: {  	s16 =	sand.u32 $0x380, s14;
	s17 =	sand.u32 $0x7800, s15;
	v16 =	vld [tilespmem:s0+$0x6D0];
	v4 =	vadd.f32 v12, v4  }
0x1d4: {  	s3 =	sor.u32 s16, s17;
	v12 =	vmul.f32 v14, v10;
	v14 =	vld [tilespmem:s0+$0x6F0];
	[tilespmem:s0+$0x2D0] =	vst v8;
	v8 =	vadd.f32 v13, v5;
	v6 =	vmax.f32 v7, v6  }
0x1d5: {  	v15 =	vmul.f32 v15, v10;
	v5 =	vld [tilespmem:s3+$0x8280];
	v13 =	vmul.f32 $2.000000030e-01, v4;
	[tilespmem:s0+$0x2E0] =	vst v6  }
0x1d6: {  	v12 =	vadd.f32 v12, v18;
	v6 =	vmul.f32 v20, v10;
	v18 =	vmul.f32 $2.000000030e-01, v8;
	v7 =	vld [tilespmem:s3+$0x8290]  }
0x1d7: {  	v4 =	vmax.f32 v4, v13;
	v13 =	vadd.f32 v15, v62;
	v15 =	vld [tilespmem:s0+$0x6C0]  }
0x1d8: {  	v6 =	vadd.f32 v6, v9;
	v9 =	vmax.f32 v8, v18;
	v18 =	vld [tilespmem:s0+$0x6E0];
	[tilespmem:s0+$0x2F0] =	vst v4;
	v4 =	vmul.f32 $2.000000030e-01, v12  }
0x1d9: {  	v63 =	vmul.f32 v59, v10;
	v20 =	vmul.f32 $2.000000030e-01, v13  }
0x1da: {  	v17 =	vmul.f32 v17, v10;
	v11 =	vmul.f32 v11, v10;
	v8 =	vld [tilespmem:s3+$0x82A0];
	[tilespmem:s0+$0x680] =	vst v9;
	v4 =	vmax.f32 v12, v4  }
0x1db: {  	v12 =	vmul.f32 $2.000000030e-01, v6;
	v9 =	vld [tilespmem:s3+$0x82B0];
	[tilespmem:s0+$0x690] =	vst v4;
	v4 =	vmax.f32 v13, v20;
	v13 =	vmul.f32 v19, v10  }
0x1dc: {  	v19 =	vadd.f32 v63, v16;
	v17 =	vadd.f32 v17, v15  }
0x1dd: {  	v10 =	vld [tilespmem:s3+$0x82C0];
	[tilespmem:s0+$0x6A0] =	vst v4;
	v4 =	vmax.f32 v6, v12;
	v12 =	vadd.f32 v11, v14;
	v13 =	vadd.f32 v13, v18  }
0x1de: {  	v11 =	vld [tilespmem:s3+$0x82D0];
	[tilespmem:s0+$0x6B0] =	vst v4;
	v20 =	vmul.f32 $2.000000030e-01, v19;
	v18 =	vmul.f32 $2.000000030e-01, v17  }
0x1df: {  	s17 =	simm.s32 $0x41;
	v4 =	vld [tilespmem:s3+$0x82E0];
	v15 =	vmul.f32 $2.000000030e-01, v12;
	v16 =	vmul.f32 $2.000000030e-01, v13  }
0x1e0: {  	s16 =	simm.s32 $0x42;
	v14 =	vmov s17;
	v6 =	vld [tilespmem:s3+$0x82F0];
	v18 =	vmax.f32 v17, v18;
	v17 =	vmax.f32 v19, v20  }
.LBB2_6:
0x1e1: {  	p0 =	sne.s32 s16, $0x5F;
	v19 =	vld [tilespmem:s3+$0x8680];
	[tilespmem:s0+$0x6C0] =	vst v18;
	v13 =	vmax.f32 v13, v16;
	v12 =	vmax.f32 v12, v15  }
0x1e2: {  	v15 =	vld [tilespmem:s3+$0x8690];
	[tilespmem:s0+$0x6D0] =	vst v17  }
0x1e3: {  	v16 =	vld [tilespmem:s3+$0x86A0];
	[tilespmem:s0+$0x6E0] =	vst v13  }
0x1e4: {  	v13 =	vld [tilespmem:s3+$0x86B0];
	[tilespmem:s0+$0x6F0] =	vst v12;
	s0 =	smov.u32 s3  }
0x1e5: {  	v12 =	vld.idx.msk [tilespmem:v14+s23+$0x0], $0xffff  }
0x1e6: {  	v14 =	vld [tilespmem:s0+$0x2B0]  }
0x1e7: {  	v17 =	vld [tilespmem:s0+$0x290]  }
0x1e8: {  	v18 =	vld [tilespmem:s0+$0x280]  }
0x1e9: {  	v20 =	vld [tilespmem:s0+$0x2A0]  }
0x1ea: {  	v21 =	vld [tilespmem:s0+$0x2C0]  }
0x1eb: {  	v5 =	vmul.f32 v5, v12;
	v7 =	vmul.f32 v7, v12;
	v22 =	vld [tilespmem:s0+$0x2D0]  }
0x1ec: {  	v8 =	vmul.f32 v8, v12;
	v9 =	vmul.f32 v9, v12;
	v23 =	vld [tilespmem:s0+$0x86C0]  }
0x1ed: {  	v10 =	vmul.f32 v10, v12;
	v7 =	vadd.f32 v7, v17;
	v5 =	vadd.f32 v5, v18;
	v17 =	vld [tilespmem:s0+$0x86D0]  }
0x1ee: {  	v11 =	vmul.f32 v11, v12;
	v9 =	vadd.f32 v9, v14;
	v8 =	vadd.f32 v8, v20;
	v14 =	vld [tilespmem:s0+$0x690]  }
0x1ef: {  	v20 =	vmul.f32 $2.000000030e-01, v7;
	v18 =	vmul.f32 $2.000000030e-01, v5;
	v10 =	vadd.f32 v10, v21;
	v21 =	vld [tilespmem:s0+$0x2F0]  }
0x1f0: {  	v25 =	vmul.f32 $2.000000030e-01, v9;
	v24 =	vmul.f32 $2.000000030e-01, v8;
	v11 =	vadd.f32 v11, v22;
	v22 =	vld [tilespmem:s0+$0x2E0]  }
0x1f1: {  	v7 =	vmax.f32 v7, v20;
	v5 =	vmax.f32 v5, v18;
	v18 =	vmul.f32 $2.000000030e-01, v10;
	v20 =	vld [tilespmem:s0+$0x680]  }
0x1f2: {  	[tilespmem:s0+$0x280] =	vst v5;
	v5 =	vmax.f32 v8, v24;
	v8 =	vmax.f32 v9, v25;
	v9 =	vmul.f32 $2.000000030e-01, v11;
	v24 =	vld [tilespmem:s0+$0x6A0]  }
0x1f3: {  	v4 =	vmul.f32 v4, v12;
	v6 =	vmul.f32 v6, v12;
	[tilespmem:s0+$0x290] =	vst v7;
	v7 =	vmax.f32 v10, v18;
	v10 =	vld [tilespmem:s0+$0x6B0]  }
0x1f4: {  	[tilespmem:s0+$0x2A0] =	vst v5;
	v5 =	vmax.f32 v11, v9;
	v9 =	vmul.f32 v19, v12;
	v11 =	vmul.f32 v15, v12;
	v15 =	vld [tilespmem:s0+$0x86E0]  }
0x1f5: {  	v6 =	vadd.f32 v6, v21;
	[tilespmem:s0+$0x2B0] =	vst v8;
	v4 =	vadd.f32 v4, v22;
	v8 =	vmul.f32 v16, v12;
	v16 =	vld [tilespmem:s0+$0x86F0]  }
0x1f6: {  	[tilespmem:s0+$0x2C0] =	vst v7;
	v7 =	vadd.f32 v9, v20;
	v9 =	vadd.f32 v11, v14;
	v11 =	vmul.f32 v13, v12;
	v14 =	vld [tilespmem:s0+$0x6F0]  }
0x1f7: {  	s14 =	sadd.s32 $0x80, s14;
	s15 =	sadd.s32 $0x100, s15;
	v13 =	vmul.f32 $2.000000030e-01, v6;
	[tilespmem:s0+$0x2D0] =	vst v5;
	v5 =	vmul.f32 $2.000000030e-01, v4;
	v8 =	vadd.f32 v8, v24;
	v18 =	vld [tilespmem:s0+$0x6D0]  }
0x1f8: {  	s17 =	sand.u32 $0x380, s14;
	s3 =	sand.u32 $0x7800, s15;
	v19 =	vmul.f32 $2.000000030e-01, v7;
	v20 =	vmul.f32 $2.000000030e-01, v9;
	v10 =	vadd.f32 v11, v10;
	v11 =	vld [tilespmem:s0+$0x6C0]  }
0x1f9: {  	s3 =	sor.u32 s17, s3;
	v6 =	vmax.f32 v6, v13;
	v4 =	vmax.f32 v4, v5;
	v13 =	vmul.f32 $2.000000030e-01, v8;
	v21 =	vld [tilespmem:s0+$0x6E0]  }
0x1fa: {  	v5 =	vld [tilespmem:s3+$0x8280];
	[tilespmem:s0+$0x2E0] =	vst v4;
	v4 =	vmax.f32 v7, v19;
	v19 =	vmax.f32 v9, v20;
	v9 =	vmul.f32 $2.000000030e-01, v10  }
0x1fb: {  	v17 =	vmul.f32 v17, v12;
	v7 =	vld [tilespmem:s3+$0x8290];
	[tilespmem:s0+$0x2F0] =	vst v6;
	v6 =	vmax.f32 v8, v13;
	v13 =	vmul.f32 v23, v12  }
0x1fc: {  	v15 =	vmul.f32 v15, v12;
	v12 =	vmul.f32 v16, v12;
	v8 =	vld [tilespmem:s3+$0x82A0];
	[tilespmem:s0+$0x680] =	vst v4;
	v4 =	vmax.f32 v10, v9  }
.Ltmp2:
0x1fd: {  	v17 =	vadd.f32 v17, v18;
	v9 =	vld [tilespmem:s3+$0x82B0];
	[tilespmem:s0+$0x690] =	vst v19;
	v19 =	vadd.f32 v13, v11;
	(pc) =	sbr.rel @p0 .LBB2_6-.Ltmp2, $4  }
0x1fe: {  	v12 =	vadd.f32 v12, v14;
	v10 =	vld [tilespmem:s3+$0x82C0];
	[tilespmem:s0+$0x6A0] =	vst v6;
	v13 =	vadd.f32 v15, v21  }
0x1ff: {  	v20 =	vmul.f32 $2.000000030e-01, v17;
	v11 =	vld [tilespmem:s3+$0x82D0];
	[tilespmem:s0+$0x6B0] =	vst v4;
	v18 =	vmul.f32 $2.000000030e-01, v19  }
0x200: {  	v15 =	vmul.f32 $2.000000030e-01, v12;
	v4 =	vld [tilespmem:s3+$0x82E0];
	v16 =	vmul.f32 $2.000000030e-01, v13  }
0x201: {  	v14 =	vmov s16;
	s16 =	sadd.s32 $0x1, s16;
	v17 =	vmax.f32 v17, v20;
	v6 =	vld [tilespmem:s3+$0x82F0];
	v18 =	vmax.f32 v19, v18  }
0x202: {  	v19 =	vld [tilespmem:s3+$0x8680]  }
0x203: {  	[tilespmem:s0+$0x6C0] =	vst v18;
	v12 =	vmax.f32 v12, v15;
	v15 =	vld [tilespmem:s3+$0x280]  }
0x204: {  	v13 =	vmax.f32 v13, v16;
	v18 =	vld [tilespmem:s3+$0x8690];
	[tilespmem:s0+$0x6D0] =	vst v17  }
0x205: {  	v16 =	vld [tilespmem:s3+$0x86A0];
	[tilespmem:s0+$0x6E0] =	vst v13  }
0x206: {  	v13 =	vld [tilespmem:s3+$0x86B0];
	[tilespmem:s0+$0x6F0] =	vst v12  }
0x207: {  	v12 =	vld.idx.msk [tilespmem:v14+s23+$0x0], $0xffff  }
0x208: {  	v20 =	vld [tilespmem:s3+$0x2A0]  }
0x209: {  	v17 =	vld [tilespmem:s3+$0x290]  }
0x20a: {  	v21 =	vld [tilespmem:s3+$0x2C0]  }
0x20b: {  	v14 =	vld [tilespmem:s3+$0x2B0]  }
0x20c: {  	v22 =	vld [tilespmem:s3+$0x2D0];
	v5 =	vmul.f32 v5, v12;
	v7 =	vmul.f32 v7, v12  }
0x20d: {  	v24 =	vld [tilespmem:s3+$0x2F0];
	v8 =	vmul.f32 v8, v12;
	v9 =	vmul.f32 v9, v12  }
0x20e: {  	v25 =	vld [tilespmem:s3+$0x2E0];
	v10 =	vmul.f32 v10, v12;
	v5 =	vadd.f32 v5, v15;
	v7 =	vadd.f32 v7, v17  }
0x20f: {  	v55 =	vld [tilespmem:s3+$0x6A0];
	v11 =	vmul.f32 v11, v12;
	v4 =	vmul.f32 v4, v12;
	v8 =	vadd.f32 v8, v20  }
0x210: {  	v23 =	vld [tilespmem:s3+$0x86C0];
	v9 =	vadd.f32 v9, v14;
	v20 =	vmul.f32 $2.000000030e-01, v5;
	v14 =	vmul.f32 $2.000000030e-01, v7  }
0x211: {  	v15 =	vld [tilespmem:s3+$0x86D0];
	v10 =	vadd.f32 v10, v21;
	v11 =	vadd.f32 v11, v22;
	v54 =	vmul.f32 $2.000000030e-01, v8  }
0x212: {  	v5 =	vmax.f32 v5, v20;
	v20 =	vmul.f32 $2.000000030e-01, v9;
	v7 =	vmax.f32 v7, v14;
	v14 =	vld [tilespmem:s3+$0x680]  }
0x213: {  	v6 =	vmul.f32 v6, v12;
	v17 =	vld [tilespmem:s3+$0x690];
	v4 =	vadd.f32 v4, v25;
	[tilespmem:s3+$0x280] =	vst v5;
	v5 =	vmul.f32 $2.000000030e-01, v10  }
0x214: {  	v8 =	vmax.f32 v8, v54;
	[tilespmem:s3+$0x290] =	vst v7;
	v7 =	vmax.f32 v9, v20;
	v9 =	vmul.f32 $2.000000030e-01, v11;
	v20 =	vld [tilespmem:s3+$0x6B0]  }
0x215: {  	v6 =	vadd.f32 v6, v24;
	[tilespmem:s3+$0x2A0] =	vst v8;
	v8 =	vld [tilespmem:s3+$0x86E0];
	v5 =	vmax.f32 v10, v5;
	v10 =	vmul.f32 v19, v12  }
0x216: {  	[tilespmem:s3+$0x2B0] =	vst v7;
	v7 =	vmul.f32 v16, v12;
	v16 =	vld [tilespmem:s3+$0x86F0];
	v9 =	vmax.f32 v11, v9;
	v11 =	vmul.f32 v18, v12  }
0x217: {  	v13 =	vmul.f32 v13, v12;
	v18 =	vmul.f32 $2.000000030e-01, v6;
	v10 =	vadd.f32 v10, v14;
	v14 =	vld [tilespmem:s3+$0x6C0]  }
0x218: {  	v19 =	vld [tilespmem:s3+$0x6D0];
	[tilespmem:s3+$0x2C0] =	vst v5;
	v7 =	vadd.f32 v7, v55;
	v11 =	vadd.f32 v11, v17;
	v17 =	vmul.f32 $2.000000030e-01, v4  }
0x219: {  	[tilespmem:s3+$0x2D0] =	vst v9;
	v6 =	vmax.f32 v6, v18;
	v5 =	vmul.f32 $2.000000030e-01, v10;
	v13 =	vadd.f32 v13, v20;
	v20 =	vld [tilespmem:s3+$0x6E0]  }
0x21a: {  	v57 =	vld [tilespmem:s3+$0x6F0];
	v9 =	vmul.f32 v23, v12;
	[tilespmem:s3+$0x2F0] =	vst v6;
	v56 =	vmul.f32 $2.000000030e-01, v11;
	v4 =	vmax.f32 v4, v17  }
0x21b: {  	v6 =	vmul.f32 v8, v12;
	[tilespmem:s3+$0x2E0] =	vst v4;
	v4 =	vmax.f32 v10, v5;
	v5 =	vmul.f32 v15, v12  }
0x21c: {  	v17 =	vmul.f32 $2.000000030e-01, v7;
	v10 =	vmax.f32 v11, v56;
	v8 =	vadd.f32 v9, v14  }
0x21d: {  	v9 =	vmul.f32 $2.000000030e-01, v13;
	[tilespmem:s3+$0x680] =	vst v4;
	v4 =	vmul.f32 v16, v12;
	v5 =	vadd.f32 v5, v19  }
0x21e: {  	v7 =	vmax.f32 v7, v17;
	[tilespmem:s3+$0x690] =	vst v10;
	v6 =	vadd.f32 v6, v20;
	v10 =	vmul.f32 $2.000000030e-01, v8  }
0x21f: {  	[tilespmem:s3+$0x6A0] =	vst v7;
	v9 =	vmax.f32 v13, v9;
	v4 =	vadd.f32 v4, v57;
	v7 =	vmul.f32 $2.000000030e-01, v5  }
0x220: {  	[tilespmem:s3+$0x6B0] =	vst v9;
	v9 =	vmul.f32 $2.000000030e-01, v6;
	v8 =	vmax.f32 v8, v10  }
0x221: {  	v10 =	vmul.f32 $2.000000030e-01, v4;
	v5 =	vmax.f32 v5, v7;
	[tilespmem:s3+$0x6C0] =	vst v8  }
0x222: {  	v6 =	vmax.f32 v6, v9;
	[tilespmem:s3+$0x6D0] =	vst v5  }
0x223: {  	v4 =	vmax.f32 v4, v10;
	[tilespmem:s3+$0x6E0] =	vst v6  }
0x224: {  	[tilespmem:s3+$0x6F0] =	vst v4  }
0x225: {  	v4 =	vld [tilespmem:$0x40];
	_ =	sdelay $0x4  }
0x226: {  	v5 =	vshll.u32 v4, $0x1  }
0x227: {  	v4 =	vand.u32 $0x7, v4;
	v5 =	vand.u32 $0xFFFFFFF0, v5  }
0x228: {  	v4 =	vor.u32 v4, v5  }
0x229: {  	v5 =	vperm.xlane v4, v0;
	_ =	sdelay $0x1  }
0x22a: {  	v4 =	vperm.xlane v4, v2;
	v5 =	vadd.s32 v1, v5;
	_ =	sdelay $0x1  }
0x22b: {  	v4 =	vadd.s32 v1, v4;
	_ =	sdelay $0x1  }
0x22c: {  	s15 =	simm.s32 $0x4280  }
0x22d: {  	[hbm4b:s1+s2] =	stream.indirect_vreg.scatter [tilespmem:s15], [sflag:$0x3], $0x80, v5, vm0, $0xb8;
	[tilespmem:$0x10280] =	vst v63  }
0x22e: {  	s16 =	simm.s32 $0x4A80  }
0x22f: {  	[hbm4b:s1+s2] =	stream.indirect_vreg.scatter [tilespmem:s16], [sflag:$0x3], $0x80, v4, vm0, $0xb8;
	[tilespmem:$0x10280] =	vst v63  }
0x230: {  	v4 =	vld [tilespmem:$0x50];
	_ =	sdelay $0x4  }
0x231: {  	v5 =	vshll.u32 v4, $0x1  }
0x232: {  	v4 =	vand.u32 $0x7, v4;
	v5 =	vand.u32 $0xFFFFFFF0, v5  }
0x233: {  	v4 =	vor.u32 v4, v5  }
0x234: {  	v5 =	vperm.xlane v4, v0;
	_ =	sdelay $0x1  }
0x235: {  	v4 =	vperm.xlane v4, v2;
	v5 =	vadd.s32 v1, v5;
	_ =	sdelay $0x1  }
0x236: {  	v4 =	vadd.s32 v1, v4;
	_ =	sdelay $0x1  }
0x237: {  	s17 =	simm.s32 $0x5280  }
0x238: {  	[hbm4b:s1+s2] =	stream.indirect_vreg.scatter [tilespmem:s17], [sflag:$0x3], $0x80, v5, vm0, $0xb8;
	[tilespmem:$0x10280] =	vst v63  }
0x239: {  	s3 =	simm.s32 $0x5A80  }
0x23a: {  	[hbm4b:s1+s2] =	stream.indirect_vreg.scatter [tilespmem:s3], [sflag:$0x3], $0x80, v4, vm0, $0xb8;
	[tilespmem:$0x10280] =	vst v63  }
0x23b: {  	_ =	swait.ge [sflag:s29], $0x2000  }
0x23c: {  	[sflag:s29] =	ssyncset.done $0x0  }
0x23d: {  	[sflag:s29] =	ssyncadd.s32 $0xFFFFE000  }
0x23e: {  	s14 =	simm.s32 $0x3000;
	s15 =	simm.s32 $0x6000;
	_ =	swait.ge [sflag:s6], $0x2000  }
0x23f: {  	s0 =	sand.u32 $0x380, s14;
	s3 =	sand.u32 $0x7800, s15;
	[sflag:s6] =	ssyncset.done $0x0  }
0x240: {  	s0 =	sor.u32 s0, s3;
	[sflag:s6] =	ssyncadd.s32 $0xFFFFE000  }
0x241: {  	v4 =	vld [tilespmem:s0+$0x8280]  }
0x242: {  	v5 =	vld [tilespmem:s0+$0x8290]  }
0x243: {  	v6 =	vld [tilespmem:s0+$0x82A0]  }
0x244: {  	v7 =	vld [tilespmem:s0+$0x82B0]  }
0x245: {  	s16 =	simm.s32 $0x60;
	v8 =	vld [tilespmem:s0+$0x82C0]  }
0x246: {  	v10 =	vmov s16;
	v9 =	vld [tilespmem:s0+$0x82D0]  }
0x247: {  	v11 =	vld [tilespmem:s0+$0x82E0]  }
0x248: {  	v12 =	vld [tilespmem:s0+$0x82F0]  }
0x249: {  	v13 =	vld [tilespmem:s0+$0x8680]  }
0x24a: {  	v14 =	vld [tilespmem:s0+$0x8690]  }
0x24b: {  	v10 =	vld.idx.msk [tilespmem:v10+s23+$0x0], $0xffff  }
0x24c: {  	v15 =	vld [tilespmem:s0+$0x86A0]  }
0x24d: {  	v16 =	vld [tilespmem:s0+$0x280]  }
0x24e: {  	v17 =	vld [tilespmem:s0+$0x290]  }
0x24f: {  	v18 =	vld [tilespmem:s0+$0x2A0]  }
0x250: {  	v19 =	vld [tilespmem:s0+$0x2B0]  }
0x251: {  	v20 =	vld [tilespmem:s0+$0x86B0];
	v4 =	vmul.f32 v4, v10  }
0x252: {  	v58 =	vld [tilespmem:s0+$0x2C0];
	v5 =	vmul.f32 v5, v10  }
0x253: {  	v59 =	vld [tilespmem:s0+$0x86D0];
	v6 =	vmul.f32 v6, v10;
	v4 =	vadd.f32 v4, v16  }
0x254: {  	v7 =	vmul.f32 v7, v10;
	v16 =	vld [tilespmem:s0+$0x2D0];
	v5 =	vadd.f32 v5, v17  }
0x255: {  	v61 =	vld [tilespmem:s0+$0x2E0];
	v6 =	vadd.f32 v6, v18;
	v18 =	vmul.f32 $2.000000030e-01, v4  }
0x256: {  	v62 =	vld [tilespmem:s0+$0x6A0];
	v8 =	vmul.f32 v8, v10;
	v7 =	vadd.f32 v7, v19;
	v19 =	vmul.f32 $2.000000030e-01, v5  }
0x257: {  	v9 =	vmul.f32 v9, v10;
	v17 =	vld [tilespmem:s0+$0x86C0];
	v60 =	vmul.f32 $2.000000030e-01, v6;
	v4 =	vmax.f32 v4, v18  }
0x258: {  	v8 =	vadd.f32 v8, v58;
	v18 =	vld [tilespmem:s0+$0x690];
	v5 =	vmax.f32 v5, v19;
	v19 =	vmul.f32 $2.000000030e-01, v7;
	[tilespmem:s0+$0x280] =	vst v4  }
0x259: {  	v11 =	vmul.f32 v11, v10;
	v6 =	vmax.f32 v6, v60;
	v4 =	vld [tilespmem:s0+$0x2F0];
	v9 =	vadd.f32 v9, v16;
	[tilespmem:s0+$0x290] =	vst v5  }
0x25a: {  	v5 =	vld [tilespmem:s0+$0x680];
	[tilespmem:s0+$0x2A0] =	vst v6;
	v6 =	vmul.f32 $2.000000030e-01, v8;
	v7 =	vmax.f32 v7, v19  }
0x25b: {  	v19 =	vld [tilespmem:s0+$0x86E0];
	v16 =	vmul.f32 $2.000000030e-01, v9;
	[tilespmem:s0+$0x2B0] =	vst v7;
	v7 =	vadd.f32 v11, v61  }
0x25c: {  	v12 =	vmul.f32 v12, v10;
	v6 =	vmax.f32 v8, v6;
	v11 =	vld [tilespmem:s0+$0x86F0]  }
0x25d: {  	s14 =	simm.s32 $0x3080;
	s15 =	simm.s32 $0x6100;
	v13 =	vmul.f32 v13, v10;
	[tilespmem:s0+$0x2C0] =	vst v6;
	v8 =	vmax.f32 v9, v16;
	v9 =	vld [tilespmem:s0+$0x6B0];
	v6 =	vmul.f32 $2.000000030e-01, v7  }
0x25e: {  	s16 =	sand.u32 $0x380, s14;
	s17 =	sand.u32 $0x7800, s15;
	v16 =	vld [tilespmem:s0+$0x6D0];
	v4 =	vadd.f32 v12, v4  }
0x25f: {  	s3 =	sor.u32 s16, s17;
	v12 =	vmul.f32 v14, v10;
	v14 =	vld [tilespmem:s0+$0x6F0];
	[tilespmem:s0+$0x2D0] =	vst v8;
	v8 =	vadd.f32 v13, v5;
	v6 =	vmax.f32 v7, v6  }
0x260: {  	v15 =	vmul.f32 v15, v10;
	v5 =	vld [tilespmem:s3+$0x8280];
	v13 =	vmul.f32 $2.000000030e-01, v4;
	[tilespmem:s0+$0x2E0] =	vst v6  }
0x261: {  	v12 =	vadd.f32 v12, v18;
	v6 =	vmul.f32 v20, v10;
	v18 =	vmul.f32 $2.000000030e-01, v8;
	v7 =	vld [tilespmem:s3+$0x8290]  }
0x262: {  	v4 =	vmax.f32 v4, v13;
	v13 =	vadd.f32 v15, v62;
	v15 =	vld [tilespmem:s0+$0x6C0]  }
0x263: {  	v6 =	vadd.f32 v6, v9;
	v9 =	vmax.f32 v8, v18;
	v18 =	vld [tilespmem:s0+$0x6E0];
	[tilespmem:s0+$0x2F0] =	vst v4;
	v4 =	vmul.f32 $2.000000030e-01, v12  }
0x264: {  	v63 =	vmul.f32 v59, v10;
	v20 =	vmul.f32 $2.000000030e-01, v13  }
0x265: {  	v17 =	vmul.f32 v17, v10;
	v11 =	vmul.f32 v11, v10;
	v8 =	vld [tilespmem:s3+$0x82A0];
	[tilespmem:s0+$0x680] =	vst v9;
	v4 =	vmax.f32 v12, v4  }
0x266: {  	v12 =	vmul.f32 $2.000000030e-01, v6;
	v9 =	vld [tilespmem:s3+$0x82B0];
	[tilespmem:s0+$0x690] =	vst v4;
	v4 =	vmax.f32 v13, v20;
	v13 =	vmul.f32 v19, v10  }
0x267: {  	v19 =	vadd.f32 v63, v16;
	v17 =	vadd.f32 v17, v15  }
0x268: {  	v10 =	vld [tilespmem:s3+$0x82C0];
	[tilespmem:s0+$0x6A0] =	vst v4;
	v4 =	vmax.f32 v6, v12;
	v12 =	vadd.f32 v11, v14;
	v13 =	vadd.f32 v13, v18  }
0x269: {  	v11 =	vld [tilespmem:s3+$0x82D0];
	[tilespmem:s0+$0x6B0] =	vst v4;
	v20 =	vmul.f32 $2.000000030e-01, v19;
	v18 =	vmul.f32 $2.000000030e-01, v17  }
0x26a: {  	s17 =	simm.s32 $0x61;
	v4 =	vld [tilespmem:s3+$0x82E0];
	v15 =	vmul.f32 $2.000000030e-01, v12;
	v16 =	vmul.f32 $2.000000030e-01, v13  }
0x26b: {  	s16 =	simm.s32 $0x62;
	v14 =	vmov s17;
	v6 =	vld [tilespmem:s3+$0x82F0];
	v18 =	vmax.f32 v17, v18;
	v17 =	vmax.f32 v19, v20  }
.LBB2_8:
0x26c: {  	p0 =	sne.s32 s16, $0x7F;
	v19 =	vld [tilespmem:s3+$0x8680];
	[tilespmem:s0+$0x6C0] =	vst v18;
	v13 =	vmax.f32 v13, v16;
	v12 =	vmax.f32 v12, v15  }
0x26d: {  	v15 =	vld [tilespmem:s3+$0x8690];
	[tilespmem:s0+$0x6D0] =	vst v17  }
0x26e: {  	v16 =	vld [tilespmem:s3+$0x86A0];
	[tilespmem:s0+$0x6E0] =	vst v13  }
0x26f: {  	v13 =	vld [tilespmem:s3+$0x86B0];
	[tilespmem:s0+$0x6F0] =	vst v12;
	s0 =	smov.u32 s3  }
0x270: {  	v12 =	vld.idx.msk [tilespmem:v14+s23+$0x0], $0xffff  }
0x271: {  	v14 =	vld [tilespmem:s0+$0x2B0]  }
0x272: {  	v17 =	vld [tilespmem:s0+$0x290]  }
0x273: {  	v18 =	vld [tilespmem:s0+$0x280]  }
0x274: {  	v20 =	vld [tilespmem:s0+$0x2A0]  }
0x275: {  	v21 =	vld [tilespmem:s0+$0x2C0]  }
0x276: {  	v5 =	vmul.f32 v5, v12;
	v7 =	vmul.f32 v7, v12;
	v22 =	vld [tilespmem:s0+$0x2D0]  }
0x277: {  	v8 =	vmul.f32 v8, v12;
	v9 =	vmul.f32 v9, v12;
	v23 =	vld [tilespmem:s0+$0x86C0]  }
0x278: {  	v10 =	vmul.f32 v10, v12;
	v7 =	vadd.f32 v7, v17;
	v5 =	vadd.f32 v5, v18;
	v17 =	vld [tilespmem:s0+$0x86D0]  }
0x279: {  	v11 =	vmul.f32 v11, v12;
	v9 =	vadd.f32 v9, v14;
	v8 =	vadd.f32 v8, v20;
	v14 =	vld [tilespmem:s0+$0x690]  }
0x27a: {  	v20 =	vmul.f32 $2.000000030e-01, v7;
	v18 =	vmul.f32 $2.000000030e-01, v5;
	v10 =	vadd.f32 v10, v21;
	v21 =	vld [tilespmem:s0+$0x2F0]  }
0x27b: {  	v25 =	vmul.f32 $2.000000030e-01, v9;
	v24 =	vmul.f32 $2.000000030e-01, v8;
	v11 =	vadd.f32 v11, v22;
	v22 =	vld [tilespmem:s0+$0x2E0]  }
0x27c: {  	v7 =	vmax.f32 v7, v20;
	v5 =	vmax.f32 v5, v18;
	v18 =	vmul.f32 $2.000000030e-01, v10;
	v20 =	vld [tilespmem:s0+$0x680]  }
0x27d: {  	[tilespmem:s0+$0x280] =	vst v5;
	v5 =	vmax.f32 v8, v24;
	v8 =	vmax.f32 v9, v25;
	v9 =	vmul.f32 $2.000000030e-01, v11;
	v24 =	vld [tilespmem:s0+$0x6A0]  }
0x27e: {  	v4 =	vmul.f32 v4, v12;
	v6 =	vmul.f32 v6, v12;
	[tilespmem:s0+$0x290] =	vst v7;
	v7 =	vmax.f32 v10, v18;
	v10 =	vld [tilespmem:s0+$0x6B0]  }
0x27f: {  	[tilespmem:s0+$0x2A0] =	vst v5;
	v5 =	vmax.f32 v11, v9;
	v9 =	vmul.f32 v19, v12;
	v11 =	vmul.f32 v15, v12;
	v15 =	vld [tilespmem:s0+$0x86E0]  }
0x280: {  	v6 =	vadd.f32 v6, v21;
	[tilespmem:s0+$0x2B0] =	vst v8;
	v4 =	vadd.f32 v4, v22;
	v8 =	vmul.f32 v16, v12;
	v16 =	vld [tilespmem:s0+$0x86F0]  }
0x281: {  	[tilespmem:s0+$0x2C0] =	vst v7;
	v7 =	vadd.f32 v9, v20;
	v9 =	vadd.f32 v11, v14;
	v11 =	vmul.f32 v13, v12;
	v14 =	vld [tilespmem:s0+$0x6F0]  }
0x282: {  	s14 =	sadd.s32 $0x80, s14;
	s15 =	sadd.s32 $0x100, s15;
	v13 =	vmul.f32 $2.000000030e-01, v6;
	[tilespmem:s0+$0x2D0] =	vst v5;
	v5 =	vmul.f32 $2.000000030e-01, v4;
	v8 =	vadd.f32 v8, v24;
	v18 =	vld [tilespmem:s0+$0x6D0]  }
0x283: {  	s17 =	sand.u32 $0x380, s14;
	s3 =	sand.u32 $0x7800, s15;
	v19 =	vmul.f32 $2.000000030e-01, v7;
	v20 =	vmul.f32 $2.000000030e-01, v9;
	v10 =	vadd.f32 v11, v10;
	v11 =	vld [tilespmem:s0+$0x6C0]  }
0x284: {  	s3 =	sor.u32 s17, s3;
	v6 =	vmax.f32 v6, v13;
	v4 =	vmax.f32 v4, v5;
	v13 =	vmul.f32 $2.000000030e-01, v8;
	v21 =	vld [tilespmem:s0+$0x6E0]  }
0x285: {  	v5 =	vld [tilespmem:s3+$0x8280];
	[tilespmem:s0+$0x2E0] =	vst v4;
	v4 =	vmax.f32 v7, v19;
	v19 =	vmax.f32 v9, v20;
	v9 =	vmul.f32 $2.000000030e-01, v10  }
0x286: {  	v17 =	vmul.f32 v17, v12;
	v7 =	vld [tilespmem:s3+$0x8290];
	[tilespmem:s0+$0x2F0] =	vst v6;
	v6 =	vmax.f32 v8, v13;
	v13 =	vmul.f32 v23, v12  }
0x287: {  	v15 =	vmul.f32 v15, v12;
	v12 =	vmul.f32 v16, v12;
	v8 =	vld [tilespmem:s3+$0x82A0];
	[tilespmem:s0+$0x680] =	vst v4;
	v4 =	vmax.f32 v10, v9  }
.Ltmp3:
0x288: {  	v17 =	vadd.f32 v17, v18;
	v9 =	vld [tilespmem:s3+$0x82B0];
	[tilespmem:s0+$0x690] =	vst v19;
	v19 =	vadd.f32 v13, v11;
	(pc) =	sbr.rel @p0 .LBB2_8-.Ltmp3, $4  }
0x289: {  	v12 =	vadd.f32 v12, v14;
	v10 =	vld [tilespmem:s3+$0x82C0];
	[tilespmem:s0+$0x6A0] =	vst v6;
	v13 =	vadd.f32 v15, v21  }
0x28a: {  	v20 =	vmul.f32 $2.000000030e-01, v17;
	v11 =	vld [tilespmem:s3+$0x82D0];
	[tilespmem:s0+$0x6B0] =	vst v4;
	v18 =	vmul.f32 $2.000000030e-01, v19  }
0x28b: {  	v15 =	vmul.f32 $2.000000030e-01, v12;
	v4 =	vld [tilespmem:s3+$0x82E0];
	v16 =	vmul.f32 $2.000000030e-01, v13  }
0x28c: {  	v14 =	vmov s16;
	s16 =	sadd.s32 $0x1, s16;
	v17 =	vmax.f32 v17, v20;
	v6 =	vld [tilespmem:s3+$0x82F0];
	v18 =	vmax.f32 v19, v18  }
0x28d: {  	v19 =	vld [tilespmem:s3+$0x8680];
	[tilespmem:s0+$0x6C0] =	vst v18  }
0x28e: {  	v13 =	vmax.f32 v13, v16;
	v18 =	vld [tilespmem:s3+$0x8690];
	[tilespmem:s0+$0x6D0] =	vst v17  }
0x28f: {  	v12 =	vmax.f32 v12, v15;
	v63 =	vld [tilespmem:s3+$0x86A0];
	[tilespmem:s0+$0x6E0] =	vst v13  }
0x290: {  	v13 =	vld [tilespmem:s3+$0x86B0];
	[tilespmem:s0+$0x6F0] =	vst v12  }
0x291: {  	v12 =	vld.idx.msk [tilespmem:v14+s23+$0x0], $0xffff  }
0x292: {  	v28 =	vld [tilespmem:s3+$0x2B0]  }
0x293: {  	v29 =	vld [tilespmem:s3+$0x280]  }
0x294: {  	v30 =	vld [tilespmem:s3+$0x290]  }
0x295: {  	v20 =	vld [tilespmem:s3+$0x2A0]  }
0x296: {  	v21 =	vld [tilespmem:s3+$0x2C0];
	v5 =	vmul.f32 v5, v12  }
0x297: {  	v23 =	vld [tilespmem:s3+$0x86C0];
	v7 =	vmul.f32 v7, v12;
	v8 =	vmul.f32 v8, v12  }
0x298: {  	v42 =	vld [tilespmem:s3+$0x86E0];
	v9 =	vmul.f32 v9, v12;
	v10 =	vmul.f32 v10, v12  }
0x299: {  	v22 =	vld [tilespmem:s3+$0x2D0];
	v11 =	vmul.f32 v11, v12;
	v4 =	vmul.f32 v4, v12  }
0x29a: {  	v25 =	vld [tilespmem:s3+$0x2E0];
	v6 =	vmul.f32 v6, v12;
	v43 =	vmul.f32 v19, v12  }
0x29b: {  	v24 =	vld [tilespmem:s3+$0x2F0];
	v44 =	vmul.f32 v18, v12;
	v45 =	vmul.f32 v63, v12  }
0x29c: {  	v41 =	vld [tilespmem:s3+$0x6B0];
	v13 =	vmul.f32 v13, v12;
	v54 =	vmul.f32 v23, v12;
	v5 =	vadd.f32 v5, v29  }
0x29d: {  	v57 =	vmul.f32 v42, v12;
	v7 =	vadd.f32 v7, v30;
	v8 =	vadd.f32 v8, v20  }
0x29e: {  	v47 =	vld [tilespmem:s3+$0x6C0];
	v9 =	vadd.f32 v9, v28;
	v10 =	vadd.f32 v10, v21;
	v33 =	vmul.f32 $2.000000030e-01, v5  }
0x29f: {  	v37 =	vld [tilespmem:s3+$0x680];
	v11 =	vadd.f32 v11, v22;
	v4 =	vadd.f32 v4, v25;
	v34 =	vmul.f32 $2.000000030e-01, v7  }
0x2a0: {  	v32 =	vld [tilespmem:s3+$0x690];
	v6 =	vadd.f32 v6, v24;
	v35 =	vmul.f32 $2.000000030e-01, v8;
	v5 =	vmax.f32 v5, v33  }
0x2a1: {  	v38 =	vld [tilespmem:s3+$0x6A0];
	v13 =	vadd.f32 v13, v41;
	v36 =	vmul.f32 $2.000000030e-01, v9;
	v7 =	vmax.f32 v7, v34;
	[tilespmem:s3+$0x280] =	vst v5  }
0x2a2: {  	v31 =	vld [tilespmem:s3+$0x86D0];
	v40 =	vmul.f32 $2.000000030e-01, v11;
	v8 =	vmax.f32 v8, v35;
	v5 =	vmul.f32 $2.000000030e-01, v10;
	[tilespmem:s3+$0x290] =	vst v7  }
0x2a3: {  	v52 =	vld [tilespmem:s3+$0x6E0];
	v58 =	vadd.f32 v54, v47;
	v48 =	vmul.f32 $2.000000030e-01, v4;
	v39 =	vmax.f32 v9, v36;
	[tilespmem:s3+$0x2A0] =	vst v8  }
0x2a4: {  	v46 =	vld [tilespmem:s3+$0x86F0];
	v9 =	vmax.f32 v11, v40;
	[tilespmem:s3+$0x2B0] =	vst v39;
	v5 =	vmax.f32 v10, v5;
	v10 =	vadd.f32 v43, v37  }
0x2a5: {  	v50 =	vld [tilespmem:s3+$0x6D0];
	v49 =	vmul.f32 $2.000000030e-01, v6;
	v59 =	vmul.f32 $2.000000030e-01, v13;
	[tilespmem:s3+$0x2D0] =	vst v9  }
0x2a6: {  	v53 =	vld [tilespmem:s3+$0x6F0];
	v60 =	vmul.f32 $2.000000030e-01, v58;
	v4 =	vmax.f32 v4, v48;
	[tilespmem:s3+$0x2C0] =	vst v5;
	v5 =	vmul.f32 $2.000000030e-01, v10  }
0x2a7: {  	v11 =	vadd.f32 v44, v32;
	v6 =	vmax.f32 v6, v49;
	v7 =	vadd.f32 v45, v38;
	[tilespmem:s3+$0x2E0] =	vst v4  }
0x2a8: {  	[tilespmem:s3+$0x2F0] =	vst v6;
	v6 =	vadd.f32 v57, v52;
	v4 =	vmax.f32 v10, v5;
	v5 =	vmul.f32 v31, v12  }
0x2a9: {  	v9 =	vmax.f32 v13, v59;
	v51 =	vmul.f32 $2.000000030e-01, v11;
	[tilespmem:s3+$0x680] =	vst v4;
	v4 =	vmul.f32 v46, v12  }
0x2aa: {  	v8 =	vmax.f32 v58, v60;
	[tilespmem:s3+$0x6B0] =	vst v9;
	v55 =	vmul.f32 $2.000000030e-01, v7;
	v5 =	vadd.f32 v5, v50  }
0x2ab: {  	[tilespmem:s3+$0x6C0] =	vst v8;
	v62 =	vmul.f32 $2.000000030e-01, v6;
	v56 =	vmax.f32 v11, v51;
	v4 =	vadd.f32 v4, v53  }
0x2ac: {  	v7 =	vmax.f32 v7, v55;
	[tilespmem:s3+$0x690] =	vst v56;
	v61 =	vmul.f32 $2.000000030e-01, v5  }
0x2ad: {  	v6 =	vmax.f32 v6, v62;
	[tilespmem:s3+$0x6A0] =	vst v7;
	v63 =	vmul.f32 $2.000000030e-01, v4  }
0x2ae: {  	[tilespmem:s3+$0x6E0] =	vst v6;
	v5 =	vmax.f32 v5, v61  }
0x2af: {  	[tilespmem:s3+$0x6D0] =	vst v5;
	v4 =	vmax.f32 v4, v63  }
0x2b0: {  	[tilespmem:s3+$0x6F0] =	vst v4  }
0x2b1: {  	v4 =	vld [tilespmem:$0x60];
	_ =	sdelay $0x4  }
0x2b2: {  	v5 =	vshll.u32 v4, $0x1  }
0x2b3: {  	v4 =	vand.u32 $0x7, v4;
	v5 =	vand.u32 $0xFFFFFFF0, v5  }
0x2b4: {  	v4 =	vor.u32 v4, v5  }
0x2b5: {  	v5 =	vperm.xlane v4, v0;
	_ =	sdelay $0x1  }
0x2b6: {  	v4 =	vperm.xlane v4, v2;
	v5 =	vadd.s32 v1, v5;
	_ =	sdelay $0x1  }
0x2b7: {  	v4 =	vadd.s32 v1, v4;
	_ =	sdelay $0x1  }
0x2b8: {  	s15 =	simm.s32 $0x6280  }
0x2b9: {  	[hbm4b:s1+s2] =	stream.indirect_vreg.scatter [tilespmem:s15], [sflag:$0x3], $0x80, v5, vm0, $0xb8;
	[tilespmem:$0x10280] =	vst v63  }
0x2ba: {  	s16 =	simm.s32 $0x6A80  }
0x2bb: {  	[hbm4b:s1+s2] =	stream.indirect_vreg.scatter [tilespmem:s16], [sflag:$0x3], $0x80, v4, vm0, $0xb8;
	[tilespmem:$0x10280] =	vst v63  }
0x2bc: {  	v4 =	vld [tilespmem:$0x70];
	_ =	sdelay $0x4  }
0x2bd: {  	v5 =	vshll.u32 v4, $0x1  }
0x2be: {  	v4 =	vand.u32 $0x7, v4;
	v5 =	vand.u32 $0xFFFFFFF0, v5  }
0x2bf: {  	v4 =	vor.u32 v4, v5  }
0x2c0: {  	v5 =	vperm.xlane v4, v0;
	_ =	sdelay $0x1  }
0x2c1: {  	v4 =	vperm.xlane v4, v2;
	v5 =	vadd.s32 v1, v5;
	_ =	sdelay $0x1  }
0x2c2: {  	v4 =	vadd.s32 v1, v4;
	_ =	sdelay $0x1  }
0x2c3: {  	s17 =	simm.s32 $0x7280  }
0x2c4: {  	[hbm4b:s1+s2] =	stream.indirect_vreg.scatter [tilespmem:s17], [sflag:$0x3], $0x80, v5, vm0, $0xb8;
	[tilespmem:$0x10280] =	vst v63  }
0x2c5: {  	_ = 	snop  }
0x2c6: {  	[hbm4b:s1+s2] =	stream.indirect_vreg.scatter [tilespmem:s18], [sflag:$0x3], $0x80, v4, vm0, $0xb8;
	[tilespmem:$0x10280] =	vst v63  }
0x2c7: {  	_ =	swait.ge [sflag:s30], $0x2000  }
0x2c8: {  	[sflag:s30] =	ssyncset.done $0x0  }
0x2c9: {  	[sflag:s30] =	ssyncadd.s32 $0xFFFFE000  }
0x2ca: {  	_ =	swait.ge [sflag:s30], $0x2000  }
0x2cb: {  	[sflag:s30] =	ssyncset.done $0x0  }
0x2cc: {  	s31 =	sadd.s32 $0x1, s31;
	[sflag:s30] =	ssyncadd.s32 $0xFFFFE000  }
0x2cd: {  	p0 =	sne.s32 s31, s13;
	_ =	swait.ge [sflag:s30], $0x2000  }
.Ltmp4:
0x2ce: {  	[sflag:s30] =	ssyncset.done $0x0;
	(pc) =	sbr.rel @p0 .LBB2_1-.Ltmp4, $4  }
0x2cf: {  	[sflag:s30] =	ssyncadd.s32 $0xFFFFE000  }
0x2d0: {  	_ =	swait.ge [sflag:s30], $0x2000  }
0x2d1: {  	[sflag:s30] =	ssyncset.done $0x0  }
0x2d2: {  	[sflag:s30] =	ssyncadd.s32 $0xFFFFE000  }
0x2d3: {  	_ =	sfence.sel $0x180000  }
0x2d4: {  	[bflag:$0x0] =	sbarrier.arrive $0xFFFF  }
0x2d5: {  	_ =	strace $0x90000047  }
0x2d6: {  	s0 =	stileid.u32;
	[bflag:$0x2] =	sbarrier.arrive $0xFFFF  }
0x2d7: {  	p0 =	sne.s32 s0, $0x0;
	s0 =	rddreg [dreg:$0x2]  }
0x2d8: {  	s0 =	sadd.s32 @!p0 $0x100000, s0  }
0x2d9: {  	[sflag:s0] =	ssyncadd.tile.s32 @!p0 $0x1;
	_ =	shalt  }
.Lfunc_end2:
_tile_overlayer_lowered:
.L_overlay_start_2:
0x2da: {  	(tag) =	ssettag $0x2  }
0x2db: {  	s0 =	rddreg [dreg:$0x0];
	s2 =	stileid.u32  }
0x2dc: {  	s1 =	rddreg [dreg:$0x1];
	p0 =	sne.s32 s2, $0x0  }
0x2dd: {  	s3 =	rddreg [dreg:$0x2];
	[bflag:$0x3] =	sbarrier.arrive $0xFFFF;
	s2 =	simm.s32 @!p0 $0x1C0C  }
0x2de: {  	[timem:s3], [sflag:s2] =	dma.local @!p0 [hbm:s0], s1  }
0x2df: {  	s0 =	simm.s32 @!p0 $0xC  }
0x2e0: {  	_ =	swait.ge @!p0 [sflag:s0], s1  }
0x2e1: {  	s1 =	ssub.s32 @!p0 $0x0, s1;
	[sflag:s0] =	ssyncset.done @!p0 $0x0  }
0x2e2: {  	[sflag:s0] =	ssyncadd.s32 @!p0 s1  }
0x2e3: {  	[bflag:$0x3] =	sbarrier.arrive $0xFFFF  }
0x2e4: {  	_ =	shalt  }

</sc_bundles>
